<compile_context>
chip_gen: v7x
topology: tpu7x:2x2x1
jax: 0.10.2.dev20260603
libtpu: 0.0.44.dev20260713+nightly
codegen_flags: <defaults>
</compile_context>

<pallas_src>
import functools

import jax
import jax.numpy as jnp
from jax import lax
from jax.experimental import pallas as pl
from jax.experimental.pallas import tpu as pltpu, tpu_sc as plsc

N_NODES = 10000
N_EDGES = 320000
D = 128

NC = 2
NS = 16
NW = NC * NS
CHUNK = 128
NCHUNK = -(-N_EDGES // (NW * CHUNK))
EPW = NCHUNK * CHUNK
E_PAD = NW * EPW
N_PAD = 10240
ROWS_PER_TILE = N_PAD // NS

_mesh = plsc.VectorSubcoreMesh(core_axis_name="c", subcore_axis_name="s")


@functools.partial(
    pl.kernel,
    out_type=jax.ShapeDtypeStruct((NC, N_PAD), jnp.float32),
    mesh=_mesh,
    scratch_types=[
        pltpu.VMEM((EPW,), jnp.int32),
        pltpu.VMEM((EPW,), jnp.float32),
        pltpu.VMEM((N_PAD,), jnp.float32),
        pltpu.VMEM((NS, ROWS_PER_TILE), jnp.float32),
        pltpu.VMEM((ROWS_PER_TILE,), jnp.float32),
        pltpu.VMEM_SHARED((NS, N_PAD), jnp.float32),
    ],
    compiler_params=pltpu.CompilerParams(needs_layout_passes=False),
)
def _deg_kernel(dst_hbm, ew_hbm, out_hbm, dst_v, ew_v, hist, red, res, stage):
    c = lax.axis_index("c")
    s = lax.axis_index("s")
    w = s * NC + c

    zeros16 = jnp.zeros((16,), jnp.float32)

    def zero_body(t, carry):
        hist[pl.ds(t * 16, 16)] = zeros16
        return carry

    lax.fori_loop(0, N_PAD // 16, zero_body, 0)

    pltpu.sync_copy(dst_hbm.at[pl.ds(w * EPW, EPW)], dst_v)
    pltpu.sync_copy(ew_hbm.at[pl.ds(w * EPW, EPW)], ew_v)

    def scat_body(t, carry):
        idx = dst_v[pl.ds(t * 16, 16)]
        vals = ew_v[pl.ds(t * 16, 16)]
        plsc.addupdate_scatter(hist, [idx], vals)
        return carry

    lax.fori_loop(0, EPW // 16, scat_body, 0)

    pltpu.sync_copy(hist, stage.at[s])
    plsc.subcore_barrier()
    for r in range(NS):
        pltpu.sync_copy(stage.at[r, pl.ds(s * ROWS_PER_TILE, ROWS_PER_TILE)],
                        red.at[r])

    def red_body(t, carry):
        acc = red[0, pl.ds(t * 16, 16)]
        for r in range(1, NS):
            acc = acc + red[r, pl.ds(t * 16, 16)]
        res[pl.ds(t * 16, 16)] = acc
        return carry

    lax.fori_loop(0, ROWS_PER_TILE // 16, red_body, 0)
    pltpu.sync_copy(res, out_hbm.at[c, pl.ds(s * ROWS_PER_TILE, ROWS_PER_TILE)])


@functools.partial(
    pl.kernel,
    out_type=jax.ShapeDtypeStruct((NC, N_PAD, D), jnp.float32),
    mesh=_mesh,
    scratch_types=[
        pltpu.VMEM((NCHUNK, CHUNK), jnp.int32),
        pltpu.VMEM((NCHUNK, CHUNK), jnp.int32),
        pltpu.VMEM((EPW,), jnp.float32),
        pltpu.VMEM((CHUNK, D), jnp.float32),
        pltpu.VMEM_SHARED((N_PAD, D), jnp.float32),
    ],
    compiler_params=pltpu.CompilerParams(needs_layout_passes=False),
)
def _agg_kernel(g_hbm, src_hbm, dst_hbm, ew_hbm, zeros_hbm, out_hbm,
                src_c, dst_c, ew_v, rows, acc):
    c = lax.axis_index("c")
    s = lax.axis_index("s")
    w = s * NC + c

    pltpu.sync_copy(zeros_hbm, acc.at[pl.ds(s * ROWS_PER_TILE, ROWS_PER_TILE)])

    pltpu.sync_copy(src_hbm.at[w], src_c)
    pltpu.sync_copy(dst_hbm.at[w], dst_c)
    pltpu.sync_copy(ew_hbm.at[pl.ds(w * EPW, EPW)], ew_v)
    plsc.subcore_barrier()

    def chunk_body(j, carry):
        pltpu.sync_copy(g_hbm.at[src_c.at[j]], rows)

        def row_body(r, carry2):
            ewb = plsc.load_gather(ew_v, [jnp.full((16,), j * CHUNK + r,
                                                   jnp.int32)])
            for k in range(D // 16):
                sl = pl.ds(k * 16, 16)
                rows[r, sl] = rows[r, sl] * ewb
            return carry2

        lax.fori_loop(0, CHUNK, row_body, 0)
        pltpu.sync_copy(rows, acc.at[dst_c.at[j]], add=True)
        return carry

    lax.fori_loop(0, NCHUNK, chunk_body, 0)

    plsc.subcore_barrier()
    pltpu.sync_copy(acc.at[pl.ds(s * ROWS_PER_TILE, ROWS_PER_TILE)],
                    out_hbm.at[c, pl.ds(s * ROWS_PER_TILE, ROWS_PER_TILE)])


_BLK = 1024


def _tc1_body(x_ref, w_ref, degp_ref, g_ref, dis_ref):
    h = jnp.dot(x_ref[...], w_ref[...], preferred_element_type=jnp.float32)
    deg = degp_ref[:, 0:1] + degp_ref[:, 1:2] + 1.0
    dis = lax.rsqrt(deg)
    g_ref[...] = h * dis
    dis_ref[...] = dis


def _tc1(x_pad, W1, degp_t):
    grid = (N_PAD // _BLK,)
    return pl.pallas_call(
        _tc1_body,
        grid=grid,
        in_specs=[
            pl.BlockSpec((_BLK, D), lambda i: (i, 0)),
            pl.BlockSpec((D, D), lambda i: (0, 0)),
            pl.BlockSpec((_BLK, NC), lambda i: (i, 0)),
        ],
        out_specs=[
            pl.BlockSpec((_BLK, D), lambda i: (i, 0)),
            pl.BlockSpec((_BLK, 1), lambda i: (i, 0)),
        ],
        out_shape=[
            jax.ShapeDtypeStruct((N_PAD, D), jnp.float32),
            jax.ShapeDtypeStruct((N_PAD, 1), jnp.float32),
        ],
    )(x_pad, W1, degp_t)


def _tc2_body(a0_ref, a1_ref, g1_ref, dis_ref, b1_ref, w2_ref, g2_ref):
    tot = a0_ref[...] + a1_ref[...] + g1_ref[...]
    z = jnp.maximum(tot * dis_ref[...] + b1_ref[...], 0.0)
    h2 = jnp.dot(z, w2_ref[...], preferred_element_type=jnp.float32)
    g2_ref[...] = h2 * dis_ref[...]


def _tc2(a0, a1, g1, dis, b1, W2):
    grid = (N_PAD // _BLK,)
    return pl.pallas_call(
        _tc2_body,
        grid=grid,
        in_specs=[
            pl.BlockSpec((_BLK, D), lambda i: (i, 0)),
            pl.BlockSpec((_BLK, D), lambda i: (i, 0)),
            pl.BlockSpec((_BLK, D), lambda i: (i, 0)),
            pl.BlockSpec((_BLK, 1), lambda i: (i, 0)),
            pl.BlockSpec((1, D), lambda i: (0, 0)),
            pl.BlockSpec((D, D), lambda i: (0, 0)),
        ],
        out_specs=pl.BlockSpec((_BLK, D), lambda i: (i, 0)),
        out_shape=jax.ShapeDtypeStruct((N_PAD, D), jnp.float32),
    )(a0, a1, g1, dis, b1, W2)


def _tc3_body(a0_ref, a1_ref, g2_ref, dis_ref, b2_ref, out_ref):
    tot = a0_ref[...] + a1_ref[...] + g2_ref[...]
    out_ref[...] = tot * dis_ref[...] + b2_ref[...]


def _tc3(a0, a1, g2, dis, b2):
    grid = (N_PAD // _BLK,)
    return pl.pallas_call(
        _tc3_body,
        grid=grid,
        in_specs=[
            pl.BlockSpec((_BLK, D), lambda i: (i, 0)),
            pl.BlockSpec((_BLK, D), lambda i: (i, 0)),
            pl.BlockSpec((_BLK, D), lambda i: (i, 0)),
            pl.BlockSpec((_BLK, 1), lambda i: (i, 0)),
            pl.BlockSpec((1, D), lambda i: (0, 0)),
        ],
        out_specs=pl.BlockSpec((_BLK, D), lambda i: (i, 0)),
        out_shape=jax.ShapeDtypeStruct((N_PAD, D), jnp.float32),
    )(a0, a1, g2, dis, b2)


def kernel(x, edge_index, edge_weight, W1, b1, W2, b2):
    src = edge_index[0].astype(jnp.int32)
    dst = edge_index[1].astype(jnp.int32)
    ew = edge_weight.astype(jnp.float32)

    pad_e = E_PAD - N_EDGES
    src_p = jnp.pad(src, (0, pad_e))
    dst_p = jnp.pad(dst, (0, pad_e))
    ew_p = jnp.pad(ew, (0, pad_e))
    src3 = src_p.reshape(NW, NCHUNK, CHUNK)
    dst3 = dst_p.reshape(NW, NCHUNK, CHUNK)

    x_pad = jnp.pad(x, ((0, N_PAD - N_NODES), (0, 0)))
    zeros_blk = jnp.zeros((ROWS_PER_TILE, D), jnp.float32)

    degp = _deg_kernel(dst_p, ew_p)
    g1, dis = _tc1(x_pad, W1, degp.T)
    acc1 = _agg_kernel(g1, src3, dst3, ew_p, zeros_blk)
    g2 = _tc2(acc1[0], acc1[1], g1, dis, b1.reshape(1, D), W2)
    acc2 = _agg_kernel(g2, src3, dst3, ew_p, zeros_blk)
    out = _tc3(acc2[0], acc2[1], g2, dis, b2.reshape(1, D))
    return out[:N_NODES]

# --- scband reference (transcript-rebuilt; emitter-appended) ---
"""Pipeline reference for scband-gcnwh-12232066859465 (READ-ONLY COPY).

The authoritative reference and input builder live on the scoring server;
editing this copy changes nothing except your own understanding.
"""

import jax, jax.numpy as jnp
import numpy as np

N_NODES = 10000
N_EDGES = 320000
D_IN = 128
D_HID = 128
D_OUT = 128


def setup_inputs(seed: int = 0) -> dict:
    key = jax.random.key(seed)
    k1, k2, k3, k4, k5, k6, k7 = jax.random.split(key, 7)
    x = jax.random.normal(k1, (N_NODES, D_IN), dtype=jnp.float32)
    edge_index = jax.random.randint(k2, (2, N_EDGES), 0, N_NODES, dtype=jnp.int64)
    edge_weight = jax.random.uniform(k3, (N_EDGES,), dtype=jnp.float32)
    # learned parameters (glorot-style init for weights, zeros for bias)
    W1 = jax.random.normal(k4, (D_IN, D_HID), dtype=jnp.float32) * (1.0 / np.sqrt(D_IN))
    b1 = jnp.zeros((D_HID,), dtype=jnp.float32)
    W2 = jax.random.normal(k5, (D_HID, D_OUT), dtype=jnp.float32) * (1.0 / np.sqrt(D_HID))
    b2 = jnp.zeros((D_OUT,), dtype=jnp.float32)
    return {"x": x, "edge_index": edge_index, "edge_weight": edge_weight,
            "W1": W1, "b1": b1, "W2": W2, "b2": b2}


def _gcn_conv(x, edge_index, edge_weight, W, b):
    # Faithful GCNConv: linear transform, add self-loops (weight 1),
    # symmetric normalization deg^-1/2 * A_hat * deg^-1/2, scatter-add aggregation, bias.
    N = x.shape[0]
    src = edge_index[0]
    dst = edge_index[1]
    loop = jnp.arange(N, dtype=src.dtype)
    src = jnp.concatenate([src, loop])
    dst = jnp.concatenate([dst, loop])
    ew = jnp.concatenate([edge_weight, jnp.ones((N,), dtype=x.dtype)])
    deg = jax.ops.segment_sum(ew, dst, num_segments=N)
    deg_inv_sqrt = jnp.where(deg > 0, deg ** -0.5, 0.0)
    norm = deg_inv_sqrt[src] * ew * deg_inv_sqrt[dst]
    h = x @ W
    msg = h[src] * norm[:, None]
    out = jax.ops.segment_sum(msg, dst, num_segments=N)
    return out + b


def reference(x, edge_index, edge_weight, W1, b1, W2, b2):
    h = _gcn_conv(x, edge_index, edge_weight, W1, b1)
    h = jax.nn.relu(h)
    # F.dropout(training=self.training) is identity in eval mode
    out = _gcn_conv(h, edge_index, edge_weight, W2, b2)
    return out

if __name__ == "__main__":
    import jax
    _d = setup_inputs()
    print(jax.jit(kernel)(*tuple(_d.values())))

</pallas_src>

<mosaic_0001>
#map = affine_map<(d0, d1) -> (0, 0)>
#map1 = affine_map<(d0, d1) -> (0, 0, 0)>
#map2 = affine_map<(d0, d1) -> (0)>
module attributes {stable_mosaic.version = 14 : i64} {
  func.func @_agg_kernel(%arg0: i32, %arg1: i32, %arg2: memref<10240x128xf32, #tpu.memory_space<hbm>>, %arg3: memref<32x79x128xi32, #tpu.memory_space<hbm>>, %arg4: memref<32x79x128xi32, #tpu.memory_space<hbm>>, %arg5: memref<323584xf32, #tpu.memory_space<hbm>>, %arg6: memref<640x128xf32, #tpu.memory_space<hbm>>, %arg7: memref<2x10240x128xf32, #tpu.memory_space<hbm>>, %arg8: memref<79x128xi32, #tpu.memory_space<vmem>>, %arg9: memref<79x128xi32, #tpu.memory_space<vmem>>, %arg10: memref<10112xf32, #tpu.memory_space<vmem>>, %arg11: memref<128x128xf32, #tpu.memory_space<vmem>>, %arg12: memref<10240x128xf32, #tpu.memory_space<vmem_shared>>) attributes {dimension_semantics = [#tpu.dimension_semantics<core_parallel>, #tpu.dimension_semantics<subcore_parallel>], iteration_bounds = array<i64: 2, 16>, scalar_prefetch = 0 : i64, scratch_operands = 5 : i64, tpu.core_type = #tpu.core_type<sc_vector_subcore>, window_params = [{transform_indices = #map}, {transform_indices = #map1}, {transform_indices = #map1}, {transform_indices = #map2}, {transform_indices = #map}, {transform_indices = #map1}]} {
    %mul3A = arith.constant 2 : i32
    %mul3A_0 = arith.muli %arg1, %mul3A : i32
    %add3A = arith.addi %mul3A_0, %arg0 : i32
    %mul3A_1 = arith.constant 640 : i32
    %mul3A_2 = arith.muli %arg1, %mul3A_1 : i32
    "tpu.region"() ({
      %run_scoped3A = tpu.sem_alloc : memref<!tpu.dma_semaphore, #tpu.memory_space<semaphore_mem>>
      %dma_start3A = arith.constant 0 : i32
      %dma_start3A_15 = tpu.memref_slice %arg12[%mul3A_2, %dma_start3A] : memref<10240x128xf32, #tpu.memory_space<vmem_shared>> -> memref<640x128xf32, #tpu.memory_space<vmem_shared>>
      tpu.enqueue_dma source(%arg6 : memref<640x128xf32, #tpu.memory_space<hbm>>) target(%dma_start3A_15 : memref<640x128xf32, #tpu.memory_space<vmem_shared>>) target_semaphore(%run_scoped3A : memref<!tpu.dma_semaphore, #tpu.memory_space<semaphore_mem>>)
      %dma_wait3A = arith.constant 0 : i32
      %dma_wait3A_16 = tpu.memref_slice %arg12[%mul3A_2, %dma_wait3A] : memref<10240x128xf32, #tpu.memory_space<vmem_shared>> -> memref<640x128xf32, #tpu.memory_space<vmem_shared>>
      tpu.wait_dma2 semaphore(%run_scoped3A : memref<!tpu.dma_semaphore, #tpu.memory_space<semaphore_mem>>) src(%arg6 : memref<640x128xf32, #tpu.memory_space<hbm>>) dst(%dma_wait3A_16 : memref<640x128xf32, #tpu.memory_space<vmem_shared>>)
      tpu.yield
    }) : () -> ()
    "tpu.region"() ({
      %run_scoped3A = tpu.sem_alloc : memref<!tpu.dma_semaphore, #tpu.memory_space<semaphore_mem>>
      %dma_start3A = arith.constant 0 : i32
      %dma_start3A_15 = arith.constant 0 : i32
      %dma_start3A_16 = tpu.memref_slice %arg3[%add3A, %dma_start3A, %dma_start3A_15] : memref<32x79x128xi32, #tpu.memory_space<hbm>> -> memref<1x79x128xi32, #tpu.memory_space<hbm>>
      %dma_start3A_17 = tpu.memref_squeeze %dma_start3A_16 : memref<1x79x128xi32, #tpu.memory_space<hbm>> -> memref<79x128xi32, #tpu.memory_space<hbm>>
      %dma_start3A_18 = arith.constant 0 : i32
      %dma_start3A_19 = arith.constant 0 : i32
      %dma_start3A_20 = tpu.memref_slice %arg3[%add3A, %dma_start3A_18, %dma_start3A_19] : memref<32x79x128xi32, #tpu.memory_space<hbm>> -> memref<1x79x128xi32, #tpu.memory_space<hbm>>
      %dma_start3A_21 = tpu.memref_squeeze %dma_start3A_20 : memref<1x79x128xi32, #tpu.memory_space<hbm>> -> memref<79x128xi32, #tpu.memory_space<hbm>>
      tpu.enqueue_dma source(%dma_start3A_21 : memref<79x128xi32, #tpu.memory_space<hbm>>) target(%arg8 : memref<79x128xi32, #tpu.memory_space<vmem>>) target_semaphore(%run_scoped3A : memref<!tpu.dma_semaphore, #tpu.memory_space<semaphore_mem>>)
      %dma_wait3A = arith.constant 0 : i32
      %dma_wait3A_22 = arith.constant 0 : i32
      %dma_wait3A_23 = tpu.memref_slice %arg3[%add3A, %dma_wait3A, %dma_wait3A_22] : memref<32x79x128xi32, #tpu.memory_space<hbm>> -> memref<1x79x128xi32, #tpu.memory_space<hbm>>
      %dma_wait3A_24 = tpu.memref_squeeze %dma_wait3A_23 : memref<1x79x128xi32, #tpu.memory_space<hbm>> -> memref<79x128xi32, #tpu.memory_space<hbm>>
      %dma_wait3A_25 = arith.constant 0 : i32
      %dma_wait3A_26 = arith.constant 0 : i32
      %dma_wait3A_27 = tpu.memref_slice %arg3[%add3A, %dma_wait3A_25, %dma_wait3A_26] : memref<32x79x128xi32, #tpu.memory_space<hbm>> -> memref<1x79x128xi32, #tpu.memory_space<hbm>>
      %dma_wait3A_28 = tpu.memref_squeeze %dma_wait3A_27 : memref<1x79x128xi32, #tpu.memory_space<hbm>> -> memref<79x128xi32, #tpu.memory_space<hbm>>
      tpu.wait_dma2 semaphore(%run_scoped3A : memref<!tpu.dma_semaphore, #tpu.memory_space<semaphore_mem>>) src(%dma_wait3A_28 : memref<79x128xi32, #tpu.memory_space<hbm>>) dst(%arg8 : memref<79x128xi32, #tpu.memory_space<vmem>>)
      tpu.yield
    }) : () -> ()
    "tpu.region"() ({
      %run_scoped3A = tpu.sem_alloc : memref<!tpu.dma_semaphore, #tpu.memory_space<semaphore_mem>>
      %dma_start3A = arith.constant 0 : i32
      %dma_start3A_15 = arith.constant 0 : i32
      %dma_start3A_16 = tpu.memref_slice %arg4[%add3A, %dma_start3A, %dma_start3A_15] : memref<32x79x128xi32, #tpu.memory_space<hbm>> -> memref<1x79x128xi32, #tpu.memory_space<hbm>>
      %dma_start3A_17 = tpu.memref_squeeze %dma_start3A_16 : memref<1x79x128xi32, #tpu.memory_space<hbm>> -> memref<79x128xi32, #tpu.memory_space<hbm>>
      %dma_start3A_18 = arith.constant 0 : i32
      %dma_start3A_19 = arith.constant 0 : i32
      %dma_start3A_20 = tpu.memref_slice %arg4[%add3A, %dma_start3A_18, %dma_start3A_19] : memref<32x79x128xi32, #tpu.memory_space<hbm>> -> memref<1x79x128xi32, #tpu.memory_space<hbm>>
      %dma_start3A_21 = tpu.memref_squeeze %dma_start3A_20 : memref<1x79x128xi32, #tpu.memory_space<hbm>> -> memref<79x128xi32, #tpu.memory_space<hbm>>
      tpu.enqueue_dma source(%dma_start3A_21 : memref<79x128xi32, #tpu.memory_space<hbm>>) target(%arg9 : memref<79x128xi32, #tpu.memory_space<vmem>>) target_semaphore(%run_scoped3A : memref<!tpu.dma_semaphore, #tpu.memory_space<semaphore_mem>>)
      %dma_wait3A = arith.constant 0 : i32
      %dma_wait3A_22 = arith.constant 0 : i32
      %dma_wait3A_23 = tpu.memref_slice %arg4[%add3A, %dma_wait3A, %dma_wait3A_22] : memref<32x79x128xi32, #tpu.memory_space<hbm>> -> memref<1x79x128xi32, #tpu.memory_space<hbm>>
      %dma_wait3A_24 = tpu.memref_squeeze %dma_wait3A_23 : memref<1x79x128xi32, #tpu.memory_space<hbm>> -> memref<79x128xi32, #tpu.memory_space<hbm>>
      %dma_wait3A_25 = arith.constant 0 : i32
      %dma_wait3A_26 = arith.constant 0 : i32
      %dma_wait3A_27 = tpu.memref_slice %arg4[%add3A, %dma_wait3A_25, %dma_wait3A_26] : memref<32x79x128xi32, #tpu.memory_space<hbm>> -> memref<1x79x128xi32, #tpu.memory_space<hbm>>
      %dma_wait3A_28 = tpu.memref_squeeze %dma_wait3A_27 : memref<1x79x128xi32, #tpu.memory_space<hbm>> -> memref<79x128xi32, #tpu.memory_space<hbm>>
      tpu.wait_dma2 semaphore(%run_scoped3A : memref<!tpu.dma_semaphore, #tpu.memory_space<semaphore_mem>>) src(%dma_wait3A_28 : memref<79x128xi32, #tpu.memory_space<hbm>>) dst(%arg9 : memref<79x128xi32, #tpu.memory_space<vmem>>)
      tpu.yield
    }) : () -> ()
    %mul3A_3 = arith.constant 10112 : i32
    %mul3A_4 = arith.muli %add3A, %mul3A_3 : i32
    "tpu.region"() ({
      %run_scoped3A = tpu.sem_alloc : memref<!tpu.dma_semaphore, #tpu.memory_space<semaphore_mem>>
      %dma_start3A = tpu.memref_slice %arg5[%mul3A_4] : memref<323584xf32, #tpu.memory_space<hbm>> -> memref<10112xf32, #tpu.memory_space<hbm>>
      %dma_start3A_15 = tpu.memref_slice %arg5[%mul3A_4] : memref<323584xf32, #tpu.memory_space<hbm>> -> memref<10112xf32, #tpu.memory_space<hbm>>
      tpu.enqueue_dma source(%dma_start3A_15 : memref<10112xf32, #tpu.memory_space<hbm>>) target(%arg10 : memref<10112xf32, #tpu.memory_space<vmem>>) target_semaphore(%run_scoped3A : memref<!tpu.dma_semaphore, #tpu.memory_space<semaphore_mem>>)
      %dma_wait3A = tpu.memref_slice %arg5[%mul3A_4] : memref<323584xf32, #tpu.memory_space<hbm>> -> memref<10112xf32, #tpu.memory_space<hbm>>
      %dma_wait3A_16 = tpu.memref_slice %arg5[%mul3A_4] : memref<323584xf32, #tpu.memory_space<hbm>> -> memref<10112xf32, #tpu.memory_space<hbm>>
      tpu.wait_dma2 semaphore(%run_scoped3A : memref<!tpu.dma_semaphore, #tpu.memory_space<semaphore_mem>>) src(%dma_wait3A_16 : memref<10112xf32, #tpu.memory_space<hbm>>) dst(%arg10 : memref<10112xf32, #tpu.memory_space<vmem>>)
      tpu.yield
    }) : () -> ()
    %barrier3A = arith.constant 0 : index
    tpu.barrier barrier_id(%barrier3A)
    %scan3A = arith.constant 0 : i32
    %scan3A_5 = arith.constant 0 : i32
    %scan3A_6 = arith.constant 79 : i32
    %scan3A_7 = arith.addi %scan3A_5, %scan3A_6 : i32
    %scan3A_8 = arith.constant 1 : i32
    scf.for %scan3A_15 = %scan3A_5 to %scan3A_7 step %scan3A_8  : i32 {
      "tpu.region"() ({
        %run_scoped3A = tpu.sem_alloc : memref<!tpu.dma_semaphore, #tpu.memory_space<semaphore_mem>>
        %dma_start3A = arith.constant 0 : i32
        %dma_start3A_22 = tpu.memref_slice %arg8[%scan3A_15, %dma_start3A] : memref<79x128xi32, #tpu.memory_space<vmem>> -> memref<1x128xi32, #tpu.memory_space<vmem>>
        %dma_start3A_23 = tpu.memref_squeeze %dma_start3A_22 : memref<1x128xi32, #tpu.memory_space<vmem>> -> memref<128xi32, #tpu.memory_space<vmem>>
        %dma_start3A_24 = arith.constant 0 : i32
        %dma_start3A_25 = arith.constant 0 : i32
        %dma_start3A_26 = tpu.memref_slice %arg2[%dma_start3A_24, %dma_start3A_25] : memref<10240x128xf32, #tpu.memory_space<hbm>> -> memref<10240x128xf32, #tpu.memory_space<hbm>>
        tpu.enqueue_indirect_dma source(%dma_start3A_26 : memref<10240x128xf32, #tpu.memory_space<hbm>>) target(%arg11 : memref<128x128xf32, #tpu.memory_space<vmem>>) offsets(%dma_start3A_23 : memref<128xi32, #tpu.memory_space<vmem>>) semaphore(%run_scoped3A : memref<!tpu.dma_semaphore, #tpu.memory_space<semaphore_mem>>)
        %dma_wait3A = arith.constant 0 : i32
        %dma_wait3A_27 = tpu.memref_slice %arg8[%scan3A_15, %dma_wait3A] : memref<79x128xi32, #tpu.memory_space<vmem>> -> memref<1x128xi32, #tpu.memory_space<vmem>>
        %dma_wait3A_28 = tpu.memref_squeeze %dma_wait3A_27 : memref<1x128xi32, #tpu.memory_space<vmem>> -> memref<128xi32, #tpu.memory_space<vmem>>
        %dma_wait3A_29 = arith.constant 0 : i32
        %dma_wait3A_30 = arith.constant 0 : i32
        %dma_wait3A_31 = tpu.memref_slice %arg2[%dma_wait3A_29, %dma_wait3A_30] : memref<10240x128xf32, #tpu.memory_space<hbm>> -> memref<10240x128xf32, #tpu.memory_space<hbm>>
        tpu.wait_indirect_dma semaphore(%run_scoped3A : memref<!tpu.dma_semaphore, #tpu.memory_space<semaphore_mem>>) src(%dma_wait3A_31 : memref<10240x128xf32, #tpu.memory_space<hbm>>) dst(%arg11 : memref<128x128xf32, #tpu.memory_space<vmem>>)
        tpu.yield
      }) : () -> ()
      %scan3A_16 = arith.constant 0 : i32
      %scan3A_17 = arith.constant 0 : i32
      %scan3A_18 = arith.constant 128 : i32
      %scan3A_19 = arith.addi %scan3A_17, %scan3A_18 : i32
      %scan3A_20 = arith.constant 1 : i32
      scf.for %scan3A_22 = %scan3A_17 to %scan3A_19 step %scan3A_20  : i32 {
        %mul3A_23 = arith.constant 128 : i32
        %mul3A_24 = arith.muli %scan3A_15, %mul3A_23 : i32
        %add3A_25 = arith.addi %mul3A_24, %scan3A_22 : i32
        %broadcast_in_dim3A = vector.broadcast %add3A_25 : i32 to vector<16xi32>
        %gather3A = tpu.vector_load_idx %arg10[%broadcast_in_dim3A] : memref<10112xf32, #tpu.memory_space<vmem>>[vector<16xi32>], vector<16xf32>,
        %get3A = arith.index_cast %scan3A_22 : i32 to index
        %get3A_26 = arith.constant 0 : index
        %get3A_27 = tpu.vector_load %arg11[%get3A, %get3A_26] {strides = array<i32>} : memref<128x128xf32, #tpu.memory_space<vmem>>, vector<16xf32>,
        %mul3A_28 = arith.mulf %get3A_27, %gather3A : vector<16xf32>
        %swap3A = arith.index_cast %scan3A_22 : i32 to index
        %swap3A_29 = arith.constant 0 : index
        %swap3A_30 = tpu.vector_load %arg11[%swap3A, %swap3A_29] {strides = array<i32>} : memref<128x128xf32, #tpu.memory_space<vmem>>, vector<16xf32>,
        tpu.vector_store %arg11[%swap3A, %swap3A_29], %mul3A_28 {strides = array<i32>} : memref<128x128xf32, #tpu.memory_space<vmem>>, vector<16xf32>,
        %get3A_31 = arith.index_cast %scan3A_22 : i32 to index
        %get3A_32 = arith.constant 16 : index
        %get3A_33 = tpu.vector_load %arg11[%get3A_31, %get3A_32] {strides = array<i32>} : memref<128x128xf32, #tpu.memory_space<vmem>>, vector<16xf32>,
        %mul3A_34 = arith.mulf %get3A_33, %gather3A : vector<16xf32>
        %swap3A_35 = arith.index_cast %scan3A_22 : i32 to index
        %swap3A_36 = arith.constant 16 : index
        %swap3A_37 = tpu.vector_load %arg11[%swap3A_35, %swap3A_36] {strides = array<i32>} : memref<128x128xf32, #tpu.memory_space<vmem>>, vector<16xf32>,
        tpu.vector_store %arg11[%swap3A_35, %swap3A_36], %mul3A_34 {strides = array<i32>} : memref<128x128xf32, #tpu.memory_space<vmem>>, vector<16xf32>,
        %get3A_38 = arith.index_cast %scan3A_22 : i32 to index
        %get3A_39 = arith.constant 32 : index
        %get3A_40 = tpu.vector_load %arg11[%get3A_38, %get3A_39] {strides = array<i32>} : memref<128x128xf32, #tpu.memory_space<vmem>>, vector<16xf32>,
        %mul3A_41 = arith.mulf %get3A_40, %gather3A : vector<16xf32>
        %swap3A_42 = arith.index_cast %scan3A_22 : i32 to index
        %swap3A_43 = arith.constant 32 : index
        %swap3A_44 = tpu.vector_load %arg11[%swap3A_42, %swap3A_43] {strides = array<i32>} : memref<128x128xf32, #tpu.memory_space<vmem>>, vector<16xf32>,
        tpu.vector_store %arg11[%swap3A_42, %swap3A_43], %mul3A_41 {strides = array<i32>} : memref<128x128xf32, #tpu.memory_space<vmem>>, vector<16xf32>,
        %get3A_45 = arith.index_cast %scan3A_22 : i32 to index
        %get3A_46 = arith.constant 48 : index
        %get3A_47 = tpu.vector_load %arg11[%get3A_45, %get3A_46] {strides = array<i32>} : memref<128x128xf32, #tpu.memory_space<vmem>>, vector<16xf32>,
        %mul3A_48 = arith.mulf %get3A_47, %gather3A : vector<16xf32>
        %swap3A_49 = arith.index_cast %scan3A_22 : i32 to index
        %swap3A_50 = arith.constant 48 : index
        %swap3A_51 = tpu.vector_load %arg11[%swap3A_49, %swap3A_50] {strides = array<i32>} : memref<128x128xf32, #tpu.memory_space<vmem>>, vector<16xf32>,
        tpu.vector_store %arg11[%swap3A_49, %swap3A_50], %mul3A_48 {strides = array<i32>} : memref<128x128xf32, #tpu.memory_space<vmem>>, vector<16xf32>,
        %get3A_52 = arith.index_cast %scan3A_22 : i32 to index
        %get3A_53 = arith.constant 64 : index
        %get3A_54 = tpu.vector_load %arg11[%get3A_52, %get3A_53] {strides = array<i32>} : memref<128x128xf32, #tpu.memory_space<vmem>>, vector<16xf32>,
        %mul3A_55 = arith.mulf %get3A_54, %gather3A : vector<16xf32>
        %swap3A_56 = arith.index_cast %scan3A_22 : i32 to index
        %swap3A_57 = arith.constant 64 : index
        %swap3A_58 = tpu.vector_load %arg11[%swap3A_56, %swap3A_57] {strides = array<i32>} : memref<128x128xf32, #tpu.memory_space<vmem>>, vector<16xf32>,
        tpu.vector_store %arg11[%swap3A_56, %swap3A_57], %mul3A_55 {strides = array<i32>} : memref<128x128xf32, #tpu.memory_space<vmem>>, vector<16xf32>,
        %get3A_59 = arith.index_cast %scan3A_22 : i32 to index
        %get3A_60 = arith.constant 80 : index
        %get3A_61 = tpu.vector_load %arg11[%get3A_59, %get3A_60] {strides = array<i32>} : memref<128x128xf32, #tpu.memory_space<vmem>>, vector<16xf32>,
        %mul3A_62 = arith.mulf %get3A_61, %gather3A : vector<16xf32>
        %swap3A_63 = arith.index_cast %scan3A_22 : i32 to index
        %swap3A_64 = arith.constant 80 : index
        %swap3A_65 = tpu.vector_load %arg11[%swap3A_63, %swap3A_64] {strides = array<i32>} : memref<128x128xf32, #tpu.memory_space<vmem>>, vector<16xf32>,
        tpu.vector_store %arg11[%swap3A_63, %swap3A_64], %mul3A_62 {strides = array<i32>} : memref<128x128xf32, #tpu.memory_space<vmem>>, vector<16xf32>,
        %get3A_66 = arith.index_cast %scan3A_22 : i32 to index
        %get3A_67 = arith.constant 96 : index
        %get3A_68 = tpu.vector_load %arg11[%get3A_66, %get3A_67] {strides = array<i32>} : memref<128x128xf32, #tpu.memory_space<vmem>>, vector<16xf32>,
        %mul3A_69 = arith.mulf %get3A_68, %gather3A : vector<16xf32>
        %swap3A_70 = arith.index_cast %scan3A_22 : i32 to index
        %swap3A_71 = arith.constant 96 : index
        %swap3A_72 = tpu.vector_load %arg11[%swap3A_70, %swap3A_71] {strides = array<i32>} : memref<128x128xf32, #tpu.memory_space<vmem>>, vector<16xf32>,
        tpu.vector_store %arg11[%swap3A_70, %swap3A_71], %mul3A_69 {strides = array<i32>} : memref<128x128xf32, #tpu.memory_space<vmem>>, vector<16xf32>,
        %get3A_73 = arith.index_cast %scan3A_22 : i32 to index
        %get3A_74 = arith.constant 112 : index
        %get3A_75 = tpu.vector_load %arg11[%get3A_73, %get3A_74] {strides = array<i32>} : memref<128x128xf32, #tpu.memory_space<vmem>>, vector<16xf32>,
        %mul3A_76 = arith.mulf %get3A_75, %gather3A : vector<16xf32>
        %swap3A_77 = arith.index_cast %scan3A_22 : i32 to index
        %swap3A_78 = arith.constant 112 : index
        %swap3A_79 = tpu.vector_load %arg11[%swap3A_77, %swap3A_78] {strides = array<i32>} : memref<128x128xf32, #tpu.memory_space<vmem>>, vector<16xf32>,
        tpu.vector_store %arg11[%swap3A_77, %swap3A_78], %mul3A_76 {strides = array<i32>} : memref<128x128xf32, #tpu.memory_space<vmem>>, vector<16xf32>,
      }
      %scan3A_21 = arith.constant 128 : i32
      "tpu.region"() ({
        %run_scoped3A = tpu.sem_alloc : memref<!tpu.dma_semaphore, #tpu.memory_space<semaphore_mem>>
        %dma_start3A = arith.constant 0 : i32
        %dma_start3A_22 = tpu.memref_slice %arg9[%scan3A_15, %dma_start3A] : memref<79x128xi32, #tpu.memory_space<vmem>> -> memref<1x128xi32, #tpu.memory_space<vmem>>
        %dma_start3A_23 = tpu.memref_squeeze %dma_start3A_22 : memref<1x128xi32, #tpu.memory_space<vmem>> -> memref<128xi32, #tpu.memory_space<vmem>>
        %dma_start3A_24 = arith.constant 0 : i32
        %dma_start3A_25 = arith.constant 0 : i32
        %dma_start3A_26 = tpu.memref_slice %arg12[%dma_start3A_24, %dma_start3A_25] : memref<10240x128xf32, #tpu.memory_space<vmem_shared>> -> memref<10240x128xf32, #tpu.memory_space<vmem_shared>>
        tpu.enqueue_indirect_dma source(%arg11 : memref<128x128xf32, #tpu.memory_space<vmem>>) target(%dma_start3A_26 : memref<10240x128xf32, #tpu.memory_space<vmem_shared>>) offsets(%dma_start3A_23 : memref<128xi32, #tpu.memory_space<vmem>>) semaphore(%run_scoped3A : memref<!tpu.dma_semaphore, #tpu.memory_space<semaphore_mem>>) {add = true}
        %dma_wait3A = arith.constant 0 : i32
        %dma_wait3A_27 = tpu.memref_slice %arg9[%scan3A_15, %dma_wait3A] : memref<79x128xi32, #tpu.memory_space<vmem>> -> memref<1x128xi32, #tpu.memory_space<vmem>>
        %dma_wait3A_28 = tpu.memref_squeeze %dma_wait3A_27 : memref<1x128xi32, #tpu.memory_space<vmem>> -> memref<128xi32, #tpu.memory_space<vmem>>
        %dma_wait3A_29 = arith.constant 0 : i32
        %dma_wait3A_30 = arith.constant 0 : i32
        %dma_wait3A_31 = tpu.memref_slice %arg12[%dma_wait3A_29, %dma_wait3A_30] : memref<10240x128xf32, #tpu.memory_space<vmem_shared>> -> memref<10240x128xf32, #tpu.memory_space<vmem_shared>>
        tpu.wait_indirect_dma semaphore(%run_scoped3A : memref<!tpu.dma_semaphore, #tpu.memory_space<semaphore_mem>>) src(%arg11 : memref<128x128xf32, #tpu.memory_space<vmem>>) dst(%dma_wait3A_31 : memref<10240x128xf32, #tpu.memory_space<vmem_shared>>)
        tpu.yield
      }) : () -> ()
    }
    %scan3A_9 = arith.constant 79 : i32
    %barrier3A_10 = arith.constant 0 : index
    tpu.barrier barrier_id(%barrier3A_10)
    %mul3A_11 = arith.constant 640 : i32
    %mul3A_12 = arith.muli %arg1, %mul3A_11 : i32
    %mul3A_13 = arith.constant 640 : i32
    %mul3A_14 = arith.muli %arg1, %mul3A_13 : i32
    "tpu.region"() ({
      %run_scoped3A = tpu.sem_alloc : memref<!tpu.dma_semaphore, #tpu.memory_space<semaphore_mem>>
      %dma_start3A = arith.constant 0 : i32
      %dma_start3A_15 = tpu.memref_slice %arg7[%arg0, %mul3A_14, %dma_start3A] : memref<2x10240x128xf32, #tpu.memory_space<hbm>> -> memref<1x640x128xf32, #tpu.memory_space<hbm>>
      %dma_start3A_16 = tpu.memref_squeeze %dma_start3A_15 : memref<1x640x128xf32, #tpu.memory_space<hbm>> -> memref<640x128xf32, #tpu.memory_space<hbm>>
      %dma_start3A_17 = arith.constant 0 : i32
      %dma_start3A_18 = tpu.memref_slice %arg12[%mul3A_12, %dma_start3A_17] : memref<10240x128xf32, #tpu.memory_space<vmem_shared>> -> memref<640x128xf32, #tpu.memory_space<vmem_shared>>
      tpu.enqueue_dma source(%dma_start3A_18 : memref<640x128xf32, #tpu.memory_space<vmem_shared>>) target(%dma_start3A_16 : memref<640x128xf32, #tpu.memory_space<hbm>>) target_semaphore(%run_scoped3A : memref<!tpu.dma_semaphore, #tpu.memory_space<semaphore_mem>>)
      %dma_wait3A = arith.constant 0 : i32
      %dma_wait3A_19 = tpu.memref_slice %arg7[%arg0, %mul3A_14, %dma_wait3A] : memref<2x10240x128xf32, #tpu.memory_space<hbm>> -> memref<1x640x128xf32, #tpu.memory_space<hbm>>
      %dma_wait3A_20 = tpu.memref_squeeze %dma_wait3A_19 : memref<1x640x128xf32, #tpu.memory_space<hbm>> -> memref<640x128xf32, #tpu.memory_space<hbm>>
      %dma_wait3A_21 = arith.constant 0 : i32
      %dma_wait3A_22 = tpu.memref_slice %arg12[%mul3A_12, %dma_wait3A_21] : memref<10240x128xf32, #tpu.memory_space<vmem_shared>> -> memref<640x128xf32, #tpu.memory_space<vmem_shared>>
      tpu.wait_dma2 semaphore(%run_scoped3A : memref<!tpu.dma_semaphore, #tpu.memory_space<semaphore_mem>>) src(%dma_wait3A_22 : memref<640x128xf32, #tpu.memory_space<vmem_shared>>) dst(%dma_wait3A_20 : memref<640x128xf32, #tpu.memory_space<hbm>>)
      tpu.yield
    }) : () -> ()
    return
  }
}

#map = affine_map<(d0, d1) -> (0, 0)>
#map1 = affine_map<(d0, d1) -> (0, 0, 0)>
#map2 = affine_map<(d0, d1) -> (0)>
module attributes {stable_mosaic.version = 14 : i64} {
  func.func @_agg_kernel(%arg0: i32, %arg1: i32, %arg2: memref<10240x128xf32, #tpu.memory_space<hbm>>, %arg3: memref<32x79x128xi32, #tpu.memory_space<hbm>>, %arg4: memref<32x79x128xi32, #tpu.memory_space<hbm>>, %arg5: memref<323584xf32, #tpu.memory_space<hbm>>, %arg6: memref<640x128xf32, #tpu.memory_space<hbm>>, %arg7: memref<2x10240x128xf32, #tpu.memory_space<hbm>>, %arg8: memref<79x128xi32, #tpu.memory_space<vmem>>, %arg9: memref<79x128xi32, #tpu.memory_space<vmem>>, %arg10: memref<10112xf32, #tpu.memory_space<vmem>>, %arg11: memref<128x128xf32, #tpu.memory_space<vmem>>, %arg12: memref<10240x128xf32, #tpu.memory_space<vmem_shared>>) attributes {dimension_semantics = [#tpu.dimension_semantics<core_parallel>, #tpu.dimension_semantics<subcore_parallel>], iteration_bounds = array<i64: 2, 16>, scalar_prefetch = 0 : i64, scratch_operands = 5 : i64, tpu.core_type = #tpu.core_type<sc_vector_subcore>, window_params = [{transform_indices = #map}, {transform_indices = #map1}, {transform_indices = #map1}, {transform_indices = #map2}, {transform_indices = #map}, {transform_indices = #map1}]} {
    %mul3A = arith.constant 2 : i32
    %mul3A_0 = arith.muli %arg1, %mul3A : i32
    %add3A = arith.addi %mul3A_0, %arg0 : i32
    %mul3A_1 = arith.constant 640 : i32
    %mul3A_2 = arith.muli %arg1, %mul3A_1 : i32
    "tpu.region"() ({
      %run_scoped3A = tpu.sem_alloc : memref<!tpu.dma_semaphore, #tpu.memory_space<semaphore_mem>>
      %dma_start3A = arith.constant 0 : i32
      %dma_start3A_15 = tpu.memref_slice %arg12[%mul3A_2, %dma_start3A] : memref<10240x128xf32, #tpu.memory_space<vmem_shared>> -> memref<640x128xf32, #tpu.memory_space<vmem_shared>>
      tpu.enqueue_dma source(%arg6 : memref<640x128xf32, #tpu.memory_space<hbm>>) target(%dma_start3A_15 : memref<640x128xf32, #tpu.memory_space<vmem_shared>>) target_semaphore(%run_scoped3A : memref<!tpu.dma_semaphore, #tpu.memory_space<semaphore_mem>>)
      %dma_wait3A = arith.constant 0 : i32
      %dma_wait3A_16 = tpu.memref_slice %arg12[%mul3A_2, %dma_wait3A] : memref<10240x128xf32, #tpu.memory_space<vmem_shared>> -> memref<640x128xf32, #tpu.memory_space<vmem_shared>>
      tpu.wait_dma2 semaphore(%run_scoped3A : memref<!tpu.dma_semaphore, #tpu.memory_space<semaphore_mem>>) src(%arg6 : memref<640x128xf32, #tpu.memory_space<hbm>>) dst(%dma_wait3A_16 : memref<640x128xf32, #tpu.memory_space<vmem_shared>>)
      tpu.yield
    }) : () -> ()
    "tpu.region"() ({
      %run_scoped3A = tpu.sem_alloc : memref<!tpu.dma_semaphore, #tpu.memory_space<semaphore_mem>>
      %dma_start3A = arith.constant 0 : i32
      %dma_start3A_15 = arith.constant 0 : i32
      %dma_start3A_16 = tpu.memref_slice %arg3[%add3A, %dma_start3A, %dma_start3A_15] : memref<32x79x128xi32, #tpu.memory_space<hbm>> -> memref<1x79x128xi32, #tpu.memory_space<hbm>>
      %dma_start3A_17 = tpu.memref_squeeze %dma_start3A_16 : memref<1x79x128xi32, #tpu.memory_space<hbm>> -> memref<79x128xi32, #tpu.memory_space<hbm>>
      %dma_start3A_18 = arith.constant 0 : i32
      %dma_start3A_19 = arith.constant 0 : i32
      %dma_start3A_20 = tpu.memref_slice %arg3[%add3A, %dma_start3A_18, %dma_start3A_19] : memref<32x79x128xi32, #tpu.memory_space<hbm>> -> memref<1x79x128xi32, #tpu.memory_space<hbm>>
      %dma_start3A_21 = tpu.memref_squeeze %dma_start3A_20 : memref<1x79x128xi32, #tpu.memory_space<hbm>> -> memref<79x128xi32, #tpu.memory_space<hbm>>
      tpu.enqueue_dma source(%dma_start3A_21 : memref<79x128xi32, #tpu.memory_space<hbm>>) target(%arg8 : memref<79x128xi32, #tpu.memory_space<vmem>>) target_semaphore(%run_scoped3A : memref<!tpu.dma_semaphore, #tpu.memory_space<semaphore_mem>>)
      %dma_wait3A = arith.constant 0 : i32
      %dma_wait3A_22 = arith.constant 0 : i32
      %dma_wait3A_23 = tpu.memref_slice %arg3[%add3A, %dma_wait3A, %dma_wait3A_22] : memref<32x79x128xi32, #tpu.memory_space<hbm>> -> memref<1x79x128xi32, #tpu.memory_space<hbm>>
      %dma_wait3A_24 = tpu.memref_squeeze %dma_wait3A_23 : memref<1x79x128xi32, #tpu.memory_space<hbm>> -> memref<79x128xi32, #tpu.memory_space<hbm>>
      %dma_wait3A_25 = arith.constant 0 : i32
      %dma_wait3A_26 = arith.constant 0 : i32
      %dma_wait3A_27 = tpu.memref_slice %arg3[%add3A, %dma_wait3A_25, %dma_wait3A_26] : memref<32x79x128xi32, #tpu.memory_space<hbm>> -> memref<1x79x128xi32, #tpu.memory_space<hbm>>
      %dma_wait3A_28 = tpu.memref_squeeze %dma_wait3A_27 : memref<1x79x128xi32, #tpu.memory_space<hbm>> -> memref<79x128xi32, #tpu.memory_space<hbm>>
      tpu.wait_dma2 semaphore(%run_scoped3A : memref<!tpu.dma_semaphore, #tpu.memory_space<semaphore_mem>>) src(%dma_wait3A_28 : memref<79x128xi32, #tpu.memory_space<hbm>>) dst(%arg8 : memref<79x128xi32, #tpu.memory_space<vmem>>)
      tpu.yield
    }) : () -> ()
    "tpu.region"() ({
      %run_scoped3A = tpu.sem_alloc : memref<!tpu.dma_semaphore, #tpu.memory_space<semaphore_mem>>
      %dma_start3A = arith.constant 0 : i32
      %dma_start3A_15 = arith.constant 0 : i32
      %dma_start3A_16 = tpu.memref_slice %arg4[%add3A, %dma_start3A, %dma_start3A_15] : memref<32x79x128xi32, #tpu.memory_space<hbm>> -> memref<1x79x128xi32, #tpu.memory_space<hbm>>
      %dma_start3A_17 = tpu.memref_squeeze %dma_start3A_16 : memref<1x79x128xi32, #tpu.memory_space<hbm>> -> memref<79x128xi32, #tpu.memory_space<hbm>>
      %dma_start3A_18 = arith.constant 0 : i32
      %dma_start3A_19 = arith.constant 0 : i32
      %dma_start3A_20 = tpu.memref_slice %arg4[%add3A, %dma_start3A_18, %dma_start3A_19] : memref<32x79x128xi32, #tpu.memory_space<hbm>> -> memref<1x79x128xi32, #tpu.memory_space<hbm>>
      %dma_start3A_21 = tpu.memref_squeeze %dma_start3A_20 : memref<1x79x128xi32, #tpu.memory_space<hbm>> -> memref<79x128xi32, #tpu.memory_space<hbm>>
      tpu.enqueue_dma source(%dma_start3A_21 : memref<79x128xi32, #tpu.memory_space<hbm>>) target(%arg9 : memref<79x128xi32, #tpu.memory_space<vmem>>) target_semaphore(%run_scoped3A : memref<!tpu.dma_semaphore, #tpu.memory_space<semaphore_mem>>)
      %dma_wait3A = arith.constant 0 : i32
      %dma_wait3A_22 = arith.constant 0 : i32
      %dma_wait3A_23 = tpu.memref_slice %arg4[%add3A, %dma_wait3A, %dma_wait3A_22] : memref<32x79x128xi32, #tpu.memory_space<hbm>> -> memref<1x79x128xi32, #tpu.memory_space<hbm>>
      %dma_wait3A_24 = tpu.memref_squeeze %dma_wait3A_23 : memref<1x79x128xi32, #tpu.memory_space<hbm>> -> memref<79x128xi32, #tpu.memory_space<hbm>>
      %dma_wait3A_25 = arith.constant 0 : i32
      %dma_wait3A_26 = arith.constant 0 : i32
      %dma_wait3A_27 = tpu.memref_slice %arg4[%add3A, %dma_wait3A_25, %dma_wait3A_26] : memref<32x79x128xi32, #tpu.memory_space<hbm>> -> memref<1x79x128xi32, #tpu.memory_space<hbm>>
      %dma_wait3A_28 = tpu.memref_squeeze %dma_wait3A_27 : memref<1x79x128xi32, #tpu.memory_space<hbm>> -> memref<79x128xi32, #tpu.memory_space<hbm>>
      tpu.wait_dma2 semaphore(%run_scoped3A : memref<!tpu.dma_semaphore, #tpu.memory_space<semaphore_mem>>) src(%dma_wait3A_28 : memref<79x128xi32, #tpu.memory_space<hbm>>) dst(%arg9 : memref<79x128xi32, #tpu.memory_space<vmem>>)
      tpu.yield
    }) : () -> ()
    %mul3A_3 = arith.constant 10112 : i32
    %mul3A_4 = arith.muli %add3A, %mul3A_3 : i32
    "tpu.region"() ({
      %run_scoped3A = tpu.sem_alloc : memref<!tpu.dma_semaphore, #tpu.memory_space<semaphore_mem>>
      %dma_start3A = tpu.memref_slice %arg5[%mul3A_4] : memref<323584xf32, #tpu.memory_space<hbm>> -> memref<10112xf32, #tpu.memory_space<hbm>>
      %dma_start3A_15 = tpu.memref_slice %arg5[%mul3A_4] : memref<323584xf32, #tpu.memory_space<hbm>> -> memref<10112xf32, #tpu.memory_space<hbm>>
      tpu.enqueue_dma source(%dma_start3A_15 : memref<10112xf32, #tpu.memory_space<hbm>>) target(%arg10 : memref<10112xf32, #tpu.memory_space<vmem>>) target_semaphore(%run_scoped3A : memref<!tpu.dma_semaphore, #tpu.memory_space<semaphore_mem>>)
      %dma_wait3A = tpu.memref_slice %arg5[%mul3A_4] : memref<323584xf32, #tpu.memory_space<hbm>> -> memref<10112xf32, #tpu.memory_space<hbm>>
      %dma_wait3A_16 = tpu.memref_slice %arg5[%mul3A_4] : memref<323584xf32, #tpu.memory_space<hbm>> -> memref<10112xf32, #tpu.memory_space<hbm>>
      tpu.wait_dma2 semaphore(%run_scoped3A : memref<!tpu.dma_semaphore, #tpu.memory_space<semaphore_mem>>) src(%dma_wait3A_16 : memref<10112xf32, #tpu.memory_space<hbm>>) dst(%arg10 : memref<10112xf32, #tpu.memory_space<vmem>>)
      tpu.yield
    }) : () -> ()
    %barrier3A = arith.constant 0 : index
    tpu.barrier barrier_id(%barrier3A)
    %scan3A = arith.constant 0 : i32
    %scan3A_5 = arith.constant 0 : i32
    %scan3A_6 = arith.constant 79 : i32
    %scan3A_7 = arith.addi %scan3A_5, %scan3A_6 : i32
    %scan3A_8 = arith.constant 1 : i32
    scf.for %scan3A_15 = %scan3A_5 to %scan3A_7 step %scan3A_8  : i32 {
      "tpu.region"() ({
        %run_scoped3A = tpu.sem_alloc : memref<!tpu.dma_semaphore, #tpu.memory_space<semaphore_mem>>
        %dma_start3A = arith.constant 0 : i32
        %dma_start3A_22 = tpu.memref_slice %arg8[%scan3A_15, %dma_start3A] : memref<79x128xi32, #tpu.memory_space<vmem>> -> memref<1x128xi32, #tpu.memory_space<vmem>>
        %dma_start3A_23 = tpu.memref_squeeze %dma_start3A_22 : memref<1x128xi32, #tpu.memory_space<vmem>> -> memref<128xi32, #tpu.memory_space<vmem>>
        %dma_start3A_24 = arith.constant 0 : i32
        %dma_start3A_25 = arith.constant 0 : i32
        %dma_start3A_26 = tpu.memref_slice %arg2[%dma_start3A_24, %dma_start3A_25] : memref<10240x128xf32, #tpu.memory_space<hbm>> -> memref<10240x128xf32, #tpu.memory_space<hbm>>
        tpu.enqueue_indirect_dma source(%dma_start3A_26 : memref<10240x128xf32, #tpu.memory_space<hbm>>) target(%arg11 : memref<128x128xf32, #tpu.memory_space<vmem>>) offsets(%dma_start3A_23 : memref<128xi32, #tpu.memory_space<vmem>>) semaphore(%run_scoped3A : memref<!tpu.dma_semaphore, #tpu.memory_space<semaphore_mem>>)
        %dma_wait3A = arith.constant 0 : i32
        %dma_wait3A_27 = tpu.memref_slice %arg8[%scan3A_15, %dma_wait3A] : memref<79x128xi32, #tpu.memory_space<vmem>> -> memref<1x128xi32, #tpu.memory_space<vmem>>
        %dma_wait3A_28 = tpu.memref_squeeze %dma_wait3A_27 : memref<1x128xi32, #tpu.memory_space<vmem>> -> memref<128xi32, #tpu.memory_space<vmem>>
        %dma_wait3A_29 = arith.constant 0 : i32
        %dma_wait3A_30 = arith.constant 0 : i32
        %dma_wait3A_31 = tpu.memref_slice %arg2[%dma_wait3A_29, %dma_wait3A_30] : memref<10240x128xf32, #tpu.memory_space<hbm>> -> memref<10240x128xf32, #tpu.memory_space<hbm>>
        tpu.wait_indirect_dma semaphore(%run_scoped3A : memref<!tpu.dma_semaphore, #tpu.memory_space<semaphore_mem>>) src(%dma_wait3A_31 : memref<10240x128xf32, #tpu.memory_space<hbm>>) dst(%arg11 : memref<128x128xf32, #tpu.memory_space<vmem>>)
        tpu.yield
      }) : () -> ()
      %scan3A_16 = arith.constant 0 : i32
      %scan3A_17 = arith.constant 0 : i32
      %scan3A_18 = arith.constant 128 : i32
      %scan3A_19 = arith.addi %scan3A_17, %scan3A_18 : i32
      %scan3A_20 = arith.constant 1 : i32
      scf.for %scan3A_22 = %scan3A_17 to %scan3A_19 step %scan3A_20  : i32 {
        %mul3A_23 = arith.constant 128 : i32
        %mul3A_24 = arith.muli %scan3A_15, %mul3A_23 : i32
        %add3A_25 = arith.addi %mul3A_24, %scan3A_22 : i32
        %broadcast_in_dim3A = vector.broadcast %add3A_25 : i32 to vector<16xi32>
        %gather3A = tpu.vector_load_idx %arg10[%broadcast_in_dim3A] : memref<10112xf32, #tpu.memory_space<vmem>>[vector<16xi32>], vector<16xf32>,
        %get3A = arith.index_cast %scan3A_22 : i32 to index
        %get3A_26 = arith.constant 0 : index
        %get3A_27 = tpu.vector_load %arg11[%get3A, %get3A_26] {strides = array<i32>} : memref<128x128xf32, #tpu.memory_space<vmem>>, vector<16xf32>,
        %mul3A_28 = arith.mulf %get3A_27, %gather3A : vector<16xf32>
        %swap3A = arith.index_cast %scan3A_22 : i32 to index
        %swap3A_29 = arith.constant 0 : index
        %swap3A_30 = tpu.vector_load %arg11[%swap3A, %swap3A_29] {strides = array<i32>} : memref<128x128xf32, #tpu.memory_space<vmem>>, vector<16xf32>,
        tpu.vector_store %arg11[%swap3A, %swap3A_29], %mul3A_28 {strides = array<i32>} : memref<128x128xf32, #tpu.memory_space<vmem>>, vector<16xf32>,
        %get3A_31 = arith.index_cast %scan3A_22 : i32 to index
        %get3A_32 = arith.constant 16 : index
        %get3A_33 = tpu.vector_load %arg11[%get3A_31, %get3A_32] {strides = array<i32>} : memref<128x128xf32, #tpu.memory_space<vmem>>, vector<16xf32>,
        %mul3A_34 = arith.mulf %get3A_33, %gather3A : vector<16xf32>
        %swap3A_35 = arith.index_cast %scan3A_22 : i32 to index
        %swap3A_36 = arith.constant 16 : index
        %swap3A_37 = tpu.vector_load %arg11[%swap3A_35, %swap3A_36] {strides = array<i32>} : memref<128x128xf32, #tpu.memory_space<vmem>>, vector<16xf32>,
        tpu.vector_store %arg11[%swap3A_35, %swap3A_36], %mul3A_34 {strides = array<i32>} : memref<128x128xf32, #tpu.memory_space<vmem>>, vector<16xf32>,
        %get3A_38 = arith.index_cast %scan3A_22 : i32 to index
        %get3A_39 = arith.constant 32 : index
        %get3A_40 = tpu.vector_load %arg11[%get3A_38, %get3A_39] {strides = array<i32>} : memref<128x128xf32, #tpu.memory_space<vmem>>, vector<16xf32>,
        %mul3A_41 = arith.mulf %get3A_40, %gather3A : vector<16xf32>
        %swap3A_42 = arith.index_cast %scan3A_22 : i32 to index
        %swap3A_43 = arith.constant 32 : index
        %swap3A_44 = tpu.vector_load %arg11[%swap3A_42, %swap3A_43] {strides = array<i32>} : memref<128x128xf32, #tpu.memory_space<vmem>>, vector<16xf32>,
        tpu.vector_store %arg11[%swap3A_42, %swap3A_43], %mul3A_41 {strides = array<i32>} : memref<128x128xf32, #tpu.memory_space<vmem>>, vector<16xf32>,
        %get3A_45 = arith.index_cast %scan3A_22 : i32 to index
        %get3A_46 = arith.constant 48 : index
        %get3A_47 = tpu.vector_load %arg11[%get3A_45, %get3A_46] {strides = array<i32>} : memref<128x128xf32, #tpu.memory_space<vmem>>, vector<16xf32>,
        %mul3A_48 = arith.mulf %get3A_47, %gather3A : vector<16xf32>
        %swap3A_49 = arith.index_cast %scan3A_22 : i32 to index
        %swap3A_50 = arith.constant 48 : index
        %swap3A_51 = tpu.vector_load %arg11[%swap3A_49, %swap3A_50] {strides = array<i32>} : memref<128x128xf32, #tpu.memory_space<vmem>>, vector<16xf32>,
        tpu.vector_store %arg11[%swap3A_49, %swap3A_50], %mul3A_48 {strides = array<i32>} : memref<128x128xf32, #tpu.memory_space<vmem>>, vector<16xf32>,
        %get3A_52 = arith.index_cast %scan3A_22 : i32 to index
        %get3A_53 = arith.constant 64 : index
        %get3A_54 = tpu.vector_load %arg11[%get3A_52, %get3A_53] {strides = array<i32>} : memref<128x128xf32, #tpu.memory_space<vmem>>, vector<16xf32>,
        %mul3A_55 = arith.mulf %get3A_54, %gather3A : vector<16xf32>
        %swap3A_56 = arith.index_cast %scan3A_22 : i32 to index
        %swap3A_57 = arith.constant 64 : index
        %swap3A_58 = tpu.vector_load %arg11[%swap3A_56, %swap3A_57] {strides = array<i32>} : memref<128x128xf32, #tpu.memory_space<vmem>>, vector<16xf32>,
        tpu.vector_store %arg11[%swap3A_56, %swap3A_57], %mul3A_55 {strides = array<i32>} : memref<128x128xf32, #tpu.memory_space<vmem>>, vector<16xf32>,
        %get3A_59 = arith.index_cast %scan3A_22 : i32 to index
        %get3A_60 = arith.constant 80 : index
        %get3A_61 = tpu.vector_load %arg11[%get3A_59, %get3A_60] {strides = array<i32>} : memref<128x128xf32, #tpu.memory_space<vmem>>, vector<16xf32>,
        %mul3A_62 = arith.mulf %get3A_61, %gather3A : vector<16xf32>
        %swap3A_63 = arith.index_cast %scan3A_22 : i32 to index
        %swap3A_64 = arith.constant 80 : index
        %swap3A_65 = tpu.vector_load %arg11[%swap3A_63, %swap3A_64] {strides = array<i32>} : memref<128x128xf32, #tpu.memory_space<vmem>>, vector<16xf32>,
        tpu.vector_store %arg11[%swap3A_63, %swap3A_64], %mul3A_62 {strides = array<i32>} : memref<128x128xf32, #tpu.memory_space<vmem>>, vector<16xf32>,
        %get3A_66 = arith.index_cast %scan3A_22 : i32 to index
        %get3A_67 = arith.constant 96 : index
        %get3A_68 = tpu.vector_load %arg11[%get3A_66, %get3A_67] {strides = array<i32>} : memref<128x128xf32, #tpu.memory_space<vmem>>, vector<16xf32>,
        %mul3A_69 = arith.mulf %get3A_68, %gather3A : vector<16xf32>
        %swap3A_70 = arith.index_cast %scan3A_22 : i32 to index
        %swap3A_71 = arith.constant 96 : index
        %swap3A_72 = tpu.vector_load %arg11[%swap3A_70, %swap3A_71] {strides = array<i32>} : memref<128x128xf32, #tpu.memory_space<vmem>>, vector<16xf32>,
        tpu.vector_store %arg11[%swap3A_70, %swap3A_71], %mul3A_69 {strides = array<i32>} : memref<128x128xf32, #tpu.memory_space<vmem>>, vector<16xf32>,
        %get3A_73 = arith.index_cast %scan3A_22 : i32 to index
        %get3A_74 = arith.constant 112 : index
        %get3A_75 = tpu.vector_load %arg11[%get3A_73, %get3A_74] {strides = array<i32>} : memref<128x128xf32, #tpu.memory_space<vmem>>, vector<16xf32>,
        %mul3A_76 = arith.mulf %get3A_75, %gather3A : vector<16xf32>
        %swap3A_77 = arith.index_cast %scan3A_22 : i32 to index
        %swap3A_78 = arith.constant 112 : index
        %swap3A_79 = tpu.vector_load %arg11[%swap3A_77, %swap3A_78] {strides = array<i32>} : memref<128x128xf32, #tpu.memory_space<vmem>>, vector<16xf32>,
        tpu.vector_store %arg11[%swap3A_77, %swap3A_78], %mul3A_76 {strides = array<i32>} : memref<128x128xf32, #tpu.memory_space<vmem>>, vector<16xf32>,
      }
      %scan3A_21 = arith.constant 128 : i32
      "tpu.region"() ({
        %run_scoped3A = tpu.sem_alloc : memref<!tpu.dma_semaphore, #tpu.memory_space<semaphore_mem>>
        %dma_start3A = arith.constant 0 : i32
        %dma_start3A_22 = tpu.memref_slice %arg9[%scan3A_15, %dma_start3A] : memref<79x128xi32, #tpu.memory_space<vmem>> -> memref<1x128xi32, #tpu.memory_space<vmem>>
        %dma_start3A_23 = tpu.memref_squeeze %dma_start3A_22 : memref<1x128xi32, #tpu.memory_space<vmem>> -> memref<128xi32, #tpu.memory_space<vmem>>
        %dma_start3A_24 = arith.constant 0 : i32
        %dma_start3A_25 = arith.constant 0 : i32
        %dma_start3A_26 = tpu.memref_slice %arg12[%dma_start3A_24, %dma_start3A_25] : memref<10240x128xf32, #tpu.memory_space<vmem_shared>> -> memref<10240x128xf32, #tpu.memory_space<vmem_shared>>
        tpu.enqueue_indirect_dma source(%arg11 : memref<128x128xf32, #tpu.memory_space<vmem>>) target(%dma_start3A_26 : memref<10240x128xf32, #tpu.memory_space<vmem_shared>>) offsets(%dma_start3A_23 : memref<128xi32, #tpu.memory_space<vmem>>) semaphore(%run_scoped3A : memref<!tpu.dma_semaphore, #tpu.memory_space<semaphore_mem>>) {add = true}
        %dma_wait3A = arith.constant 0 : i32
        %dma_wait3A_27 = tpu.memref_slice %arg9[%scan3A_15, %dma_wait3A] : memref<79x128xi32, #tpu.memory_space<vmem>> -> memref<1x128xi32, #tpu.memory_space<vmem>>
        %dma_wait3A_28 = tpu.memref_squeeze %dma_wait3A_27 : memref<1x128xi32, #tpu.memory_space<vmem>> -> memref<128xi32, #tpu.memory_space<vmem>>
        %dma_wait3A_29 = arith.constant 0 : i32
        %dma_wait3A_30 = arith.constant 0 : i32
        %dma_wait3A_31 = tpu.memref_slice %arg12[%dma_wait3A_29, %dma_wait3A_30] : memref<10240x128xf32, #tpu.memory_space<vmem_shared>> -> memref<10240x128xf32, #tpu.memory_space<vmem_shared>>
        tpu.wait_indirect_dma semaphore(%run_scoped3A : memref<!tpu.dma_semaphore, #tpu.memory_space<semaphore_mem>>) src(%arg11 : memref<128x128xf32, #tpu.memory_space<vmem>>) dst(%dma_wait3A_31 : memref<10240x128xf32, #tpu.memory_space<vmem_shared>>)
        tpu.yield
      }) : () -> ()
    }
    %scan3A_9 = arith.constant 79 : i32
    %barrier3A_10 = arith.constant 0 : index
    tpu.barrier barrier_id(%barrier3A_10)
    %mul3A_11 = arith.constant 640 : i32
    %mul3A_12 = arith.muli %arg1, %mul3A_11 : i32
    %mul3A_13 = arith.constant 640 : i32
    %mul3A_14 = arith.muli %arg1, %mul3A_13 : i32
    "tpu.region"() ({
      %run_scoped3A = tpu.sem_alloc : memref<!tpu.dma_semaphore, #tpu.memory_space<semaphore_mem>>
      %dma_start3A = arith.constant 0 : i32
      %dma_start3A_15 = tpu.memref_slice %arg7[%arg0, %mul3A_14, %dma_start3A] : memref<2x10240x128xf32, #tpu.memory_space<hbm>> -> memref<1x640x128xf32, #tpu.memory_space<hbm>>
      %dma_start3A_16 = tpu.memref_squeeze %dma_start3A_15 : memref<1x640x128xf32, #tpu.memory_space<hbm>> -> memref<640x128xf32, #tpu.memory_space<hbm>>
      %dma_start3A_17 = arith.constant 0 : i32
      %dma_start3A_18 = tpu.memref_slice %arg12[%mul3A_12, %dma_start3A_17] : memref<10240x128xf32, #tpu.memory_space<vmem_shared>> -> memref<640x128xf32, #tpu.memory_space<vmem_shared>>
      tpu.enqueue_dma source(%dma_start3A_18 : memref<640x128xf32, #tpu.memory_space<vmem_shared>>) target(%dma_start3A_16 : memref<640x128xf32, #tpu.memory_space<hbm>>) target_semaphore(%run_scoped3A : memref<!tpu.dma_semaphore, #tpu.memory_space<semaphore_mem>>)
      %dma_wait3A = arith.constant 0 : i32
      %dma_wait3A_19 = tpu.memref_slice %arg7[%arg0, %mul3A_14, %dma_wait3A] : memref<2x10240x128xf32, #tpu.memory_space<hbm>> -> memref<1x640x128xf32, #tpu.memory_space<hbm>>
      %dma_wait3A_20 = tpu.memref_squeeze %dma_wait3A_19 : memref<1x640x128xf32, #tpu.memory_space<hbm>> -> memref<640x128xf32, #tpu.memory_space<hbm>>
      %dma_wait3A_21 = arith.constant 0 : i32
      %dma_wait3A_22 = tpu.memref_slice %arg12[%mul3A_12, %dma_wait3A_21] : memref<10240x128xf32, #tpu.memory_space<vmem_shared>> -> memref<640x128xf32, #tpu.memory_space<vmem_shared>>
      tpu.wait_dma2 semaphore(%run_scoped3A : memref<!tpu.dma_semaphore, #tpu.memory_space<semaphore_mem>>) src(%dma_wait3A_22 : memref<640x128xf32, #tpu.memory_space<vmem_shared>>) dst(%dma_wait3A_20 : memref<640x128xf32, #tpu.memory_space<hbm>>)
      tpu.yield
    }) : () -> ()
    return
  }
}

#map = affine_map<(d0, d1) -> (0)>
#map1 = affine_map<(d0, d1) -> (0, 0)>
module attributes {stable_mosaic.version = 14 : i64} {
  func.func @_deg_kernel(%arg0: i32, %arg1: i32, %arg2: memref<323584xi32, #tpu.memory_space<hbm>>, %arg3: memref<323584xf32, #tpu.memory_space<hbm>>, %arg4: memref<2x10240xf32, #tpu.memory_space<hbm>>, %arg5: memref<10112xi32, #tpu.memory_space<vmem>>, %arg6: memref<10112xf32, #tpu.memory_space<vmem>>, %arg7: memref<10240xf32, #tpu.memory_space<vmem>>, %arg8: memref<16x640xf32, #tpu.memory_space<vmem>>, %arg9: memref<640xf32, #tpu.memory_space<vmem>>, %arg10: memref<16x10240xf32, #tpu.memory_space<vmem_shared>>) attributes {dimension_semantics = [#tpu.dimension_semantics<core_parallel>, #tpu.dimension_semantics<subcore_parallel>], iteration_bounds = array<i64: 2, 16>, scalar_prefetch = 0 : i64, scratch_operands = 6 : i64, tpu.core_type = #tpu.core_type<sc_vector_subcore>, window_params = [{transform_indices = #map}, {transform_indices = #map}, {transform_indices = #map1}]} {
    %mul3A = arith.constant 2 : i32
    %mul3A_0 = arith.muli %arg1, %mul3A : i32
    %add3A = arith.addi %mul3A_0, %arg0 : i32
    %broadcast_in_dim3A = arith.constant 0.000000e+00 : f32
    %broadcast_in_dim3A_1 = vector.broadcast %broadcast_in_dim3A : f32 to vector<16xf32>
    %scan3A = arith.constant 0 : i32
    %scan3A_2 = arith.constant 0 : i32
    %scan3A_3 = arith.constant 640 : i32
    %scan3A_4 = arith.addi %scan3A_2, %scan3A_3 : i32
    %scan3A_5 = arith.constant 1 : i32
    scf.for %scan3A_88 = %scan3A_2 to %scan3A_4 step %scan3A_5  : i32 {
      %mul3A_89 = arith.constant 16 : i32
      %mul3A_90 = arith.muli %scan3A_88, %mul3A_89 : i32
      %swap3A = arith.index_cast %mul3A_90 : i32 to index
      %swap3A_91 = tpu.vector_load %arg7[%swap3A] {strides = array<i32>} : memref<10240xf32, #tpu.memory_space<vmem>>, vector<16xf32>,
      tpu.vector_store %arg7[%swap3A], %broadcast_in_dim3A_1 {strides = array<i32>} : memref<10240xf32, #tpu.memory_space<vmem>>, vector<16xf32>,
    }
    %scan3A_6 = arith.constant 640 : i32
    %mul3A_7 = arith.constant 10112 : i32
    %mul3A_8 = arith.muli %add3A, %mul3A_7 : i32
    "tpu.region"() ({
      %run_scoped3A_88 = tpu.sem_alloc : memref<!tpu.dma_semaphore, #tpu.memory_space<semaphore_mem>>
      %dma_start3A = tpu.memref_slice %arg2[%mul3A_8] : memref<323584xi32, #tpu.memory_space<hbm>> -> memref<10112xi32, #tpu.memory_space<hbm>>
      %dma_start3A_89 = tpu.memref_slice %arg2[%mul3A_8] : memref<323584xi32, #tpu.memory_space<hbm>> -> memref<10112xi32, #tpu.memory_space<hbm>>
      tpu.enqueue_dma source(%dma_start3A_89 : memref<10112xi32, #tpu.memory_space<hbm>>) target(%arg5 : memref<10112xi32, #tpu.memory_space<vmem>>) target_semaphore(%run_scoped3A_88 : memref<!tpu.dma_semaphore, #tpu.memory_space<semaphore_mem>>)
      %dma_wait3A = tpu.memref_slice %arg2[%mul3A_8] : memref<323584xi32, #tpu.memory_space<hbm>> -> memref<10112xi32, #tpu.memory_space<hbm>>
      %dma_wait3A_90 = tpu.memref_slice %arg2[%mul3A_8] : memref<323584xi32, #tpu.memory_space<hbm>> -> memref<10112xi32, #tpu.memory_space<hbm>>
      tpu.wait_dma2 semaphore(%run_scoped3A_88 : memref<!tpu.dma_semaphore, #tpu.memory_space<semaphore_mem>>) src(%dma_wait3A_90 : memref<10112xi32, #tpu.memory_space<hbm>>) dst(%arg5 : memref<10112xi32, #tpu.memory_space<vmem>>)
      tpu.yield
    }) : () -> ()
    %mul3A_9 = arith.constant 10112 : i32
    %mul3A_10 = arith.muli %add3A, %mul3A_9 : i32
    "tpu.region"() ({
      %run_scoped3A_88 = tpu.sem_alloc : memref<!tpu.dma_semaphore, #tpu.memory_space<semaphore_mem>>
      %dma_start3A = tpu.memref_slice %arg3[%mul3A_10] : memref<323584xf32, #tpu.memory_space<hbm>> -> memref<10112xf32, #tpu.memory_space<hbm>>
      %dma_start3A_89 = tpu.memref_slice %arg3[%mul3A_10] : memref<323584xf32, #tpu.memory_space<hbm>> -> memref<10112xf32, #tpu.memory_space<hbm>>
      tpu.enqueue_dma source(%dma_start3A_89 : memref<10112xf32, #tpu.memory_space<hbm>>) target(%arg6 : memref<10112xf32, #tpu.memory_space<vmem>>) target_semaphore(%run_scoped3A_88 : memref<!tpu.dma_semaphore, #tpu.memory_space<semaphore_mem>>)
      %dma_wait3A = tpu.memref_slice %arg3[%mul3A_10] : memref<323584xf32, #tpu.memory_space<hbm>> -> memref<10112xf32, #tpu.memory_space<hbm>>
      %dma_wait3A_90 = tpu.memref_slice %arg3[%mul3A_10] : memref<323584xf32, #tpu.memory_space<hbm>> -> memref<10112xf32, #tpu.memory_space<hbm>>
      tpu.wait_dma2 semaphore(%run_scoped3A_88 : memref<!tpu.dma_semaphore, #tpu.memory_space<semaphore_mem>>) src(%dma_wait3A_90 : memref<10112xf32, #tpu.memory_space<hbm>>) dst(%arg6 : memref<10112xf32, #tpu.memory_space<vmem>>)
      tpu.yield
    }) : () -> ()
    %scan3A_11 = arith.constant 0 : i32
    %scan3A_12 = arith.constant 0 : i32
    %scan3A_13 = arith.constant 632 : i32
    %scan3A_14 = arith.addi %scan3A_12, %scan3A_13 : i32
    %scan3A_15 = arith.constant 1 : i32
    scf.for %scan3A_88 = %scan3A_12 to %scan3A_14 step %scan3A_15  : i32 {
      %mul3A_89 = arith.constant 16 : i32
      %mul3A_90 = arith.muli %scan3A_88, %mul3A_89 : i32
      %get3A = arith.index_cast %mul3A_90 : i32 to index
      %get3A_91 = tpu.vector_load %arg5[%get3A] {strides = array<i32>} : memref<10112xi32, #tpu.memory_space<vmem>>, vector<16xi32>,
      %mul3A_92 = arith.constant 16 : i32
      %mul3A_93 = arith.muli %scan3A_88, %mul3A_92 : i32
      %get3A_94 = arith.index_cast %mul3A_93 : i32 to index
      %get3A_95 = tpu.vector_load %arg6[%get3A_94] {strides = array<i32>} : memref<10112xf32, #tpu.memory_space<vmem>>, vector<16xf32>,
      tpu.vector_store_idx %arg7[%get3A_91], %get3A_95 {add = true} : memref<10240xf32, #tpu.memory_space<vmem>>[vector<16xi32>], vector<16xf32>,
    }
    %scan3A_16 = arith.constant 632 : i32
    "tpu.region"() ({
      %run_scoped3A_88 = tpu.sem_alloc : memref<!tpu.dma_semaphore, #tpu.memory_space<semaphore_mem>>
      %dma_start3A = arith.constant 0 : i32
      %dma_start3A_89 = tpu.memref_slice %arg10[%arg1, %dma_start3A] : memref<16x10240xf32, #tpu.memory_space<vmem_shared>> -> memref<1x10240xf32, #tpu.memory_space<vmem_shared>>
      %dma_start3A_90 = tpu.memref_squeeze %dma_start3A_89 : memref<1x10240xf32, #tpu.memory_space<vmem_shared>> -> memref<10240xf32, #tpu.memory_space<vmem_shared>>
      %dma_start3A_91 = arith.constant 0 : i32
      %dma_start3A_92 = tpu.memref_slice %arg10[%arg1, %dma_start3A_91] : memref<16x10240xf32, #tpu.memory_space<vmem_shared>> -> memref<1x10240xf32, #tpu.memory_space<vmem_shared>>
      %dma_start3A_93 = tpu.memref_squeeze %dma_start3A_92 : memref<1x10240xf32, #tpu.memory_space<vmem_shared>> -> memref<10240xf32, #tpu.memory_space<vmem_shared>>
      tpu.enqueue_dma source(%arg7 : memref<10240xf32, #tpu.memory_space<vmem>>) target(%dma_start3A_93 : memref<10240xf32, #tpu.memory_space<vmem_shared>>) target_semaphore(%run_scoped3A_88 : memref<!tpu.dma_semaphore, #tpu.memory_space<semaphore_mem>>)
      %dma_wait3A = arith.constant 0 : i32
      %dma_wait3A_94 = tpu.memref_slice %arg10[%arg1, %dma_wait3A] : memref<16x10240xf32, #tpu.memory_space<vmem_shared>> -> memref<1x10240xf32, #tpu.memory_space<vmem_shared>>
      %dma_wait3A_95 = tpu.memref_squeeze %dma_wait3A_94 : memref<1x10240xf32, #tpu.memory_space<vmem_shared>> -> memref<10240xf32, #tpu.memory_space<vmem_shared>>
      %dma_wait3A_96 = arith.constant 0 : i32
      %dma_wait3A_97 = tpu.memref_slice %arg10[%arg1, %dma_wait3A_96] : memref<16x10240xf32, #tpu.memory_space<vmem_shared>> -> memref<1x10240xf32, #tpu.memory_space<vmem_shared>>
      %dma_wait3A_98 = tpu.memref_squeeze %dma_wait3A_97 : memref<1x10240xf32, #tpu.memory_space<vmem_shared>> -> memref<10240xf32, #tpu.memory_space<vmem_shared>>
      tpu.wait_dma2 semaphore(%run_scoped3A_88 : memref<!tpu.dma_semaphore, #tpu.memory_space<semaphore_mem>>) src(%arg7 : memref<10240xf32, #tpu.memory_space<vmem>>) dst(%dma_wait3A_98 : memref<10240xf32, #tpu.memory_space<vmem_shared>>)
      tpu.yield
    }) : () -> ()
    %barrier3A = arith.constant 0 : index
    tpu.barrier barrier_id(%barrier3A)
    %mul3A_17 = arith.constant 640 : i32
    %mul3A_18 = arith.muli %arg1, %mul3A_17 : i32
    %run_scoped3A = arith.constant 0 : i32
    %run_scoped3A_19 = arith.constant 0 : i32
    "tpu.region"() ({
      %run_scoped3A_88 = tpu.sem_alloc : memref<!tpu.dma_semaphore, #tpu.memory_space<semaphore_mem>>
      %dma_start3A = arith.constant 0 : i32
      %dma_start3A_89 = tpu.memref_slice %arg8[%run_scoped3A_19, %dma_start3A] : memref<16x640xf32, #tpu.memory_space<vmem>> -> memref<1x640xf32, #tpu.memory_space<vmem>>
      %dma_start3A_90 = tpu.memref_squeeze %dma_start3A_89 : memref<1x640xf32, #tpu.memory_space<vmem>> -> memref<640xf32, #tpu.memory_space<vmem>>
      %dma_start3A_91 = tpu.memref_slice %arg10[%run_scoped3A, %mul3A_18] : memref<16x10240xf32, #tpu.memory_space<vmem_shared>> -> memref<1x640xf32, #tpu.memory_space<vmem_shared>>
      %dma_start3A_92 = tpu.memref_squeeze %dma_start3A_91 : memref<1x640xf32, #tpu.memory_space<vmem_shared>> -> memref<640xf32, #tpu.memory_space<vmem_shared>>
      %dma_start3A_93 = arith.constant 0 : i32
      %dma_start3A_94 = tpu.memref_slice %arg8[%run_scoped3A_19, %dma_start3A_93] : memref<16x640xf32, #tpu.memory_space<vmem>> -> memref<1x640xf32, #tpu.memory_space<vmem>>
      %dma_start3A_95 = tpu.memref_squeeze %dma_start3A_94 : memref<1x640xf32, #tpu.memory_space<vmem>> -> memref<640xf32, #tpu.memory_space<vmem>>
      %dma_start3A_96 = tpu.memref_slice %arg10[%run_scoped3A, %mul3A_18] : memref<16x10240xf32, #tpu.memory_space<vmem_shared>> -> memref<1x640xf32, #tpu.memory_space<vmem_shared>>
      %dma_start3A_97 = tpu.memref_squeeze %dma_start3A_96 : memref<1x640xf32, #tpu.memory_space<vmem_shared>> -> memref<640xf32, #tpu.memory_space<vmem_shared>>
      tpu.enqueue_dma source(%dma_start3A_97 : memref<640xf32, #tpu.memory_space<vmem_shared>>) target(%dma_start3A_95 : memref<640xf32, #tpu.memory_space<vmem>>) target_semaphore(%run_scoped3A_88 : memref<!tpu.dma_semaphore, #tpu.memory_space<semaphore_mem>>)
      %dma_wait3A = arith.constant 0 : i32
      %dma_wait3A_98 = tpu.memref_slice %arg8[%run_scoped3A_19, %dma_wait3A] : memref<16x640xf32, #tpu.memory_space<vmem>> -> memref<1x640xf32, #tpu.memory_space<vmem>>
      %dma_wait3A_99 = tpu.memref_squeeze %dma_wait3A_98 : memref<1x640xf32, #tpu.memory_space<vmem>> -> memref<640xf32, #tpu.memory_space<vmem>>
      %dma_wait3A_100 = tpu.memref_slice %arg10[%run_scoped3A, %mul3A_18] : memref<16x10240xf32, #tpu.memory_space<vmem_shared>> -> memref<1x640xf32, #tpu.memory_space<vmem_shared>>
      %dma_wait3A_101 = tpu.memref_squeeze %dma_wait3A_100 : memref<1x640xf32, #tpu.memory_space<vmem_shared>> -> memref<640xf32, #tpu.memory_space<vmem_shared>>
      %dma_wait3A_102 = arith.constant 0 : i32
      %dma_wait3A_103 = tpu.memref_slice %arg8[%run_scoped3A_19, %dma_wait3A_102] : memref<16x640xf32, #tpu.memory_space<vmem>> -> memref<1x640xf32, #tpu.memory_space<vmem>>
      %dma_wait3A_104 = tpu.memref_squeeze %dma_wait3A_103 : memref<1x640xf32, #tpu.memory_space<vmem>> -> memref<640xf32, #tpu.memory_space<vmem>>
      %dma_wait3A_105 = tpu.memref_slice %arg10[%run_scoped3A, %mul3A_18] : memref<16x10240xf32, #tpu.memory_space<vmem_shared>> -> memref<1x640xf32, #tpu.memory_space<vmem_shared>>
      %dma_wait3A_106 = tpu.memref_squeeze %dma_wait3A_105 : memref<1x640xf32, #tpu.memory_space<vmem_shared>> -> memref<640xf32, #tpu.memory_space<vmem_shared>>
      tpu.wait_dma2 semaphore(%run_scoped3A_88 : memref<!tpu.dma_semaphore, #tpu.memory_space<semaphore_mem>>) src(%dma_wait3A_106 : memref<640xf32, #tpu.memory_space<vmem_shared>>) dst(%dma_wait3A_104 : memref<640xf32, #tpu.memory_space<vmem>>)
      tpu.yield
    }) : () -> ()
    %mul3A_20 = arith.constant 640 : i32
    %mul3A_21 = arith.muli %arg1, %mul3A_20 : i32
    %run_scoped3A_22 = arith.constant 1 : i32
    %run_scoped3A_23 = arith.constant 1 : i32
    "tpu.region"() ({
      %run_scoped3A_88 = tpu.sem_alloc : memref<!tpu.dma_semaphore, #tpu.memory_space<semaphore_mem>>
      %dma_start3A = arith.constant 0 : i32
      %dma_start3A_89 = tpu.memref_slice %arg8[%run_scoped3A_23, %dma_start3A] : memref<16x640xf32, #tpu.memory_space<vmem>> -> memref<1x640xf32, #tpu.memory_space<vmem>>
      %dma_start3A_90 = tpu.memref_squeeze %dma_start3A_89 : memref<1x640xf32, #tpu.memory_space<vmem>> -> memref<640xf32, #tpu.memory_space<vmem>>
      %dma_start3A_91 = tpu.memref_slice %arg10[%run_scoped3A_22, %mul3A_21] : memref<16x10240xf32, #tpu.memory_space<vmem_shared>> -> memref<1x640xf32, #tpu.memory_space<vmem_shared>>
      %dma_start3A_92 = tpu.memref_squeeze %dma_start3A_91 : memref<1x640xf32, #tpu.memory_space<vmem_shared>> -> memref<640xf32, #tpu.memory_space<vmem_shared>>
      %dma_start3A_93 = arith.constant 0 : i32
      %dma_start3A_94 = tpu.memref_slice %arg8[%run_scoped3A_23, %dma_start3A_93] : memref<16x640xf32, #tpu.memory_space<vmem>> -> memref<1x640xf32, #tpu.memory_space<vmem>>
      %dma_start3A_95 = tpu.memref_squeeze %dma_start3A_94 : memref<1x640xf32, #tpu.memory_space<vmem>> -> memref<640xf32, #tpu.memory_space<vmem>>
      %dma_start3A_96 = tpu.memref_slice %arg10[%run_scoped3A_22, %mul3A_21] : memref<16x10240xf32, #tpu.memory_space<vmem_shared>> -> memref<1x640xf32, #tpu.memory_space<vmem_shared>>
      %dma_start3A_97 = tpu.memref_squeeze %dma_start3A_96 : memref<1x640xf32, #tpu.memory_space<vmem_shared>> -> memref<640xf32, #tpu.memory_space<vmem_shared>>
      tpu.enqueue_dma source(%dma_start3A_97 : memref<640xf32, #tpu.memory_space<vmem_shared>>) target(%dma_start3A_95 : memref<640xf32, #tpu.memory_space<vmem>>) target_semaphore(%run_scoped3A_88 : memref<!tpu.dma_semaphore, #tpu.memory_space<semaphore_mem>>)
      %dma_wait3A = arith.constant 0 : i32
      %dma_wait3A_98 = tpu.memref_slice %arg8[%run_scoped3A_23, %dma_wait3A] : memref<16x640xf32, #tpu.memory_space<vmem>> -> memref<1x640xf32, #tpu.memory_space<vmem>>
      %dma_wait3A_99 = tpu.memref_squeeze %dma_wait3A_98 : memref<1x640xf32, #tpu.memory_space<vmem>> -> memref<640xf32, #tpu.memory_space<vmem>>
      %dma_wait3A_100 = tpu.memref_slice %arg10[%run_scoped3A_22, %mul3A_21] : memref<16x10240xf32, #tpu.memory_space<vmem_shared>> -> memref<1x640xf32, #tpu.memory_space<vmem_shared>>
      %dma_wait3A_101 = tpu.memref_squeeze %dma_wait3A_100 : memref<1x640xf32, #tpu.memory_space<vmem_shared>> -> memref<640xf32, #tpu.memory_space<vmem_shared>>
      %dma_wait3A_102 = arith.constant 0 : i32
      %dma_wait3A_103 = tpu.memref_slice %arg8[%run_scoped3A_23, %dma_wait3A_102] : memref<16x640xf32, #tpu.memory_space<vmem>> -> memref<1x640xf32, #tpu.memory_space<vmem>>
      %dma_wait3A_104 = tpu.memref_squeeze %dma_wait3A_103 : memref<1x640xf32, #tpu.memory_space<vmem>> -> memref<640xf32, #tpu.memory_space<vmem>>
      %dma_wait3A_105 = tpu.memref_slice %arg10[%run_scoped3A_22, %mul3A_21] : memref<16x10240xf32, #tpu.memory_space<vmem_shared>> -> memref<1x640xf32, #tpu.memory_space<vmem_shared>>
      %dma_wait3A_106 = tpu.memref_squeeze %dma_wait3A_105 : memref<1x640xf32, #tpu.memory_space<vmem_shared>> -> memref<640xf32, #tpu.memory_space<vmem_shared>>
      tpu.wait_dma2 semaphore(%run_scoped3A_88 : memref<!tpu.dma_semaphore, #tpu.memory_space<semaphore_mem>>) src(%dma_wait3A_106 : memref<640xf32, #tpu.memory_space<vmem_shared>>) dst(%dma_wait3A_104 : memref<640xf32, #tpu.memory_space<vmem>>)
      tpu.yield
    }) : () -> ()
    %mul3A_24 = arith.constant 640 : i32
    %mul3A_25 = arith.muli %arg1, %mul3A_24 : i32
    %run_scoped3A_26 = arith.constant 2 : i32
    %run_scoped3A_27 = arith.constant 2 : i32
    "tpu.region"() ({
      %run_scoped3A_88 = tpu.sem_alloc : memref<!tpu.dma_semaphore, #tpu.memory_space<semaphore_mem>>
      %dma_start3A = arith.constant 0 : i32
      %dma_start3A_89 = tpu.memref_slice %arg8[%run_scoped3A_27, %dma_start3A] : memref<16x640xf32, #tpu.memory_space<vmem>> -> memref<1x640xf32, #tpu.memory_space<vmem>>
      %dma_start3A_90 = tpu.memref_squeeze %dma_start3A_89 : memref<1x640xf32, #tpu.memory_space<vmem>> -> memref<640xf32, #tpu.memory_space<vmem>>
      %dma_start3A_91 = tpu.memref_slice %arg10[%run_scoped3A_26, %mul3A_25] : memref<16x10240xf32, #tpu.memory_space<vmem_shared>> -> memref<1x640xf32, #tpu.memory_space<vmem_shared>>
      %dma_start3A_92 = tpu.memref_squeeze %dma_start3A_91 : memref<1x640xf32, #tpu.memory_space<vmem_shared>> -> memref<640xf32, #tpu.memory_space<vmem_shared>>
      %dma_start3A_93 = arith.constant 0 : i32
      %dma_start3A_94 = tpu.memref_slice %arg8[%run_scoped3A_27, %dma_start3A_93] : memref<16x640xf32, #tpu.memory_space<vmem>> -> memref<1x640xf32, #tpu.memory_space<vmem>>
      %dma_start3A_95 = tpu.memref_squeeze %dma_start3A_94 : memref<1x640xf32, #tpu.memory_space<vmem>> -> memref<640xf32, #tpu.memory_space<vmem>>
      %dma_start3A_96 = tpu.memref_slice %arg10[%run_scoped3A_26, %mul3A_25] : memref<16x10240xf32, #tpu.memory_space<vmem_shared>> -> memref<1x640xf32, #tpu.memory_space<vmem_shared>>
      %dma_start3A_97 = tpu.memref_squeeze %dma_start3A_96 : memref<1x640xf32, #tpu.memory_space<vmem_shared>> -> memref<640xf32, #tpu.memory_space<vmem_shared>>
      tpu.enqueue_dma source(%dma_start3A_97 : memref<640xf32, #tpu.memory_space<vmem_shared>>) target(%dma_start3A_95 : memref<640xf32, #tpu.memory_space<vmem>>) target_semaphore(%run_scoped3A_88 : memref<!tpu.dma_semaphore, #tpu.memory_space<semaphore_mem>>)
      %dma_wait3A = arith.constant 0 : i32
      %dma_wait3A_98 = tpu.memref_slice %arg8[%run_scoped3A_27, %dma_wait3A] : memref<16x640xf32, #tpu.memory_space<vmem>> -> memref<1x640xf32, #tpu.memory_space<vmem>>
      %dma_wait3A_99 = tpu.memref_squeeze %dma_wait3A_98 : memref<1x640xf32, #tpu.memory_space<vmem>> -> memref<640xf32, #tpu.memory_space<vmem>>
      %dma_wait3A_100 = tpu.memref_slice %arg10[%run_scoped3A_26, %mul3A_25] : memref<16x10240xf32, #tpu.memory_space<vmem_shared>> -> memref<1x640xf32, #tpu.memory_space<vmem_shared>>
      %dma_wait3A_101 = tpu.memref_squeeze %dma_wait3A_100 : memref<1x640xf32, #tpu.memory_space<vmem_shared>> -> memref<640xf32, #tpu.memory_space<vmem_shared>>
      %dma_wait3A_102 = arith.constant 0 : i32
      %dma_wait3A_103 = tpu.memref_slice %arg8[%run_scoped3A_27, %dma_wait3A_102] : memref<16x640xf32, #tpu.memory_space<vmem>> -> memref<1x640xf32, #tpu.memory_space<vmem>>
      %dma_wait3A_104 = tpu.memref_squeeze %dma_wait3A_103 : memref<1x640xf32, #tpu.memory_space<vmem>> -> memref<640xf32, #tpu.memory_space<vmem>>
      %dma_wait3A_105 = tpu.memref_slice %arg10[%run_scoped3A_26, %mul3A_25] : memref<16x10240xf32, #tpu.memory_space<vmem_shared>> -> memref<1x640xf32, #tpu.memory_space<vmem_shared>>
      %dma_wait3A_106 = tpu.memref_squeeze %dma_wait3A_105 : memref<1x640xf32, #tpu.memory_space<vmem_shared>> -> memref<640xf32, #tpu.memory_space<vmem_shared>>
      tpu.wait_dma2 semaphore(%run_scoped3A_88 : memref<!tpu.dma_semaphore, #tpu.memory_space<semaphore_mem>>) src(%dma_wait3A_106 : memref<640xf32, #tpu.memory_space<vmem_shared>>) dst(%dma_wait3A_104 : memref<640xf32, #tpu.memory_space<vmem>>)
      tpu.yield
    }) : () -> ()
    %mul3A_28 = arith.constant 640 : i32
    %mul3A_29 = arith.muli %arg1, %mul3A_28 : i32
    %run_scoped3A_30 = arith.constant 3 : i32
    %run_scoped3A_31 = arith.constant 3 : i32
    "tpu.region"() ({
      %run_scoped3A_88 = tpu.sem_alloc : memref<!tpu.dma_semaphore, #tpu.memory_space<semaphore_mem>>
      %dma_start3A = arith.constant 0 : i32
      %dma_start3A_89 = tpu.memref_slice %arg8[%run_scoped3A_31, %dma_start3A] : memref<16x640xf32, #tpu.memory_space<vmem>> -> memref<1x640xf32, #tpu.memory_space<vmem>>
      %dma_start3A_90 = tpu.memref_squeeze %dma_start3A_89 : memref<1x640xf32, #tpu.memory_space<vmem>> -> memref<640xf32, #tpu.memory_space<vmem>>
      %dma_start3A_91 = tpu.memref_slice %arg10[%run_scoped3A_30, %mul3A_29] : memref<16x10240xf32, #tpu.memory_space<vmem_shared>> -> memref<1x640xf32, #tpu.memory_space<vmem_shared>>
      %dma_start3A_92 = tpu.memref_squeeze %dma_start3A_91 : memref<1x640xf32, #tpu.memory_space<vmem_shared>> -> memref<640xf32, #tpu.memory_space<vmem_shared>>
      %dma_start3A_93 = arith.constant 0 : i32
      %dma_start3A_94 = tpu.memref_slice %arg8[%run_scoped3A_31, %dma_start3A_93] : memref<16x640xf32, #tpu.memory_space<vmem>> -> memref<1x640xf32, #tpu.memory_space<vmem>>
      %dma_start3A_95 = tpu.memref_squeeze %dma_start3A_94 : memref<1x640xf32, #tpu.memory_space<vmem>> -> memref<640xf32, #tpu.memory_space<vmem>>
      %dma_start3A_96 = tpu.memref_slice %arg10[%run_scoped3A_30, %mul3A_29] : memref<16x10240xf32, #tpu.memory_space<vmem_shared>> -> memref<1x640xf32, #tpu.memory_space<vmem_shared>>
      %dma_start3A_97 = tpu.memref_squeeze %dma_start3A_96 : memref<1x640xf32, #tpu.memory_space<vmem_shared>> -> memref<640xf32, #tpu.memory_space<vmem_shared>>
      tpu.enqueue_dma source(%dma_start3A_97 : memref<640xf32, #tpu.memory_space<vmem_shared>>) target(%dma_start3A_95 : memref<640xf32, #tpu.memory_space<vmem>>) target_semaphore(%run_scoped3A_88 : memref<!tpu.dma_semaphore, #tpu.memory_space<semaphore_mem>>)
      %dma_wait3A = arith.constant 0 : i32
      %dma_wait3A_98 = tpu.memref_slice %arg8[%run_scoped3A_31, %dma_wait3A] : memref<16x640xf32, #tpu.memory_space<vmem>> -> memref<1x640xf32, #tpu.memory_space<vmem>>
      %dma_wait3A_99 = tpu.memref_squeeze %dma_wait3A_98 : memref<1x640xf32, #tpu.memory_space<vmem>> -> memref<640xf32, #tpu.memory_space<vmem>>
      %dma_wait3A_100 = tpu.memref_slice %arg10[%run_scoped3A_30, %mul3A_29] : memref<16x10240xf32, #tpu.memory_space<vmem_shared>> -> memref<1x640xf32, #tpu.memory_space<vmem_shared>>
      %dma_wait3A_101 = tpu.memref_squeeze %dma_wait3A_100 : memref<1x640xf32, #tpu.memory_space<vmem_shared>> -> memref<640xf32, #tpu.memory_space<vmem_shared>>
      %dma_wait3A_102 = arith.constant 0 : i32
      %dma_wait3A_103 = tpu.memref_slice %arg8[%run_scoped3A_31, %dma_wait3A_102] : memref<16x640xf32, #tpu.memory_space<vmem>> -> memref<1x640xf32, #tpu.memory_space<vmem>>
      %dma_wait3A_104 = tpu.memref_squeeze %dma_wait3A_103 : memref<1x640xf32, #tpu.memory_space<vmem>> -> memref<640xf32, #tpu.memory_space<vmem>>
      %dma_wait3A_105 = tpu.memref_slice %arg10[%run_scoped3A_30, %mul3A_29] : memref<16x10240xf32, #tpu.memory_space<vmem_shared>> -> memref<1x640xf32, #tpu.memory_space<vmem_shared>>
      %dma_wait3A_106 = tpu.memref_squeeze %dma_wait3A_105 : memref<1x640xf32, #tpu.memory_space<vmem_shared>> -> memref<640xf32, #tpu.memory_space<vmem_shared>>
      tpu.wait_dma2 semaphore(%run_scoped3A_88 : memref<!tpu.dma_semaphore, #tpu.memory_space<semaphore_mem>>) src(%dma_wait3A_106 : memref<640xf32, #tpu.memory_space<vmem_shared>>) dst(%dma_wait3A_104 : memref<640xf32, #tpu.memory_space<vmem>>)
      tpu.yield
    }) : () -> ()
    %mul3A_32 = arith.constant 640 : i32
    %mul3A_33 = arith.muli %arg1, %mul3A_32 : i32
    %run_scoped3A_34 = arith.constant 4 : i32
    %run_scoped3A_35 = arith.constant 4 : i32
    "tpu.region"() ({
      %run_scoped3A_88 = tpu.sem_alloc : memref<!tpu.dma_semaphore, #tpu.memory_space<semaphore_mem>>
      %dma_start3A = arith.constant 0 : i32
      %dma_start3A_89 = tpu.memref_slice %arg8[%run_scoped3A_35, %dma_start3A] : memref<16x640xf32, #tpu.memory_space<vmem>> -> memref<1x640xf32, #tpu.memory_space<vmem>>
      %dma_start3A_90 = tpu.memref_squeeze %dma_start3A_89 : memref<1x640xf32, #tpu.memory_space<vmem>> -> memref<640xf32, #tpu.memory_space<vmem>>
      %dma_start3A_91 = tpu.memref_slice %arg10[%run_scoped3A_34, %mul3A_33] : memref<16x10240xf32, #tpu.memory_space<vmem_shared>> -> memref<1x640xf32, #tpu.memory_space<vmem_shared>>
      %dma_start3A_92 = tpu.memref_squeeze %dma_start3A_91 : memref<1x640xf32, #tpu.memory_space<vmem_shared>> -> memref<640xf32, #tpu.memory_space<vmem_shared>>
      %dma_start3A_93 = arith.constant 0 : i32
      %dma_start3A_94 = tpu.memref_slice %arg8[%run_scoped3A_35, %dma_start3A_93] : memref<16x640xf32, #tpu.memory_space<vmem>> -> memref<1x640xf32, #tpu.memory_space<vmem>>
      %dma_start3A_95 = tpu.memref_squeeze %dma_start3A_94 : memref<1x640xf32, #tpu.memory_space<vmem>> -> memref<640xf32, #tpu.memory_space<vmem>>
      %dma_start3A_96 = tpu.memref_slice %arg10[%run_scoped3A_34, %mul3A_33] : memref<16x10240xf32, #tpu.memory_space<vmem_shared>> -> memref<1x640xf32, #tpu.memory_space<vmem_shared>>
      %dma_start3A_97 = tpu.memref_squeeze %dma_start3A_96 : memref<1x640xf32, #tpu.memory_space<vmem_shared>> -> memref<640xf32, #tpu.memory_space<vmem_shared>>
      tpu.enqueue_dma source(%dma_start3A_97 : memref<640xf32, #tpu.memory_space<vmem_shared>>) target(%dma_start3A_95 : memref<640xf32, #tpu.memory_space<vmem>>) target_semaphore(%run_scoped3A_88 : memref<!tpu.dma_semaphore, #tpu.memory_space<semaphore_mem>>)
      %dma_wait3A = arith.constant 0 : i32
      %dma_wait3A_98 = tpu.memref_slice %arg8[%run_scoped3A_35, %dma_wait3A] : memref<16x640xf32, #tpu.memory_space<vmem>> -> memref<1x640xf32, #tpu.memory_space<vmem>>
      %dma_wait3A_99 = tpu.memref_squeeze %dma_wait3A_98 : memref<1x640xf32, #tpu.memory_space<vmem>> -> memref<640xf32, #tpu.memory_space<vmem>>
      %dma_wait3A_100 = tpu.memref_slice %arg10[%run_scoped3A_34, %mul3A_33] : memref<16x10240xf32, #tpu.memory_space<vmem_shared>> -> memref<1x640xf32, #tpu.memory_space<vmem_shared>>
      %dma_wait3A_101 = tpu.memref_squeeze %dma_wait3A_100 : memref<1x640xf32, #tpu.memory_space<vmem_shared>> -> memref<640xf32, #tpu.memory_space<vmem_shared>>
      %dma_wait3A_102 = arith.constant 0 : i32
      %dma_wait3A_103 = tpu.memref_slice %arg8[%run_scoped3A_35, %dma_wait3A_102] : memref<16x640xf32, #tpu.memory_space<vmem>> -> memref<1x640xf32, #tpu.memory_space<vmem>>
      %dma_wait3A_104 = tpu.memref_squeeze %dma_wait3A_103 : memref<1x640xf32, #tpu.memory_space<vmem>> -> memref<640xf32, #tpu.memory_space<vmem>>
      %dma_wait3A_105 = tpu.memref_slice %arg10[%run_scoped3A_34, %mul3A_33] : memref<16x10240xf32, #tpu.memory_space<vmem_shared>> -> memref<1x640xf32, #tpu.memory_space<vmem_shared>>
      %dma_wait3A_106 = tpu.memref_squeeze %dma_wait3A_105 : memref<1x640xf32, #tpu.memory_space<vmem_shared>> -> memref<640xf32, #tpu.memory_space<vmem_shared>>
      tpu.wait_dma2 semaphore(%run_scoped3A_88 : memref<!tpu.dma_semaphore, #tpu.memory_space<semaphore_mem>>) src(%dma_wait3A_106 : memref<640xf32, #tpu.memory_space<vmem_shared>>) dst(%dma_wait3A_104 : memref<640xf32, #tpu.memory_space<vmem>>)
      tpu.yield
    }) : () -> ()
    %mul3A_36 = arith.constant 640 : i32
    %mul3A_37 = arith.muli %arg1, %mul3A_36 : i32
    %run_scoped3A_38 = arith.constant 5 : i32
    %run_scoped3A_39 = arith.constant 5 : i32
    "tpu.region"() ({
      %run_scoped3A_88 = tpu.sem_alloc : memref<!tpu.dma_semaphore, #tpu.memory_space<semaphore_mem>>
      %dma_start3A = arith.constant 0 : i32
      %dma_start3A_89 = tpu.memref_slice %arg8[%run_scoped3A_39, %dma_start3A] : memref<16x640xf32, #tpu.memory_space<vmem>> -> memref<1x640xf32, #tpu.memory_space<vmem>>
      %dma_start3A_90 = tpu.memref_squeeze %dma_start3A_89 : memref<1x640xf32, #tpu.memory_space<vmem>> -> memref<640xf32, #tpu.memory_space<vmem>>
      %dma_start3A_91 = tpu.memref_slice %arg10[%run_scoped3A_38, %mul3A_37] : memref<16x10240xf32, #tpu.memory_space<vmem_shared>> -> memref<1x640xf32, #tpu.memory_space<vmem_shared>>
      %dma_start3A_92 = tpu.memref_squeeze %dma_start3A_91 : memref<1x640xf32, #tpu.memory_space<vmem_shared>> -> memref<640xf32, #tpu.memory_space<vmem_shared>>
      %dma_start3A_93 = arith.constant 0 : i32
      %dma_start3A_94 = tpu.memref_slice %arg8[%run_scoped3A_39, %dma_start3A_93] : memref<16x640xf32, #tpu.memory_space<vmem>> -> memref<1x640xf32, #tpu.memory_space<vmem>>
      %dma_start3A_95 = tpu.memref_squeeze %dma_start3A_94 : memref<1x640xf32, #tpu.memory_space<vmem>> -> memref<640xf32, #tpu.memory_space<vmem>>
      %dma_start3A_96 = tpu.memref_slice %arg10[%run_scoped3A_38, %mul3A_37] : memref<16x10240xf32, #tpu.memory_space<vmem_shared>> -> memref<1x640xf32, #tpu.memory_space<vmem_shared>>
      %dma_start3A_97 = tpu.memref_squeeze %dma_start3A_96 : memref<1x640xf32, #tpu.memory_space<vmem_shared>> -> memref<640xf32, #tpu.memory_space<vmem_shared>>
      tpu.enqueue_dma source(%dma_start3A_97 : memref<640xf32, #tpu.memory_space<vmem_shared>>) target(%dma_start3A_95 : memref<640xf32, #tpu.memory_space<vmem>>) target_semaphore(%run_scoped3A_88 : memref<!tpu.dma_semaphore, #tpu.memory_space<semaphore_mem>>)
      %dma_wait3A = arith.constant 0 : i32
      %dma_wait3A_98 = tpu.memref_slice %arg8[%run_scoped3A_39, %dma_wait3A] : memref<16x640xf32, #tpu.memory_space<vmem>> -> memref<1x640xf32, #tpu.memory_space<vmem>>
      %dma_wait3A_99 = tpu.memref_squeeze %dma_wait3A_98 : memref<1x640xf32, #tpu.memory_space<vmem>> -> memref<640xf32, #tpu.memory_space<vmem>>
      %dma_wait3A_100 = tpu.memref_slice %arg10[%run_scoped3A_38, %mul3A_37] : memref<16x10240xf32, #tpu.memory_space<vmem_shared>> -> memref<1x640xf32, #tpu.memory_space<vmem_shared>>
      %dma_wait3A_101 = tpu.memref_squeeze %dma_wait3A_100 : memref<1x640xf32, #tpu.memory_space<vmem_shared>> -> memref<640xf32, #tpu.memory_space<vmem_shared>>
      %dma_wait3A_102 = arith.constant 0 : i32
      %dma_wait3A_103 = tpu.memref_slice %arg8[%run_scoped3A_39, %dma_wait3A_102] : memref<16x640xf32, #tpu.memory_space<vmem>> -> memref<1x640xf32, #tpu.memory_space<vmem>>
      %dma_wait3A_104 = tpu.memref_squeeze %dma_wait3A_103 : memref<1x640xf32, #tpu.memory_space<vmem>> -> memref<640xf32, #tpu.memory_space<vmem>>
      %dma_wait3A_105 = tpu.memref_slice %arg10[%run_scoped3A_38, %mul3A_37] : memref<16x10240xf32, #tpu.memory_space<vmem_shared>> -> memref<1x640xf32, #tpu.memory_space<vmem_shared>>
      %dma_wait3A_106 = tpu.memref_squeeze %dma_wait3A_105 : memref<1x640xf32, #tpu.memory_space<vmem_shared>> -> memref<640xf32, #tpu.memory_space<vmem_shared>>
      tpu.wait_dma2 semaphore(%run_scoped3A_88 : memref<!tpu.dma_semaphore, #tpu.memory_space<semaphore_mem>>) src(%dma_wait3A_106 : memref<640xf32, #tpu.memory_space<vmem_shared>>) dst(%dma_wait3A_104 : memref<640xf32, #tpu.memory_space<vmem>>)
      tpu.yield
    }) : () -> ()
    %mul3A_40 = arith.constant 640 : i32
    %mul3A_41 = arith.muli %arg1, %mul3A_40 : i32
    %run_scoped3A_42 = arith.constant 6 : i32
    %run_scoped3A_43 = arith.constant 6 : i32
    "tpu.region"() ({
      %run_scoped3A_88 = tpu.sem_alloc : memref<!tpu.dma_semaphore, #tpu.memory_space<semaphore_mem>>
      %dma_start3A = arith.constant 0 : i32
      %dma_start3A_89 = tpu.memref_slice %arg8[%run_scoped3A_43, %dma_start3A] : memref<16x640xf32, #tpu.memory_space<vmem>> -> memref<1x640xf32, #tpu.memory_space<vmem>>
      %dma_start3A_90 = tpu.memref_squeeze %dma_start3A_89 : memref<1x640xf32, #tpu.memory_space<vmem>> -> memref<640xf32, #tpu.memory_space<vmem>>
      %dma_start3A_91 = tpu.memref_slice %arg10[%run_scoped3A_42, %mul3A_41] : memref<16x10240xf32, #tpu.memory_space<vmem_shared>> -> memref<1x640xf32, #tpu.memory_space<vmem_shared>>
      %dma_start3A_92 = tpu.memref_squeeze %dma_start3A_91 : memref<1x640xf32, #tpu.memory_space<vmem_shared>> -> memref<640xf32, #tpu.memory_space<vmem_shared>>
      %dma_start3A_93 = arith.constant 0 : i32
      %dma_start3A_94 = tpu.memref_slice %arg8[%run_scoped3A_43, %dma_start3A_93] : memref<16x640xf32, #tpu.memory_space<vmem>> -> memref<1x640xf32, #tpu.memory_space<vmem>>
      %dma_start3A_95 = tpu.memref_squeeze %dma_start3A_94 : memref<1x640xf32, #tpu.memory_space<vmem>> -> memref<640xf32, #tpu.memory_space<vmem>>
      %dma_start3A_96 = tpu.memref_slice %arg10[%run_scoped3A_42, %mul3A_41] : memref<16x10240xf32, #tpu.memory_space<vmem_shared>> -> memref<1x640xf32, #tpu.memory_space<vmem_shared>>
      %dma_start3A_97 = tpu.memref_squeeze %dma_start3A_96 : memref<1x640xf32, #tpu.memory_space<vmem_shared>> -> memref<640xf32, #tpu.memory_space<vmem_shared>>
      tpu.enqueue_dma source(%dma_start3A_97 : memref<640xf32, #tpu.memory_space<vmem_shared>>) target(%dma_start3A_95 : memref<640xf32, #tpu.memory_space<vmem>>) target_semaphore(%run_scoped3A_88 : memref<!tpu.dma_semaphore, #tpu.memory_space<semaphore_mem>>)
      %dma_wait3A = arith.constant 0 : i32
      %dma_wait3A_98 = tpu.memref_slice %arg8[%run_scoped3A_43, %dma_wait3A] : memref<16x640xf32, #tpu.memory_space<vmem>> -> memref<1x640xf32, #tpu.memory_space<vmem>>
      %dma_wait3A_99 = tpu.memref_squeeze %dma_wait3A_98 : memref<1x640xf32, #tpu.memory_space<vmem>> -> memref<640xf32, #tpu.memory_space<vmem>>
      %dma_wait3A_100 = tpu.memref_slice %arg10[%run_scoped3A_42, %mul3A_41] : memref<16x10240xf32, #tpu.memory_space<vmem_shared>> -> memref<1x640xf32, #tpu.memory_space<vmem_shared>>
      %dma_wait3A_101 = tpu.memref_squeeze %dma_wait3A_100 : memref<1x640xf32, #tpu.memory_space<vmem_shared>> -> memref<640xf32, #tpu.memory_space<vmem_shared>>
      %dma_wait3A_102 = arith.constant 0 : i32
      %dma_wait3A_103 = tpu.memref_slice %arg8[%run_scoped3A_43, %dma_wait3A_102] : memref<16x640xf32, #tpu.memory_space<vmem>> -> memref<1x640xf32, #tpu.memory_space<vmem>>
      %dma_wait3A_104 = tpu.memref_squeeze %dma_wait3A_103 : memref<1x640xf32, #tpu.memory_space<vmem>> -> memref<640xf32, #tpu.memory_space<vmem>>
      %dma_wait3A_105 = tpu.memref_slice %arg10[%run_scoped3A_42, %mul3A_41] : memref<16x10240xf32, #tpu.memory_space<vmem_shared>> -> memref<1x640xf32, #tpu.memory_space<vmem_shared>>
      %dma_wait3A_106 = tpu.memref_squeeze %dma_wait3A_105 : memref<1x640xf32, #tpu.memory_space<vmem_shared>> -> memref<640xf32, #tpu.memory_space<vmem_shared>>
      tpu.wait_dma2 semaphore(%run_scoped3A_88 : memref<!tpu.dma_semaphore, #tpu.memory_space<semaphore_mem>>) src(%dma_wait3A_106 : memref<640xf32, #tpu.memory_space<vmem_shared>>) dst(%dma_wait3A_104 : memref<640xf32, #tpu.memory_space<vmem>>)
      tpu.yield
    }) : () -> ()
    %mul3A_44 = arith.constant 640 : i32
    %mul3A_45 = arith.muli %arg1, %mul3A_44 : i32
    %run_scoped3A_46 = arith.constant 7 : i32
    %run_scoped3A_47 = arith.constant 7 : i32
    "tpu.region"() ({
      %run_scoped3A_88 = tpu.sem_alloc : memref<!tpu.dma_semaphore, #tpu.memory_space<semaphore_mem>>
      %dma_start3A = arith.constant 0 : i32
      %dma_start3A_89 = tpu.memref_slice %arg8[%run_scoped3A_47, %dma_start3A] : memref<16x640xf32, #tpu.memory_space<vmem>> -> memref<1x640xf32, #tpu.memory_space<vmem>>
      %dma_start3A_90 = tpu.memref_squeeze %dma_start3A_89 : memref<1x640xf32, #tpu.memory_space<vmem>> -> memref<640xf32, #tpu.memory_space<vmem>>
      %dma_start3A_91 = tpu.memref_slice %arg10[%run_scoped3A_46, %mul3A_45] : memref<16x10240xf32, #tpu.memory_space<vmem_shared>> -> memref<1x640xf32, #tpu.memory_space<vmem_shared>>
      %dma_start3A_92 = tpu.memref_squeeze %dma_start3A_91 : memref<1x640xf32, #tpu.memory_space<vmem_shared>> -> memref<640xf32, #tpu.memory_space<vmem_shared>>
      %dma_start3A_93 = arith.constant 0 : i32
      %dma_start3A_94 = tpu.memref_slice %arg8[%run_scoped3A_47, %dma_start3A_93] : memref<16x640xf32, #tpu.memory_space<vmem>> -> memref<1x640xf32, #tpu.memory_space<vmem>>
      %dma_start3A_95 = tpu.memref_squeeze %dma_start3A_94 : memref<1x640xf32, #tpu.memory_space<vmem>> -> memref<640xf32, #tpu.memory_space<vmem>>
      %dma_start3A_96 = tpu.memref_slice %arg10[%run_scoped3A_46, %mul3A_45] : memref<16x10240xf32, #tpu.memory_space<vmem_shared>> -> memref<1x640xf32, #tpu.memory_space<vmem_shared>>
      %dma_start3A_97 = tpu.memref_squeeze %dma_start3A_96 : memref<1x640xf32, #tpu.memory_space<vmem_shared>> -> memref<640xf32, #tpu.memory_space<vmem_shared>>
      tpu.enqueue_dma source(%dma_start3A_97 : memref<640xf32, #tpu.memory_space<vmem_shared>>) target(%dma_start3A_95 : memref<640xf32, #tpu.memory_space<vmem>>) target_semaphore(%run_scoped3A_88 : memref<!tpu.dma_semaphore, #tpu.memory_space<semaphore_mem>>)
      %dma_wait3A = arith.constant 0 : i32
      %dma_wait3A_98 = tpu.memref_slice %arg8[%run_scoped3A_47, %dma_wait3A] : memref<16x640xf32, #tpu.memory_space<vmem>> -> memref<1x640xf32, #tpu.memory_space<vmem>>
      %dma_wait3A_99 = tpu.memref_squeeze %dma_wait3A_98 : memref<1x640xf32, #tpu.memory_space<vmem>> -> memref<640xf32, #tpu.memory_space<vmem>>
      %dma_wait3A_100 = tpu.memref_slice %arg10[%run_scoped3A_46, %mul3A_45] : memref<16x10240xf32, #tpu.memory_space<vmem_shared>> -> memref<1x640xf32, #tpu.memory_space<vmem_shared>>
      %dma_wait3A_101 = tpu.memref_squeeze %dma_wait3A_100 : memref<1x640xf32, #tpu.memory_space<vmem_shared>> -> memref<640xf32, #tpu.memory_space<vmem_shared>>
      %dma_wait3A_102 = arith.constant 0 : i32
      %dma_wait3A_103 = tpu.memref_slice %arg8[%run_scoped3A_47, %dma_wait3A_102] : memref<16x640xf32, #tpu.memory_space<vmem>> -> memref<1x640xf32, #tpu.memory_space<vmem>>
      %dma_wait3A_104 = tpu.memref_squeeze %dma_wait3A_103 : memref<1x640xf32, #tpu.memory_space<vmem>> -> memref<640xf32, #tpu.memory_space<vmem>>
      %dma_wait3A_105 = tpu.memref_slice %arg10[%run_scoped3A_46, %mul3A_45] : memref<16x10240xf32, #tpu.memory_space<vmem_shared>> -> memref<1x640xf32, #tpu.memory_space<vmem_shared>>
      %dma_wait3A_106 = tpu.memref_squeeze %dma_wait3A_105 : memref<1x640xf32, #tpu.memory_space<vmem_shared>> -> memref<640xf32, #tpu.memory_space<vmem_shared>>
      tpu.wait_dma2 semaphore(%run_scoped3A_88 : memref<!tpu.dma_semaphore, #tpu.memory_space<semaphore_mem>>) src(%dma_wait3A_106 : memref<640xf32, #tpu.memory_space<vmem_shared>>) dst(%dma_wait3A_104 : memref<640xf32, #tpu.memory_space<vmem>>)
      tpu.yield
    }) : () -> ()
    %mul3A_48 = arith.constant 640 : i32
    %mul3A_49 = arith.muli %arg1, %mul3A_48 : i32
    %run_scoped3A_50 = arith.constant 8 : i32
    %run_scoped3A_51 = arith.constant 8 : i32
    "tpu.region"() ({
      %run_scoped3A_88 = tpu.sem_alloc : memref<!tpu.dma_semaphore, #tpu.memory_space<semaphore_mem>>
      %dma_start3A = arith.constant 0 : i32
      %dma_start3A_89 = tpu.memref_slice %arg8[%run_scoped3A_51, %dma_start3A] : memref<16x640xf32, #tpu.memory_space<vmem>> -> memref<1x640xf32, #tpu.memory_space<vmem>>
      %dma_start3A_90 = tpu.memref_squeeze %dma_start3A_89 : memref<1x640xf32, #tpu.memory_space<vmem>> -> memref<640xf32, #tpu.memory_space<vmem>>
      %dma_start3A_91 = tpu.memref_slice %arg10[%run_scoped3A_50, %mul3A_49] : memref<16x10240xf32, #tpu.memory_space<vmem_shared>> -> memref<1x640xf32, #tpu.memory_space<vmem_shared>>
      %dma_start3A_92 = tpu.memref_squeeze %dma_start3A_91 : memref<1x640xf32, #tpu.memory_space<vmem_shared>> -> memref<640xf32, #tpu.memory_space<vmem_shared>>
      %dma_start3A_93 = arith.constant 0 : i32
      %dma_start3A_94 = tpu.memref_slice %arg8[%run_scoped3A_51, %dma_start3A_93] : memref<16x640xf32, #tpu.memory_space<vmem>> -> memref<1x640xf32, #tpu.memory_space<vmem>>
      %dma_start3A_95 = tpu.memref_squeeze %dma_start3A_94 : memref<1x640xf32, #tpu.memory_space<vmem>> -> memref<640xf32, #tpu.memory_space<vmem>>
      %dma_start3A_96 = tpu.memref_slice %arg10[%run_scoped3A_50, %mul3A_49] : memref<16x10240xf32, #tpu.memory_space<vmem_shared>> -> memref<1x640xf32, #tpu.memory_space<vmem_shared>>
      %dma_start3A_97 = tpu.memref_squeeze %dma_start3A_96 : memref<1x640xf32, #tpu.memory_space<vmem_shared>> -> memref<640xf32, #tpu.memory_space<vmem_shared>>
      tpu.enqueue_dma source(%dma_start3A_97 : memref<640xf32, #tpu.memory_space<vmem_shared>>) target(%dma_start3A_95 : memref<640xf32, #tpu.memory_space<vmem>>) target_semaphore(%run_scoped3A_88 : memref<!tpu.dma_semaphore, #tpu.memory_space<semaphore_mem>>)
      %dma_wait3A = arith.constant 0 : i32
      %dma_wait3A_98 = tpu.memref_slice %arg8[%run_scoped3A_51, %dma_wait3A] : memref<16x640xf32, #tpu.memory_space<vmem>> -> memref<1x640xf32, #tpu.memory_space<vmem>>
      %dma_wait3A_99 = tpu.memref_squeeze %dma_wait3A_98 : memref<1x640xf32, #tpu.memory_space<vmem>> -> memref<640xf32, #tpu.memory_space<vmem>>
      %dma_wait3A_100 = tpu.memref_slice %arg10[%run_scoped3A_50, %mul3A_49] : memref<16x10240xf32, #tpu.memory_space<vmem_shared>> -> memref<1x640xf32, #tpu.memory_space<vmem_shared>>
      %dma_wait3A_101 = tpu.memref_squeeze %dma_wait3A_100 : memref<1x640xf32, #tpu.memory_space<vmem_shared>> -> memref<640xf32, #tpu.memory_space<vmem_shared>>
      %dma_wait3A_102 = arith.constant 0 : i32
      %dma_wait3A_103 = tpu.memref_slice %arg8[%run_scoped3A_51, %dma_wait3A_102] : memref<16x640xf32, #tpu.memory_space<vmem>> -> memref<1x640xf32, #tpu.memory_space<vmem>>
      %dma_wait3A_104 = tpu.memref_squeeze %dma_wait3A_103 : memref<1x640xf32, #tpu.memory_space<vmem>> -> memref<640xf32, #tpu.memory_space<vmem>>
      %dma_wait3A_105 = tpu.memref_slice %arg10[%run_scoped3A_50, %mul3A_49] : memref<16x10240xf32, #tpu.memory_space<vmem_shared>> -> memref<1x640xf32, #tpu.memory_space<vmem_shared>>
      %dma_wait3A_106 = tpu.memref_squeeze %dma_wait3A_105 : memref<1x640xf32, #tpu.memory_space<vmem_shared>> -> memref<640xf32, #tpu.memory_space<vmem_shared>>
      tpu.wait_dma2 semaphore(%run_scoped3A_88 : memref<!tpu.dma_semaphore, #tpu.memory_space<semaphore_mem>>) src(%dma_wait3A_106 : memref<640xf32, #tpu.memory_space<vmem_shared>>) dst(%dma_wait3A_104 : memref<640xf32, #tpu.memory_space<vmem>>)
      tpu.yield
    }) : () -> ()
    %mul3A_52 = arith.constant 640 : i32
    %mul3A_53 = arith.muli %arg1, %mul3A_52 : i32
    %run_scoped3A_54 = arith.constant 9 : i32
    %run_scoped3A_55 = arith.constant 9 : i32
    "tpu.region"() ({
      %run_scoped3A_88 = tpu.sem_alloc : memref<!tpu.dma_semaphore, #tpu.memory_space<semaphore_mem>>
      %dma_start3A = arith.constant 0 : i32
      %dma_start3A_89 = tpu.memref_slice %arg8[%run_scoped3A_55, %dma_start3A] : memref<16x640xf32, #tpu.memory_space<vmem>> -> memref<1x640xf32, #tpu.memory_space<vmem>>
      %dma_start3A_90 = tpu.memref_squeeze %dma_start3A_89 : memref<1x640xf32, #tpu.memory_space<vmem>> -> memref<640xf32, #tpu.memory_space<vmem>>
      %dma_start3A_91 = tpu.memref_slice %arg10[%run_scoped3A_54, %mul3A_53] : memref<16x10240xf32, #tpu.memory_space<vmem_shared>> -> memref<1x640xf32, #tpu.memory_space<vmem_shared>>
      %dma_start3A_92 = tpu.memref_squeeze %dma_start3A_91 : memref<1x640xf32, #tpu.memory_space<vmem_shared>> -> memref<640xf32, #tpu.memory_space<vmem_shared>>
      %dma_start3A_93 = arith.constant 0 : i32
      %dma_start3A_94 = tpu.memref_slice %arg8[%run_scoped3A_55, %dma_start3A_93] : memref<16x640xf32, #tpu.memory_space<vmem>> -> memref<1x640xf32, #tpu.memory_space<vmem>>
      %dma_start3A_95 = tpu.memref_squeeze %dma_start3A_94 : memref<1x640xf32, #tpu.memory_space<vmem>> -> memref<640xf32, #tpu.memory_space<vmem>>
      %dma_start3A_96 = tpu.memref_slice %arg10[%run_scoped3A_54, %mul3A_53] : memref<16x10240xf32, #tpu.memory_space<vmem_shared>> -> memref<1x640xf32, #tpu.memory_space<vmem_shared>>
      %dma_start3A_97 = tpu.memref_squeeze %dma_start3A_96 : memref<1x640xf32, #tpu.memory_space<vmem_shared>> -> memref<640xf32, #tpu.memory_space<vmem_shared>>
      tpu.enqueue_dma source(%dma_start3A_97 : memref<640xf32, #tpu.memory_space<vmem_shared>>) target(%dma_start3A_95 : memref<640xf32, #tpu.memory_space<vmem>>) target_semaphore(%run_scoped3A_88 : memref<!tpu.dma_semaphore, #tpu.memory_space<semaphore_mem>>)
      %dma_wait3A = arith.constant 0 : i32
      %dma_wait3A_98 = tpu.memref_slice %arg8[%run_scoped3A_55, %dma_wait3A] : memref<16x640xf32, #tpu.memory_space<vmem>> -> memref<1x640xf32, #tpu.memory_space<vmem>>
      %dma_wait3A_99 = tpu.memref_squeeze %dma_wait3A_98 : memref<1x640xf32, #tpu.memory_space<vmem>> -> memref<640xf32, #tpu.memory_space<vmem>>
      %dma_wait3A_100 = tpu.memref_slice %arg10[%run_scoped3A_54, %mul3A_53] : memref<16x10240xf32, #tpu.memory_space<vmem_shared>> -> memref<1x640xf32, #tpu.memory_space<vmem_shared>>
      %dma_wait3A_101 = tpu.memref_squeeze %dma_wait3A_100 : memref<1x640xf32, #tpu.memory_space<vmem_shared>> -> memref<640xf32, #tpu.memory_space<vmem_shared>>
      %dma_wait3A_102 = arith.constant 0 : i32
      %dma_wait3A_103 = tpu.memref_slice %arg8[%run_scoped3A_55, %dma_wait3A_102] : memref<16x640xf32, #tpu.memory_space<vmem>> -> memref<1x640xf32, #tpu.memory_space<vmem>>
      %dma_wait3A_104 = tpu.memref_squeeze %dma_wait3A_103 : memref<1x640xf32, #tpu.memory_space<vmem>> -> memref<640xf32, #tpu.memory_space<vmem>>
      %dma_wait3A_105 = tpu.memref_slice %arg10[%run_scoped3A_54, %mul3A_53] : memref<16x10240xf32, #tpu.memory_space<vmem_shared>> -> memref<1x640xf32, #tpu.memory_space<vmem_shared>>
      %dma_wait3A_106 = tpu.memref_squeeze %dma_wait3A_105 : memref<1x640xf32, #tpu.memory_space<vmem_shared>> -> memref<640xf32, #tpu.memory_space<vmem_shared>>
      tpu.wait_dma2 semaphore(%run_scoped3A_88 : memref<!tpu.dma_semaphore, #tpu.memory_space<semaphore_mem>>) src(%dma_wait3A_106 : memref<640xf32, #tpu.memory_space<vmem_shared>>) dst(%dma_wait3A_104 : memref<640xf32, #tpu.memory_space<vmem>>)
      tpu.yield
    }) : () -> ()
    %mul3A_56 = arith.constant 640 : i32
    %mul3A_57 = arith.muli %arg1, %mul3A_56 : i32
    %run_scoped3A_58 = arith.constant 10 : i32
    %run_scoped3A_59 = arith.constant 10 : i32
    "tpu.region"() ({
      %run_scoped3A_88 = tpu.sem_alloc : memref<!tpu.dma_semaphore, #tpu.memory_space<semaphore_mem>>
      %dma_start3A = arith.constant 0 : i32
      %dma_start3A_89 = tpu.memref_slice %arg8[%run_scoped3A_59, %dma_start3A] : memref<16x640xf32, #tpu.memory_space<vmem>> -> memref<1x640xf32, #tpu.memory_space<vmem>>
      %dma_start3A_90 = tpu.memref_squeeze %dma_start3A_89 : memref<1x640xf32, #tpu.memory_space<vmem>> -> memref<640xf32, #tpu.memory_space<vmem>>
      %dma_start3A_91 = tpu.memref_slice %arg10[%run_scoped3A_58, %mul3A_57] : memref<16x10240xf32, #tpu.memory_space<vmem_shared>> -> memref<1x640xf32, #tpu.memory_space<vmem_shared>>
      %dma_start3A_92 = tpu.memref_squeeze %dma_start3A_91 : memref<1x640xf32, #tpu.memory_space<vmem_shared>> -> memref<640xf32, #tpu.memory_space<vmem_shared>>
      %dma_start3A_93 = arith.constant 0 : i32
      %dma_start3A_94 = tpu.memref_slice %arg8[%run_scoped3A_59, %dma_start3A_93] : memref<16x640xf32, #tpu.memory_space<vmem>> -> memref<1x640xf32, #tpu.memory_space<vmem>>
      %dma_start3A_95 = tpu.memref_squeeze %dma_start3A_94 : memref<1x640xf32, #tpu.memory_space<vmem>> -> memref<640xf32, #tpu.memory_space<vmem>>
      %dma_start3A_96 = tpu.memref_slice %arg10[%run_scoped3A_58, %mul3A_57] : memref<16x10240xf32, #tpu.memory_space<vmem_shared>> -> memref<1x640xf32, #tpu.memory_space<vmem_shared>>
      %dma_start3A_97 = tpu.memref_squeeze %dma_start3A_96 : memref<1x640xf32, #tpu.memory_space<vmem_shared>> -> memref<640xf32, #tpu.memory_space<vmem_shared>>
      tpu.enqueue_dma source(%dma_start3A_97 : memref<640xf32, #tpu.memory_space<vmem_shared>>) target(%dma_start3A_95 : memref<640xf32, #tpu.memory_space<vmem>>) target_semaphore(%run_scoped3A_88 : memref<!tpu.dma_semaphore, #tpu.memory_space<semaphore_mem>>)
      %dma_wait3A = arith.constant 0 : i32
      %dma_wait3A_98 = tpu.memref_slice %arg8[%run_scoped3A_59, %dma_wait3A] : memref<16x640xf32, #tpu.memory_space<vmem>> -> memref<1x640xf32, #tpu.memory_space<vmem>>
      %dma_wait3A_99 = tpu.memref_squeeze %dma_wait3A_98 : memref<1x640xf32, #tpu.memory_space<vmem>> -> memref<640xf32, #tpu.memory_space<vmem>>
      %dma_wait3A_100 = tpu.memref_slice %arg10[%run_scoped3A_58, %mul3A_57] : memref<16x10240xf32, #tpu.memory_space<vmem_shared>> -> memref<1x640xf32, #tpu.memory_space<vmem_shared>>
      %dma_wait3A_101 = tpu.memref_squeeze %dma_wait3A_100 : memref<1x640xf32, #tpu.memory_space<vmem_shared>> -> memref<640xf32, #tpu.memory_space<vmem_shared>>
      %dma_wait3A_102 = arith.constant 0 : i32
      %dma_wait3A_103 = tpu.memref_slice %arg8[%run_scoped3A_59, %dma_wait3A_102] : memref<16x640xf32, #tpu.memory_space<vmem>> -> memref<1x640xf32, #tpu.memory_space<vmem>>
      %dma_wait3A_104 = tpu.memref_squeeze %dma_wait3A_103 : memref<1x640xf32, #tpu.memory_space<vmem>> -> memref<640xf32, #tpu.memory_space<vmem>>
      %dma_wait3A_105 = tpu.memref_slice %arg10[%run_scoped3A_58, %mul3A_57] : memref<16x10240xf32, #tpu.memory_space<vmem_shared>> -> memref<1x640xf32, #tpu.memory_space<vmem_shared>>
      %dma_wait3A_106 = tpu.memref_squeeze %dma_wait3A_105 : memref<1x640xf32, #tpu.memory_space<vmem_shared>> -> memref<640xf32, #tpu.memory_space<vmem_shared>>
      tpu.wait_dma2 semaphore(%run_scoped3A_88 : memref<!tpu.dma_semaphore, #tpu.memory_space<semaphore_mem>>) src(%dma_wait3A_106 : memref<640xf32, #tpu.memory_space<vmem_shared>>) dst(%dma_wait3A_104 : memref<640xf32, #tpu.memory_space<vmem>>)
      tpu.yield
    }) : () -> ()
    %mul3A_60 = arith.constant 640 : i32
    %mul3A_61 = arith.muli %arg1, %mul3A_60 : i32
    %run_scoped3A_62 = arith.constant 11 : i32
    %run_scoped3A_63 = arith.constant 11 : i32
    "tpu.region"() ({
      %run_scoped3A_88 = tpu.sem_alloc : memref<!tpu.dma_semaphore, #tpu.memory_space<semaphore_mem>>
      %dma_start3A = arith.constant 0 : i32
      %dma_start3A_89 = tpu.memref_slice %arg8[%run_scoped3A_63, %dma_start3A] : memref<16x640xf32, #tpu.memory_space<vmem>> -> memref<1x640xf32, #tpu.memory_space<vmem>>
      %dma_start3A_90 = tpu.memref_squeeze %dma_start3A_89 : memref<1x640xf32, #tpu.memory_space<vmem>> -> memref<640xf32, #tpu.memory_space<vmem>>
      %dma_start3A_91 = tpu.memref_slice %arg10[%run_scoped3A_62, %mul3A_61] : memref<16x10240xf32, #tpu.memory_space<vmem_shared>> -> memref<1x640xf32, #tpu.memory_space<vmem_shared>>
      %dma_start3A_92 = tpu.memref_squeeze %dma_start3A_91 : memref<1x640xf32, #tpu.memory_space<vmem_shared>> -> memref<640xf32, #tpu.memory_space<vmem_shared>>
      %dma_start3A_93 = arith.constant 0 : i32
      %dma_start3A_94 = tpu.memref_slice %arg8[%run_scoped3A_63, %dma_start3A_93] : memref<16x640xf32, #tpu.memory_space<vmem>> -> memref<1x640xf32, #tpu.memory_space<vmem>>
      %dma_start3A_95 = tpu.memref_squeeze %dma_start3A_94 : memref<1x640xf32, #tpu.memory_space<vmem>> -> memref<640xf32, #tpu.memory_space<vmem>>
      %dma_start3A_96 = tpu.memref_slice %arg10[%run_scoped3A_62, %mul3A_61] : memref<16x10240xf32, #tpu.memory_space<vmem_shared>> -> memref<1x640xf32, #tpu.memory_space<vmem_shared>>
      %dma_start3A_97 = tpu.memref_squeeze %dma_start3A_96 : memref<1x640xf32, #tpu.memory_space<vmem_shared>> -> memref<640xf32, #tpu.memory_space<vmem_shared>>
      tpu.enqueue_dma source(%dma_start3A_97 : memref<640xf32, #tpu.memory_space<vmem_shared>>) target(%dma_start3A_95 : memref<640xf32, #tpu.memory_space<vmem>>) target_semaphore(%run_scoped3A_88 : memref<!tpu.dma_semaphore, #tpu.memory_space<semaphore_mem>>)
      %dma_wait3A = arith.constant 0 : i32
      %dma_wait3A_98 = tpu.memref_slice %arg8[%run_scoped3A_63, %dma_wait3A] : memref<16x640xf32, #tpu.memory_space<vmem>> -> memref<1x640xf32, #tpu.memory_space<vmem>>
      %dma_wait3A_99 = tpu.memref_squeeze %dma_wait3A_98 : memref<1x640xf32, #tpu.memory_space<vmem>> -> memref<640xf32, #tpu.memory_space<vmem>>
      %dma_wait3A_100 = tpu.memref_slice %arg10[%run_scoped3A_62, %mul3A_61] : memref<16x10240xf32, #tpu.memory_space<vmem_shared>> -> memref<1x640xf32, #tpu.memory_space<vmem_shared>>
      %dma_wait3A_101 = tpu.memref_squeeze %dma_wait3A_100 : memref<1x640xf32, #tpu.memory_space<vmem_shared>> -> memref<640xf32, #tpu.memory_space<vmem_shared>>
      %dma_wait3A_102 = arith.constant 0 : i32
      %dma_wait3A_103 = tpu.memref_slice %arg8[%run_scoped3A_63, %dma_wait3A_102] : memref<16x640xf32, #tpu.memory_space<vmem>> -> memref<1x640xf32, #tpu.memory_space<vmem>>
      %dma_wait3A_104 = tpu.memref_squeeze %dma_wait3A_103 : memref<1x640xf32, #tpu.memory_space<vmem>> -> memref<640xf32, #tpu.memory_space<vmem>>
      %dma_wait3A_105 = tpu.memref_slice %arg10[%run_scoped3A_62, %mul3A_61] : memref<16x10240xf32, #tpu.memory_space<vmem_shared>> -> memref<1x640xf32, #tpu.memory_space<vmem_shared>>
      %dma_wait3A_106 = tpu.memref_squeeze %dma_wait3A_105 : memref<1x640xf32, #tpu.memory_space<vmem_shared>> -> memref<640xf32, #tpu.memory_space<vmem_shared>>
      tpu.wait_dma2 semaphore(%run_scoped3A_88 : memref<!tpu.dma_semaphore, #tpu.memory_space<semaphore_mem>>) src(%dma_wait3A_106 : memref<640xf32, #tpu.memory_space<vmem_shared>>) dst(%dma_wait3A_104 : memref<640xf32, #tpu.memory_space<vmem>>)
      tpu.yield
    }) : () -> ()
    %mul3A_64 = arith.constant 640 : i32
    %mul3A_65 = arith.muli %arg1, %mul3A_64 : i32
    %run_scoped3A_66 = arith.constant 12 : i32
    %run_scoped3A_67 = arith.constant 12 : i32
    "tpu.region"() ({
      %run_scoped3A_88 = tpu.sem_alloc : memref<!tpu.dma_semaphore, #tpu.memory_space<semaphore_mem>>
      %dma_start3A = arith.constant 0 : i32
      %dma_start3A_89 = tpu.memref_slice %arg8[%run_scoped3A_67, %dma_start3A] : memref<16x640xf32, #tpu.memory_space<vmem>> -> memref<1x640xf32, #tpu.memory_space<vmem>>
      %dma_start3A_90 = tpu.memref_squeeze %dma_start3A_89 : memref<1x640xf32, #tpu.memory_space<vmem>> -> memref<640xf32, #tpu.memory_space<vmem>>
      %dma_start3A_91 = tpu.memref_slice %arg10[%run_scoped3A_66, %mul3A_65] : memref<16x10240xf32, #tpu.memory_space<vmem_shared>> -> memref<1x640xf32, #tpu.memory_space<vmem_shared>>
      %dma_start3A_92 = tpu.memref_squeeze %dma_start3A_91 : memref<1x640xf32, #tpu.memory_space<vmem_shared>> -> memref<640xf32, #tpu.memory_space<vmem_shared>>
      %dma_start3A_93 = arith.constant 0 : i32
      %dma_start3A_94 = tpu.memref_slice %arg8[%run_scoped3A_67, %dma_start3A_93] : memref<16x640xf32, #tpu.memory_space<vmem>> -> memref<1x640xf32, #tpu.memory_space<vmem>>
      %dma_start3A_95 = tpu.memref_squeeze %dma_start3A_94 : memref<1x640xf32, #tpu.memory_space<vmem>> -> memref<640xf32, #tpu.memory_space<vmem>>
      %dma_start3A_96 = tpu.memref_slice %arg10[%run_scoped3A_66, %mul3A_65] : memref<16x10240xf32, #tpu.memory_space<vmem_shared>> -> memref<1x640xf32, #tpu.memory_space<vmem_shared>>
      %dma_start3A_97 = tpu.memref_squeeze %dma_start3A_96 : memref<1x640xf32, #tpu.memory_space<vmem_shared>> -> memref<640xf32, #tpu.memory_space<vmem_shared>>
      tpu.enqueue_dma source(%dma_start3A_97 : memref<640xf32, #tpu.memory_space<vmem_shared>>) target(%dma_start3A_95 : memref<640xf32, #tpu.memory_space<vmem>>) target_semaphore(%run_scoped3A_88 : memref<!tpu.dma_semaphore, #tpu.memory_space<semaphore_mem>>)
      %dma_wait3A = arith.constant 0 : i32
      %dma_wait3A_98 = tpu.memref_slice %arg8[%run_scoped3A_67, %dma_wait3A] : memref<16x640xf32, #tpu.memory_space<vmem>> -> memref<1x640xf32, #tpu.memory_space<vmem>>
      %dma_wait3A_99 = tpu.memref_squeeze %dma_wait3A_98 : memref<1x640xf32, #tpu.memory_space<vmem>> -> memref<640xf32, #tpu.memory_space<vmem>>
      %dma_wait3A_100 = tpu.memref_slice %arg10[%run_scoped3A_66, %mul3A_65] : memref<16x10240xf32, #tpu.memory_space<vmem_shared>> -> memref<1x640xf32, #tpu.memory_space<vmem_shared>>
      %dma_wait3A_101 = tpu.memref_squeeze %dma_wait3A_100 : memref<1x640xf32, #tpu.memory_space<vmem_shared>> -> memref<640xf32, #tpu.memory_space<vmem_shared>>
      %dma_wait3A_102 = arith.constant 0 : i32
      %dma_wait3A_103 = tpu.memref_slice %arg8[%run_scoped3A_67, %dma_wait3A_102] : memref<16x640xf32, #tpu.memory_space<vmem>> -> memref<1x640xf32, #tpu.memory_space<vmem>>
      %dma_wait3A_104 = tpu.memref_squeeze %dma_wait3A_103 : memref<1x640xf32, #tpu.memory_space<vmem>> -> memref<640xf32, #tpu.memory_space<vmem>>
      %dma_wait3A_105 = tpu.memref_slice %arg10[%run_scoped3A_66, %mul3A_65] : memref<16x10240xf32, #tpu.memory_space<vmem_shared>> -> memref<1x640xf32, #tpu.memory_space<vmem_shared>>
      %dma_wait3A_106 = tpu.memref_squeeze %dma_wait3A_105 : memref<1x640xf32, #tpu.memory_space<vmem_shared>> -> memref<640xf32, #tpu.memory_space<vmem_shared>>
      tpu.wait_dma2 semaphore(%run_scoped3A_88 : memref<!tpu.dma_semaphore, #tpu.memory_space<semaphore_mem>>) src(%dma_wait3A_106 : memref<640xf32, #tpu.memory_space<vmem_shared>>) dst(%dma_wait3A_104 : memref<640xf32, #tpu.memory_space<vmem>>)
      tpu.yield
    }) : () -> ()
    %mul3A_68 = arith.constant 640 : i32
    %mul3A_69 = arith.muli %arg1, %mul3A_68 : i32
    %run_scoped3A_70 = arith.constant 13 : i32
    %run_scoped3A_71 = arith.constant 13 : i32
    "tpu.region"() ({
      %run_scoped3A_88 = tpu.sem_alloc : memref<!tpu.dma_semaphore, #tpu.memory_space<semaphore_mem>>
      %dma_start3A = arith.constant 0 : i32
      %dma_start3A_89 = tpu.memref_slice %arg8[%run_scoped3A_71, %dma_start3A] : memref<16x640xf32, #tpu.memory_space<vmem>> -> memref<1x640xf32, #tpu.memory_space<vmem>>
      %dma_start3A_90 = tpu.memref_squeeze %dma_start3A_89 : memref<1x640xf32, #tpu.memory_space<vmem>> -> memref<640xf32, #tpu.memory_space<vmem>>
      %dma_start3A_91 = tpu.memref_slice %arg10[%run_scoped3A_70, %mul3A_69] : memref<16x10240xf32, #tpu.memory_space<vmem_shared>> -> memref<1x640xf32, #tpu.memory_space<vmem_shared>>
      %dma_start3A_92 = tpu.memref_squeeze %dma_start3A_91 : memref<1x640xf32, #tpu.memory_space<vmem_shared>> -> memref<640xf32, #tpu.memory_space<vmem_shared>>
      %dma_start3A_93 = arith.constant 0 : i32
      %dma_start3A_94 = tpu.memref_slice %arg8[%run_scoped3A_71, %dma_start3A_93] : memref<16x640xf32, #tpu.memory_space<vmem>> -> memref<1x640xf32, #tpu.memory_space<vmem>>
      %dma_start3A_95 = tpu.memref_squeeze %dma_start3A_94 : memref<1x640xf32, #tpu.memory_space<vmem>> -> memref<640xf32, #tpu.memory_space<vmem>>
      %dma_start3A_96 = tpu.memref_slice %arg10[%run_scoped3A_70, %mul3A_69] : memref<16x10240xf32, #tpu.memory_space<vmem_shared>> -> memref<1x640xf32, #tpu.memory_space<vmem_shared>>
      %dma_start3A_97 = tpu.memref_squeeze %dma_start3A_96 : memref<1x640xf32, #tpu.memory_space<vmem_shared>> -> memref<640xf32, #tpu.memory_space<vmem_shared>>
      tpu.enqueue_dma source(%dma_start3A_97 : memref<640xf32, #tpu.memory_space<vmem_shared>>) target(%dma_start3A_95 : memref<640xf32, #tpu.memory_space<vmem>>) target_semaphore(%run_scoped3A_88 : memref<!tpu.dma_semaphore, #tpu.memory_space<semaphore_mem>>)
      %dma_wait3A = arith.constant 0 : i32
      %dma_wait3A_98 = tpu.memref_slice %arg8[%run_scoped3A_71, %dma_wait3A] : memref<16x640xf32, #tpu.memory_space<vmem>> -> memref<1x640xf32, #tpu.memory_space<vmem>>
      %dma_wait3A_99 = tpu.memref_squeeze %dma_wait3A_98 : memref<1x640xf32, #tpu.memory_space<vmem>> -> memref<640xf32, #tpu.memory_space<vmem>>
      %dma_wait3A_100 = tpu.memref_slice %arg10[%run_scoped3A_70, %mul3A_69] : memref<16x10240xf32, #tpu.memory_space<vmem_shared>> -> memref<1x640xf32, #tpu.memory_space<vmem_shared>>
      %dma_wait3A_101 = tpu.memref_squeeze %dma_wait3A_100 : memref<1x640xf32, #tpu.memory_space<vmem_shared>> -> memref<640xf32, #tpu.memory_space<vmem_shared>>
      %dma_wait3A_102 = arith.constant 0 : i32
      %dma_wait3A_103 = tpu.memref_slice %arg8[%run_scoped3A_71, %dma_wait3A_102] : memref<16x640xf32, #tpu.memory_space<vmem>> -> memref<1x640xf32, #tpu.memory_space<vmem>>
      %dma_wait3A_104 = tpu.memref_squeeze %dma_wait3A_103 : memref<1x640xf32, #tpu.memory_space<vmem>> -> memref<640xf32, #tpu.memory_space<vmem>>
      %dma_wait3A_105 = tpu.memref_slice %arg10[%run_scoped3A_70, %mul3A_69] : memref<16x10240xf32, #tpu.memory_space<vmem_shared>> -> memref<1x640xf32, #tpu.memory_space<vmem_shared>>
      %dma_wait3A_106 = tpu.memref_squeeze %dma_wait3A_105 : memref<1x640xf32, #tpu.memory_space<vmem_shared>> -> memref<640xf32, #tpu.memory_space<vmem_shared>>
      tpu.wait_dma2 semaphore(%run_scoped3A_88 : memref<!tpu.dma_semaphore, #tpu.memory_space<semaphore_mem>>) src(%dma_wait3A_106 : memref<640xf32, #tpu.memory_space<vmem_shared>>) dst(%dma_wait3A_104 : memref<640xf32, #tpu.memory_space<vmem>>)
      tpu.yield
    }) : () -> ()
    %mul3A_72 = arith.constant 640 : i32
    %mul3A_73 = arith.muli %arg1, %mul3A_72 : i32
    %run_scoped3A_74 = arith.constant 14 : i32
    %run_scoped3A_75 = arith.constant 14 : i32
    "tpu.region"() ({
      %run_scoped3A_88 = tpu.sem_alloc : memref<!tpu.dma_semaphore, #tpu.memory_space<semaphore_mem>>
      %dma_start3A = arith.constant 0 : i32
      %dma_start3A_89 = tpu.memref_slice %arg8[%run_scoped3A_75, %dma_start3A] : memref<16x640xf32, #tpu.memory_space<vmem>> -> memref<1x640xf32, #tpu.memory_space<vmem>>
      %dma_start3A_90 = tpu.memref_squeeze %dma_start3A_89 : memref<1x640xf32, #tpu.memory_space<vmem>> -> memref<640xf32, #tpu.memory_space<vmem>>
      %dma_start3A_91 = tpu.memref_slice %arg10[%run_scoped3A_74, %mul3A_73] : memref<16x10240xf32, #tpu.memory_space<vmem_shared>> -> memref<1x640xf32, #tpu.memory_space<vmem_shared>>
      %dma_start3A_92 = tpu.memref_squeeze %dma_start3A_91 : memref<1x640xf32, #tpu.memory_space<vmem_shared>> -> memref<640xf32, #tpu.memory_space<vmem_shared>>
      %dma_start3A_93 = arith.constant 0 : i32
      %dma_start3A_94 = tpu.memref_slice %arg8[%run_scoped3A_75, %dma_start3A_93] : memref<16x640xf32, #tpu.memory_space<vmem>> -> memref<1x640xf32, #tpu.memory_space<vmem>>
      %dma_start3A_95 = tpu.memref_squeeze %dma_start3A_94 : memref<1x640xf32, #tpu.memory_space<vmem>> -> memref<640xf32, #tpu.memory_space<vmem>>
      %dma_start3A_96 = tpu.memref_slice %arg10[%run_scoped3A_74, %mul3A_73] : memref<16x10240xf32, #tpu.memory_space<vmem_shared>> -> memref<1x640xf32, #tpu.memory_space<vmem_shared>>
      %dma_start3A_97 = tpu.memref_squeeze %dma_start3A_96 : memref<1x640xf32, #tpu.memory_space<vmem_shared>> -> memref<640xf32, #tpu.memory_space<vmem_shared>>
      tpu.enqueue_dma source(%dma_start3A_97 : memref<640xf32, #tpu.memory_space<vmem_shared>>) target(%dma_start3A_95 : memref<640xf32, #tpu.memory_space<vmem>>) target_semaphore(%run_scoped3A_88 : memref<!tpu.dma_semaphore, #tpu.memory_space<semaphore_mem>>)
      %dma_wait3A = arith.constant 0 : i32
      %dma_wait3A_98 = tpu.memref_slice %arg8[%run_scoped3A_75, %dma_wait3A] : memref<16x640xf32, #tpu.memory_space<vmem>> -> memref<1x640xf32, #tpu.memory_space<vmem>>
      %dma_wait3A_99 = tpu.memref_squeeze %dma_wait3A_98 : memref<1x640xf32, #tpu.memory_space<vmem>> -> memref<640xf32, #tpu.memory_space<vmem>>
      %dma_wait3A_100 = tpu.memref_slice %arg10[%run_scoped3A_74, %mul3A_73] : memref<16x10240xf32, #tpu.memory_space<vmem_shared>> -> memref<1x640xf32, #tpu.memory_space<vmem_shared>>
      %dma_wait3A_101 = tpu.memref_squeeze %dma_wait3A_100 : memref<1x640xf32, #tpu.memory_space<vmem_shared>> -> memref<640xf32, #tpu.memory_space<vmem_shared>>
      %dma_wait3A_102 = arith.constant 0 : i32
      %dma_wait3A_103 = tpu.memref_slice %arg8[%run_scoped3A_75, %dma_wait3A_102] : memref<16x640xf32, #tpu.memory_space<vmem>> -> memref<1x640xf32, #tpu.memory_space<vmem>>
      %dma_wait3A_104 = tpu.memref_squeeze %dma_wait3A_103 : memref<1x640xf32, #tpu.memory_space<vmem>> -> memref<640xf32, #tpu.memory_space<vmem>>
      %dma_wait3A_105 = tpu.memref_slice %arg10[%run_scoped3A_74, %mul3A_73] : memref<16x10240xf32, #tpu.memory_space<vmem_shared>> -> memref<1x640xf32, #tpu.memory_space<vmem_shared>>
      %dma_wait3A_106 = tpu.memref_squeeze %dma_wait3A_105 : memref<1x640xf32, #tpu.memory_space<vmem_shared>> -> memref<640xf32, #tpu.memory_space<vmem_shared>>
      tpu.wait_dma2 semaphore(%run_scoped3A_88 : memref<!tpu.dma_semaphore, #tpu.memory_space<semaphore_mem>>) src(%dma_wait3A_106 : memref<640xf32, #tpu.memory_space<vmem_shared>>) dst(%dma_wait3A_104 : memref<640xf32, #tpu.memory_space<vmem>>)
      tpu.yield
    }) : () -> ()
    %mul3A_76 = arith.constant 640 : i32
    %mul3A_77 = arith.muli %arg1, %mul3A_76 : i32
    %run_scoped3A_78 = arith.constant 15 : i32
    %run_scoped3A_79 = arith.constant 15 : i32
    "tpu.region"() ({
      %run_scoped3A_88 = tpu.sem_alloc : memref<!tpu.dma_semaphore, #tpu.memory_space<semaphore_mem>>
      %dma_start3A = arith.constant 0 : i32
      %dma_start3A_89 = tpu.memref_slice %arg8[%run_scoped3A_79, %dma_start3A] : memref<16x640xf32, #tpu.memory_space<vmem>> -> memref<1x640xf32, #tpu.memory_space<vmem>>
      %dma_start3A_90 = tpu.memref_squeeze %dma_start3A_89 : memref<1x640xf32, #tpu.memory_space<vmem>> -> memref<640xf32, #tpu.memory_space<vmem>>
      %dma_start3A_91 = tpu.memref_slice %arg10[%run_scoped3A_78, %mul3A_77] : memref<16x10240xf32, #tpu.memory_space<vmem_shared>> -> memref<1x640xf32, #tpu.memory_space<vmem_shared>>
      %dma_start3A_92 = tpu.memref_squeeze %dma_start3A_91 : memref<1x640xf32, #tpu.memory_space<vmem_shared>> -> memref<640xf32, #tpu.memory_space<vmem_shared>>
      %dma_start3A_93 = arith.constant 0 : i32
      %dma_start3A_94 = tpu.memref_slice %arg8[%run_scoped3A_79, %dma_start3A_93] : memref<16x640xf32, #tpu.memory_space<vmem>> -> memref<1x640xf32, #tpu.memory_space<vmem>>
      %dma_start3A_95 = tpu.memref_squeeze %dma_start3A_94 : memref<1x640xf32, #tpu.memory_space<vmem>> -> memref<640xf32, #tpu.memory_space<vmem>>
      %dma_start3A_96 = tpu.memref_slice %arg10[%run_scoped3A_78, %mul3A_77] : memref<16x10240xf32, #tpu.memory_space<vmem_shared>> -> memref<1x640xf32, #tpu.memory_space<vmem_shared>>
      %dma_start3A_97 = tpu.memref_squeeze %dma_start3A_96 : memref<1x640xf32, #tpu.memory_space<vmem_shared>> -> memref<640xf32, #tpu.memory_space<vmem_shared>>
      tpu.enqueue_dma source(%dma_start3A_97 : memref<640xf32, #tpu.memory_space<vmem_shared>>) target(%dma_start3A_95 : memref<640xf32, #tpu.memory_space<vmem>>) target_semaphore(%run_scoped3A_88 : memref<!tpu.dma_semaphore, #tpu.memory_space<semaphore_mem>>)
      %dma_wait3A = arith.constant 0 : i32
      %dma_wait3A_98 = tpu.memref_slice %arg8[%run_scoped3A_79, %dma_wait3A] : memref<16x640xf32, #tpu.memory_space<vmem>> -> memref<1x640xf32, #tpu.memory_space<vmem>>
      %dma_wait3A_99 = tpu.memref_squeeze %dma_wait3A_98 : memref<1x640xf32, #tpu.memory_space<vmem>> -> memref<640xf32, #tpu.memory_space<vmem>>
      %dma_wait3A_100 = tpu.memref_slice %arg10[%run_scoped3A_78, %mul3A_77] : memref<16x10240xf32, #tpu.memory_space<vmem_shared>> -> memref<1x640xf32, #tpu.memory_space<vmem_shared>>
      %dma_wait3A_101 = tpu.memref_squeeze %dma_wait3A_100 : memref<1x640xf32, #tpu.memory_space<vmem_shared>> -> memref<640xf32, #tpu.memory_space<vmem_shared>>
      %dma_wait3A_102 = arith.constant 0 : i32
      %dma_wait3A_103 = tpu.memref_slice %arg8[%run_scoped3A_79, %dma_wait3A_102] : memref<16x640xf32, #tpu.memory_space<vmem>> -> memref<1x640xf32, #tpu.memory_space<vmem>>
      %dma_wait3A_104 = tpu.memref_squeeze %dma_wait3A_103 : memref<1x640xf32, #tpu.memory_space<vmem>> -> memref<640xf32, #tpu.memory_space<vmem>>
      %dma_wait3A_105 = tpu.memref_slice %arg10[%run_scoped3A_78, %mul3A_77] : memref<16x10240xf32, #tpu.memory_space<vmem_shared>> -> memref<1x640xf32, #tpu.memory_space<vmem_shared>>
      %dma_wait3A_106 = tpu.memref_squeeze %dma_wait3A_105 : memref<1x640xf32, #tpu.memory_space<vmem_shared>> -> memref<640xf32, #tpu.memory_space<vmem_shared>>
      tpu.wait_dma2 semaphore(%run_scoped3A_88 : memref<!tpu.dma_semaphore, #tpu.memory_space<semaphore_mem>>) src(%dma_wait3A_106 : memref<640xf32, #tpu.memory_space<vmem_shared>>) dst(%dma_wait3A_104 : memref<640xf32, #tpu.memory_space<vmem>>)
      tpu.yield
    }) : () -> ()
    %scan3A_80 = arith.constant 0 : i32
    %scan3A_81 = arith.constant 0 : i32
    %scan3A_82 = arith.constant 40 : i32
    %scan3A_83 = arith.addi %scan3A_81, %scan3A_82 : i32
    %scan3A_84 = arith.constant 1 : i32
    scf.for %scan3A_88 = %scan3A_81 to %scan3A_83 step %scan3A_84  : i32 {
      %mul3A_89 = arith.constant 16 : i32
      %mul3A_90 = arith.muli %scan3A_88, %mul3A_89 : i32
      %get3A = arith.constant 0 : i32
      %get3A_91 = arith.index_cast %get3A : i32 to index
      %get3A_92 = arith.index_cast %mul3A_90 : i32 to index
      %get3A_93 = tpu.vector_load %arg8[%get3A_91, %get3A_92] {strides = array<i32>} : memref<16x640xf32, #tpu.memory_space<vmem>>, vector<16xf32>,
      %mul3A_94 = arith.constant 16 : i32
      %mul3A_95 = arith.muli %scan3A_88, %mul3A_94 : i32
      %get3A_96 = arith.constant 1 : i32
      %get3A_97 = arith.index_cast %get3A_96 : i32 to index
      %get3A_98 = arith.index_cast %mul3A_95 : i32 to index
      %get3A_99 = tpu.vector_load %arg8[%get3A_97, %get3A_98] {strides = array<i32>} : memref<16x640xf32, #tpu.memory_space<vmem>>, vector<16xf32>,
      %add3A_100 = arith.addf %get3A_93, %get3A_99 : vector<16xf32>
      %mul3A_101 = arith.constant 16 : i32
      %mul3A_102 = arith.muli %scan3A_88, %mul3A_101 : i32
      %get3A_103 = arith.constant 2 : i32
      %get3A_104 = arith.index_cast %get3A_103 : i32 to index
      %get3A_105 = arith.index_cast %mul3A_102 : i32 to index
      %get3A_106 = tpu.vector_load %arg8[%get3A_104, %get3A_105] {strides = array<i32>} : memref<16x640xf32, #tpu.memory_space<vmem>>, vector<16xf32>,
      %add3A_107 = arith.addf %add3A_100, %get3A_106 : vector<16xf32>
      %mul3A_108 = arith.constant 16 : i32
      %mul3A_109 = arith.muli %scan3A_88, %mul3A_108 : i32
      %get3A_110 = arith.constant 3 : i32
      %get3A_111 = arith.index_cast %get3A_110 : i32 to index
      %get3A_112 = arith.index_cast %mul3A_109 : i32 to index
      %get3A_113 = tpu.vector_load %arg8[%get3A_111, %get3A_112] {strides = array<i32>} : memref<16x640xf32, #tpu.memory_space<vmem>>, vector<16xf32>,
      %add3A_114 = arith.addf %add3A_107, %get3A_113 : vector<16xf32>
      %mul3A_115 = arith.constant 16 : i32
      %mul3A_116 = arith.muli %scan3A_88, %mul3A_115 : i32
      %get3A_117 = arith.constant 4 : i32
      %get3A_118 = arith.index_cast %get3A_117 : i32 to index
      %get3A_119 = arith.index_cast %mul3A_116 : i32 to index
      %get3A_120 = tpu.vector_load %arg8[%get3A_118, %get3A_119] {strides = array<i32>} : memref<16x640xf32, #tpu.memory_space<vmem>>, vector<16xf32>,
      %add3A_121 = arith.addf %add3A_114, %get3A_120 : vector<16xf32>
      %mul3A_122 = arith.constant 16 : i32
      %mul3A_123 = arith.muli %scan3A_88, %mul3A_122 : i32
      %get3A_124 = arith.constant 5 : i32
      %get3A_125 = arith.index_cast %get3A_124 : i32 to index
      %get3A_126 = arith.index_cast %mul3A_123 : i32 to index
      %get3A_127 = tpu.vector_load %arg8[%get3A_125, %get3A_126] {strides = array<i32>} : memref<16x640xf32, #tpu.memory_space<vmem>>, vector<16xf32>,
      %add3A_128 = arith.addf %add3A_121, %get3A_127 : vector<16xf32>
      %mul3A_129 = arith.constant 16 : i32
      %mul3A_130 = arith.muli %scan3A_88, %mul3A_129 : i32
      %get3A_131 = arith.constant 6 : i32
      %get3A_132 = arith.index_cast %get3A_131 : i32 to index
      %get3A_133 = arith.index_cast %mul3A_130 : i32 to index
      %get3A_134 = tpu.vector_load %arg8[%get3A_132, %get3A_133] {strides = array<i32>} : memref<16x640xf32, #tpu.memory_space<vmem>>, vector<16xf32>,
      %add3A_135 = arith.addf %add3A_128, %get3A_134 : vector<16xf32>
      %mul3A_136 = arith.constant 16 : i32
      %mul3A_137 = arith.muli %scan3A_88, %mul3A_136 : i32
      %get3A_138 = arith.constant 7 : i32
      %get3A_139 = arith.index_cast %get3A_138 : i32 to index
      %get3A_140 = arith.index_cast %mul3A_137 : i32 to index
      %get3A_141 = tpu.vector_load %arg8[%get3A_139, %get3A_140] {strides = array<i32>} : memref<16x640xf32, #tpu.memory_space<vmem>>, vector<16xf32>,
      %add3A_142 = arith.addf %add3A_135, %get3A_141 : vector<16xf32>
      %mul3A_143 = arith.constant 16 : i32
      %mul3A_144 = arith.muli %scan3A_88, %mul3A_143 : i32
      %get3A_145 = arith.constant 8 : i32
      %get3A_146 = arith.index_cast %get3A_145 : i32 to index
      %get3A_147 = arith.index_cast %mul3A_144 : i32 to index
      %get3A_148 = tpu.vector_load %arg8[%get3A_146, %get3A_147] {strides = array<i32>} : memref<16x640xf32, #tpu.memory_space<vmem>>, vector<16xf32>,
      %add3A_149 = arith.addf %add3A_142, %get3A_148 : vector<16xf32>
      %mul3A_150 = arith.constant 16 : i32
      %mul3A_151 = arith.muli %scan3A_88, %mul3A_150 : i32
      %get3A_152 = arith.constant 9 : i32
      %get3A_153 = arith.index_cast %get3A_152 : i32 to index
      %get3A_154 = arith.index_cast %mul3A_151 : i32 to index
      %get3A_155 = tpu.vector_load %arg8[%get3A_153, %get3A_154] {strides = array<i32>} : memref<16x640xf32, #tpu.memory_space<vmem>>, vector<16xf32>,
      %add3A_156 = arith.addf %add3A_149, %get3A_155 : vector<16xf32>
      %mul3A_157 = arith.constant 16 : i32
      %mul3A_158 = arith.muli %scan3A_88, %mul3A_157 : i32
      %get3A_159 = arith.constant 10 : i32
      %get3A_160 = arith.index_cast %get3A_159 : i32 to index
      %get3A_161 = arith.index_cast %mul3A_158 : i32 to index
      %get3A_162 = tpu.vector_load %arg8[%get3A_160, %get3A_161] {strides = array<i32>} : memref<16x640xf32, #tpu.memory_space<vmem>>, vector<16xf32>,
      %add3A_163 = arith.addf %add3A_156, %get3A_162 : vector<16xf32>
      %mul3A_164 = arith.constant 16 : i32
      %mul3A_165 = arith.muli %scan3A_88, %mul3A_164 : i32
      %get3A_166 = arith.constant 11 : i32
      %get3A_167 = arith.index_cast %get3A_166 : i32 to index
      %get3A_168 = arith.index_cast %mul3A_165 : i32 to index
      %get3A_169 = tpu.vector_load %arg8[%get3A_167, %get3A_168] {strides = array<i32>} : memref<16x640xf32, #tpu.memory_space<vmem>>, vector<16xf32>,
      %add3A_170 = arith.addf %add3A_163, %get3A_169 : vector<16xf32>
      %mul3A_171 = arith.constant 16 : i32
      %mul3A_172 = arith.muli %scan3A_88, %mul3A_171 : i32
      %get3A_173 = arith.constant 12 : i32
      %get3A_174 = arith.index_cast %get3A_173 : i32 to index
      %get3A_175 = arith.index_cast %mul3A_172 : i32 to index
      %get3A_176 = tpu.vector_load %arg8[%get3A_174, %get3A_175] {strides = array<i32>} : memref<16x640xf32, #tpu.memory_space<vmem>>, vector<16xf32>,
      %add3A_177 = arith.addf %add3A_170, %get3A_176 : vector<16xf32>
      %mul3A_178 = arith.constant 16 : i32
      %mul3A_179 = arith.muli %scan3A_88, %mul3A_178 : i32
      %get3A_180 = arith.constant 13 : i32
      %get3A_181 = arith.index_cast %get3A_180 : i32 to index
      %get3A_182 = arith.index_cast %mul3A_179 : i32 to index
      %get3A_183 = tpu.vector_load %arg8[%get3A_181, %get3A_182] {strides = array<i32>} : memref<16x640xf32, #tpu.memory_space<vmem>>, vector<16xf32>,
      %add3A_184 = arith.addf %add3A_177, %get3A_183 : vector<16xf32>
      %mul3A_185 = arith.constant 16 : i32
      %mul3A_186 = arith.muli %scan3A_88, %mul3A_185 : i32
      %get3A_187 = arith.constant 14 : i32
      %get3A_188 = arith.index_cast %get3A_187 : i32 to index
      %get3A_189 = arith.index_cast %mul3A_186 : i32 to index
      %get3A_190 = tpu.vector_load %arg8[%get3A_188, %get3A_189] {strides = array<i32>} : memref<16x640xf32, #tpu.memory_space<vmem>>, vector<16xf32>,
      %add3A_191 = arith.addf %add3A_184, %get3A_190 : vector<16xf32>
      %mul3A_192 = arith.constant 16 : i32
      %mul3A_193 = arith.muli %scan3A_88, %mul3A_192 : i32
      %get3A_194 = arith.constant 15 : i32
      %get3A_195 = arith.index_cast %get3A_194 : i32 to index
      %get3A_196 = arith.index_cast %mul3A_193 : i32 to index
      %get3A_197 = tpu.vector_load %arg8[%get3A_195, %get3A_196] {strides = array<i32>} : memref<16x640xf32, #tpu.memory_space<vmem>>, vector<16xf32>,
      %add3A_198 = arith.addf %add3A_191, %get3A_197 : vector<16xf32>
      %mul3A_199 = arith.constant 16 : i32
      %mul3A_200 = arith.muli %scan3A_88, %mul3A_199 : i32
      %swap3A = arith.index_cast %mul3A_200 : i32 to index
      %swap3A_201 = tpu.vector_load %arg9[%swap3A] {strides = array<i32>} : memref<640xf32, #tpu.memory_space<vmem>>, vector<16xf32>,
      tpu.vector_store %arg9[%swap3A], %add3A_198 {strides = array<i32>} : memref<640xf32, #tpu.memory_space<vmem>>, vector<16xf32>,
    }
    %scan3A_85 = arith.constant 40 : i32
    %mul3A_86 = arith.constant 640 : i32
    %mul3A_87 = arith.muli %arg1, %mul3A_86 : i32
    "tpu.region"() ({
      %run_scoped3A_88 = tpu.sem_alloc : memref<!tpu.dma_semaphore, #tpu.memory_space<semaphore_mem>>
      %dma_start3A = tpu.memref_slice %arg4[%arg0, %mul3A_87] : memref<2x10240xf32, #tpu.memory_space<hbm>> -> memref<1x640xf32, #tpu.memory_space<hbm>>
      %dma_start3A_89 = tpu.memref_squeeze %dma_start3A : memref<1x640xf32, #tpu.memory_space<hbm>> -> memref<640xf32, #tpu.memory_space<hbm>>
      %dma_start3A_90 = tpu.memref_slice %arg4[%arg0, %mul3A_87] : memref<2x10240xf32, #tpu.memory_space<hbm>> -> memref<1x640xf32, #tpu.memory_space<hbm>>
      %dma_start3A_91 = tpu.memref_squeeze %dma_start3A_90 : memref<1x640xf32, #tpu.memory_space<hbm>> -> memref<640xf32, #tpu.memory_space<hbm>>
      tpu.enqueue_dma source(%arg9 : memref<640xf32, #tpu.memory_space<vmem>>) target(%dma_start3A_91 : memref<640xf32, #tpu.memory_space<hbm>>) target_semaphore(%run_scoped3A_88 : memref<!tpu.dma_semaphore, #tpu.memory_space<semaphore_mem>>)
      %dma_wait3A = tpu.memref_slice %arg4[%arg0, %mul3A_87] : memref<2x10240xf32, #tpu.memory_space<hbm>> -> memref<1x640xf32, #tpu.memory_space<hbm>>
      %dma_wait3A_92 = tpu.memref_squeeze %dma_wait3A : memref<1x640xf32, #tpu.memory_space<hbm>> -> memref<640xf32, #tpu.memory_space<hbm>>
      %dma_wait3A_93 = tpu.memref_slice %arg4[%arg0, %mul3A_87] : memref<2x10240xf32, #tpu.memory_space<hbm>> -> memref<1x640xf32, #tpu.memory_space<hbm>>
      %dma_wait3A_94 = tpu.memref_squeeze %dma_wait3A_93 : memref<1x640xf32, #tpu.memory_space<hbm>> -> memref<640xf32, #tpu.memory_space<hbm>>
      tpu.wait_dma2 semaphore(%run_scoped3A_88 : memref<!tpu.dma_semaphore, #tpu.memory_space<semaphore_mem>>) src(%arg9 : memref<640xf32, #tpu.memory_space<vmem>>) dst(%dma_wait3A_94 : memref<640xf32, #tpu.memory_space<hbm>>)
      tpu.yield
    }) : () -> ()
    return
  }
}

module attributes {stable_mosaic.version = 14 : i64} {
  func.func @_tc1_body(%arg0: i32, %arg1: memref<1024x128xf32, #tpu.memory_space<vmem>>, %arg2: memref<128x128xf32, #tpu.memory_space<vmem>>, %arg3: memref<1024x2xf32, #tpu.memory_space<vmem>>, %arg4: memref<1024x128xf32, #tpu.memory_space<vmem>>, %arg5: memref<1024x1xf32, #tpu.memory_space<vmem>>) attributes {dimension_semantics = [#tpu.dimension_semantics<arbitrary>], iteration_bounds = array<i64: 10>, scalar_prefetch = 0 : i64, scratch_operands = 0 : i64, tpu.core_type = #tpu.core_type<tc>, window_params = [{transform_indices = @transform_0, window_bounds = array<i64: 1024, 128>}, {pipeline_mode = #tpu.pipeline_mode<synchronous>, transform_indices = @transform_1, window_bounds = array<i64: 128, 128>}, {transform_indices = @transform_2, window_bounds = array<i64: 1024, 2>}, {transform_indices = @transform_3, window_bounds = array<i64: 1024, 128>}, {transform_indices = @transform_4, window_bounds = array<i64: 1024, 1>}]} {
    %get3A = arith.constant 0 : index
    %get3A_0 = arith.constant 0 : index
    %get3A_1 = vector.load %arg1[%get3A, %get3A_0] : memref<1024x128xf32, #tpu.memory_space<vmem>>, vector<1024x128xf32>
    %get3A_2 = arith.constant 0 : index
    %get3A_3 = arith.constant 0 : index
    %get3A_4 = vector.load %arg2[%get3A_2, %get3A_3] : memref<128x128xf32, #tpu.memory_space<vmem>>, vector<128x128xf32>
    %dot_general3A = arith.constant dense<0.000000e+00> : vector<1024x128xf32>
    %dot_general3A_5 = tpu.matmul %get3A_1, %get3A_4, %dot_general3A {dimension_numbers = #tpu.dot_dimension_numbers<[1], [0], [0], [1], [0, 0, 1, 1], [], []>, transpose_lhs_hint = false} : vector<1024x128xf32>, vector<128x128xf32>, vector<1024x128xf32> -> vector<1024x128xf32>
    %get3A_6 = arith.constant 0 : index
    %get3A_7 = arith.constant 0 : index
    %get3A_8 = vector.load %arg3[%get3A_6, %get3A_7] : memref<1024x2xf32, #tpu.memory_space<vmem>>, vector<1024x1xf32>
    %get3A_9 = arith.constant 0 : index
    %get3A_10 = arith.constant 1 : index
    %get3A_11 = vector.load %arg3[%get3A_9, %get3A_10] : memref<1024x2xf32, #tpu.memory_space<vmem>>, vector<1024x1xf32>
    %add3A = arith.addf %get3A_8, %get3A_11 : vector<1024x1xf32>
    %add3A_12 = arith.constant 1.000000e+00 : f32
    %add3A_13 = vector.broadcast %add3A_12 : f32 to vector<1024x1xf32>
    %add3A_14 = arith.addf %add3A, %add3A_13 : vector<1024x1xf32>
    %rsqrt3A = math.rsqrt %add3A_14 : vector<1024x1xf32>
    %mul3A = vector.broadcast %rsqrt3A : vector<1024x1xf32> to vector<1024x128xf32>
    %mul3A_15 = arith.mulf %dot_general3A_5, %mul3A : vector<1024x128xf32>
    %swap3A = arith.constant 0 : index
    %swap3A_16 = arith.constant 0 : index
    %swap3A_17 = vector.load %arg4[%swap3A, %swap3A_16] : memref<1024x128xf32, #tpu.memory_space<vmem>>, vector<1024x128xf32>
    tpu.vector_store %arg4[%swap3A, %swap3A_16], %mul3A_15 {strides = array<i32>} : memref<1024x128xf32, #tpu.memory_space<vmem>>, vector<1024x128xf32>,
    %swap3A_18 = arith.constant 0 : index
    %swap3A_19 = arith.constant 0 : index
    %swap3A_20 = vector.load %arg5[%swap3A_18, %swap3A_19] : memref<1024x1xf32, #tpu.memory_space<vmem>>, vector<1024x1xf32>
    tpu.vector_store %arg5[%swap3A_18, %swap3A_19], %rsqrt3A {strides = array<i32>} : memref<1024x1xf32, #tpu.memory_space<vmem>>, vector<1024x1xf32>,
    return
  }
  func.func @transform_0(%arg0: i32) -> (i32, i32) {
    %c0_i32 = arith.constant 0 : i32
    %c0_i32_0 = arith.constant 0 : i32
    return %arg0, %c0_i32 : i32, i32
  }
  func.func @transform_1(%arg0: i32) -> (i32, i32) {
    %c0_i32 = arith.constant 0 : i32
    %c0_i32_0 = arith.constant 0 : i32
    %c0_i32_1 = arith.constant 0 : i32
    return %c0_i32, %c0_i32_0 : i32, i32
  }
  func.func @transform_2(%arg0: i32) -> (i32, i32) {
    %c0_i32 = arith.constant 0 : i32
    %c0_i32_0 = arith.constant 0 : i32
    return %arg0, %c0_i32 : i32, i32
  }
  func.func @transform_3(%arg0: i32) -> (i32, i32) {
    %c0_i32 = arith.constant 0 : i32
    %c0_i32_0 = arith.constant 0 : i32
    return %arg0, %c0_i32 : i32, i32
  }
  func.func @transform_4(%arg0: i32) -> (i32, i32) {
    %c0_i32 = arith.constant 0 : i32
    %c0_i32_0 = arith.constant 0 : i32
    return %arg0, %c0_i32 : i32, i32
  }
}

module attributes {stable_mosaic.version = 14 : i64} {
  func.func @_tc2_body(%arg0: i32, %arg1: memref<1024x128xf32, #tpu.memory_space<vmem>>, %arg2: memref<1024x128xf32, #tpu.memory_space<vmem>>, %arg3: memref<1024x128xf32, #tpu.memory_space<vmem>>, %arg4: memref<1024x1xf32, #tpu.memory_space<vmem>>, %arg5: memref<1x128xf32, #tpu.memory_space<vmem>>, %arg6: memref<128x128xf32, #tpu.memory_space<vmem>>, %arg7: memref<1024x128xf32, #tpu.memory_space<vmem>>) attributes {dimension_semantics = [#tpu.dimension_semantics<arbitrary>], iteration_bounds = array<i64: 10>, scalar_prefetch = 0 : i64, scratch_operands = 0 : i64, tpu.core_type = #tpu.core_type<tc>, window_params = [{transform_indices = @transform_0, window_bounds = array<i64: 1024, 128>}, {transform_indices = @transform_1, window_bounds = array<i64: 1024, 128>}, {transform_indices = @transform_2, window_bounds = array<i64: 1024, 128>}, {transform_indices = @transform_3, window_bounds = array<i64: 1024, 1>}, {pipeline_mode = #tpu.pipeline_mode<synchronous>, transform_indices = @transform_4, window_bounds = array<i64: 1, 128>}, {pipeline_mode = #tpu.pipeline_mode<synchronous>, transform_indices = @transform_5, window_bounds = array<i64: 128, 128>}, {transform_indices = @transform_6, window_bounds = array<i64: 1024, 128>}]} {
    %get3A = arith.constant 0 : index
    %get3A_0 = arith.constant 0 : index
    %get3A_1 = vector.load %arg1[%get3A, %get3A_0] : memref<1024x128xf32, #tpu.memory_space<vmem>>, vector<1024x128xf32>
    %get3A_2 = arith.constant 0 : index
    %get3A_3 = arith.constant 0 : index
    %get3A_4 = vector.load %arg2[%get3A_2, %get3A_3] : memref<1024x128xf32, #tpu.memory_space<vmem>>, vector<1024x128xf32>
    %add3A = arith.addf %get3A_1, %get3A_4 : vector<1024x128xf32>
    %get3A_5 = arith.constant 0 : index
    %get3A_6 = arith.constant 0 : index
    %get3A_7 = vector.load %arg3[%get3A_5, %get3A_6] : memref<1024x128xf32, #tpu.memory_space<vmem>>, vector<1024x128xf32>
    %add3A_8 = arith.addf %add3A, %get3A_7 : vector<1024x128xf32>
    %get3A_9 = arith.constant 0 : index
    %get3A_10 = arith.constant 0 : index
    %get3A_11 = vector.load %arg4[%get3A_9, %get3A_10] : memref<1024x1xf32, #tpu.memory_space<vmem>>, vector<1024x1xf32>
    %mul3A = vector.broadcast %get3A_11 : vector<1024x1xf32> to vector<1024x128xf32>
    %mul3A_12 = arith.mulf %add3A_8, %mul3A : vector<1024x128xf32>
    %get3A_13 = arith.constant 0 : index
    %get3A_14 = arith.constant 0 : index
    %get3A_15 = vector.load %arg5[%get3A_13, %get3A_14] : memref<1x128xf32, #tpu.memory_space<vmem>>, vector<1x128xf32>
    %add3A_16 = vector.broadcast %get3A_15 : vector<1x128xf32> to vector<1024x128xf32>
    %add3A_17 = arith.addf %mul3A_12, %add3A_16 : vector<1024x128xf32>
    %max3A = arith.constant 0.000000e+00 : f32
    %max3A_18 = vector.broadcast %max3A : f32 to vector<1024x128xf32>
    %max3A_19 = arith.maximumf %add3A_17, %max3A_18 : vector<1024x128xf32>
    %get3A_20 = arith.constant 0 : index
    %get3A_21 = arith.constant 0 : index
    %get3A_22 = vector.load %arg6[%get3A_20, %get3A_21] : memref<128x128xf32, #tpu.memory_space<vmem>>, vector<128x128xf32>
    %dot_general3A = arith.constant dense<0.000000e+00> : vector<1024x128xf32>
    %dot_general3A_23 = tpu.matmul %max3A_19, %get3A_22, %dot_general3A {dimension_numbers = #tpu.dot_dimension_numbers<[1], [0], [0], [1], [0, 0, 1, 1], [], []>, transpose_lhs_hint = false} : vector<1024x128xf32>, vector<128x128xf32>, vector<1024x128xf32> -> vector<1024x128xf32>
    %get3A_24 = arith.constant 0 : index
    %get3A_25 = arith.constant 0 : index
    %get3A_26 = vector.load %arg4[%get3A_24, %get3A_25] : memref<1024x1xf32, #tpu.memory_space<vmem>>, vector<1024x1xf32>
    %mul3A_27 = vector.broadcast %get3A_26 : vector<1024x1xf32> to vector<1024x128xf32>
    %mul3A_28 = arith.mulf %dot_general3A_23, %mul3A_27 : vector<1024x128xf32>
    %swap3A = arith.constant 0 : index
    %swap3A_29 = arith.constant 0 : index
    %swap3A_30 = vector.load %arg7[%swap3A, %swap3A_29] : memref<1024x128xf32, #tpu.memory_space<vmem>>, vector<1024x128xf32>
    tpu.vector_store %arg7[%swap3A, %swap3A_29], %mul3A_28 {strides = array<i32>} : memref<1024x128xf32, #tpu.memory_space<vmem>>, vector<1024x128xf32>,
    return
  }
  func.func @transform_0(%arg0: i32) -> (i32, i32) {
    %c0_i32 = arith.constant 0 : i32
    %c0_i32_0 = arith.constant 0 : i32
    return %arg0, %c0_i32 : i32, i32
  }
  func.func @transform_1(%arg0: i32) -> (i32, i32) {
    %c0_i32 = arith.constant 0 : i32
    %c0_i32_0 = arith.constant 0 : i32
    return %arg0, %c0_i32 : i32, i32
  }
  func.func @transform_2(%arg0: i32) -> (i32, i32) {
    %c0_i32 = arith.constant 0 : i32
    %c0_i32_0 = arith.constant 0 : i32
    return %arg0, %c0_i32 : i32, i32
  }
  func.func @transform_3(%arg0: i32) -> (i32, i32) {
    %c0_i32 = arith.constant 0 : i32
    %c0_i32_0 = arith.constant 0 : i32
    return %arg0, %c0_i32 : i32, i32
  }
  func.func @transform_4(%arg0: i32) -> (i32, i32) {
    %c0_i32 = arith.constant 0 : i32
    %c0_i32_0 = arith.constant 0 : i32
    %c0_i32_1 = arith.constant 0 : i32
    return %c0_i32, %c0_i32_0 : i32, i32
  }
  func.func @transform_5(%arg0: i32) -> (i32, i32) {
    %c0_i32 = arith.constant 0 : i32
    %c0_i32_0 = arith.constant 0 : i32
    %c0_i32_1 = arith.constant 0 : i32
    return %c0_i32, %c0_i32_0 : i32, i32
  }
  func.func @transform_6(%arg0: i32) -> (i32, i32) {
    %c0_i32 = arith.constant 0 : i32
    %c0_i32_0 = arith.constant 0 : i32
    return %arg0, %c0_i32 : i32, i32
  }
}

module attributes {stable_mosaic.version = 14 : i64} {
  func.func @_tc3_body(%arg0: i32, %arg1: memref<1024x128xf32, #tpu.memory_space<vmem>>, %arg2: memref<1024x128xf32, #tpu.memory_space<vmem>>, %arg3: memref<1024x128xf32, #tpu.memory_space<vmem>>, %arg4: memref<1024x1xf32, #tpu.memory_space<vmem>>, %arg5: memref<1x128xf32, #tpu.memory_space<vmem>>, %arg6: memref<1024x128xf32, #tpu.memory_space<vmem>>) attributes {dimension_semantics = [#tpu.dimension_semantics<arbitrary>], iteration_bounds = array<i64: 10>, scalar_prefetch = 0 : i64, scratch_operands = 0 : i64, tpu.core_type = #tpu.core_type<tc>, window_params = [{transform_indices = @transform_0, window_bounds = array<i64: 1024, 128>}, {transform_indices = @transform_1, window_bounds = array<i64: 1024, 128>}, {transform_indices = @transform_2, window_bounds = array<i64: 1024, 128>}, {transform_indices = @transform_3, window_bounds = array<i64: 1024, 1>}, {pipeline_mode = #tpu.pipeline_mode<synchronous>, transform_indices = @transform_4, window_bounds = array<i64: 1, 128>}, {transform_indices = @transform_5, window_bounds = array<i64: 1024, 128>}]} {
    %get3A = arith.constant 0 : index
    %get3A_0 = arith.constant 0 : index
    %get3A_1 = vector.load %arg1[%get3A, %get3A_0] : memref<1024x128xf32, #tpu.memory_space<vmem>>, vector<1024x128xf32>
    %get3A_2 = arith.constant 0 : index
    %get3A_3 = arith.constant 0 : index
    %get3A_4 = vector.load %arg2[%get3A_2, %get3A_3] : memref<1024x128xf32, #tpu.memory_space<vmem>>, vector<1024x128xf32>
    %add3A = arith.addf %get3A_1, %get3A_4 : vector<1024x128xf32>
    %get3A_5 = arith.constant 0 : index
    %get3A_6 = arith.constant 0 : index
    %get3A_7 = vector.load %arg3[%get3A_5, %get3A_6] : memref<1024x128xf32, #tpu.memory_space<vmem>>, vector<1024x128xf32>
    %add3A_8 = arith.addf %add3A, %get3A_7 : vector<1024x128xf32>
    %get3A_9 = arith.constant 0 : index
    %get3A_10 = arith.constant 0 : index
    %get3A_11 = vector.load %arg4[%get3A_9, %get3A_10] : memref<1024x1xf32, #tpu.memory_space<vmem>>, vector<1024x1xf32>
    %mul3A = vector.broadcast %get3A_11 : vector<1024x1xf32> to vector<1024x128xf32>
    %mul3A_12 = arith.mulf %add3A_8, %mul3A : vector<1024x128xf32>
    %get3A_13 = arith.constant 0 : index
    %get3A_14 = arith.constant 0 : index
    %get3A_15 = vector.load %arg5[%get3A_13, %get3A_14] : memref<1x128xf32, #tpu.memory_space<vmem>>, vector<1x128xf32>
    %add3A_16 = vector.broadcast %get3A_15 : vector<1x128xf32> to vector<1024x128xf32>
    %add3A_17 = arith.addf %mul3A_12, %add3A_16 : vector<1024x128xf32>
    %swap3A = arith.constant 0 : index
    %swap3A_18 = arith.constant 0 : index
    %swap3A_19 = vector.load %arg6[%swap3A, %swap3A_18] : memref<1024x128xf32, #tpu.memory_space<vmem>>, vector<1024x128xf32>
    tpu.vector_store %arg6[%swap3A, %swap3A_18], %add3A_17 {strides = array<i32>} : memref<1024x128xf32, #tpu.memory_space<vmem>>, vector<1024x128xf32>,
    return
  }
  func.func @transform_0(%arg0: i32) -> (i32, i32) {
    %c0_i32 = arith.constant 0 : i32
    %c0_i32_0 = arith.constant 0 : i32
    return %arg0, %c0_i32 : i32, i32
  }
  func.func @transform_1(%arg0: i32) -> (i32, i32) {
    %c0_i32 = arith.constant 0 : i32
    %c0_i32_0 = arith.constant 0 : i32
    return %arg0, %c0_i32 : i32, i32
  }
  func.func @transform_2(%arg0: i32) -> (i32, i32) {
    %c0_i32 = arith.constant 0 : i32
    %c0_i32_0 = arith.constant 0 : i32
    return %arg0, %c0_i32 : i32, i32
  }
  func.func @transform_3(%arg0: i32) -> (i32, i32) {
    %c0_i32 = arith.constant 0 : i32
    %c0_i32_0 = arith.constant 0 : i32
    return %arg0, %c0_i32 : i32, i32
  }
  func.func @transform_4(%arg0: i32) -> (i32, i32) {
    %c0_i32 = arith.constant 0 : i32
    %c0_i32_0 = arith.constant 0 : i32
    %c0_i32_1 = arith.constant 0 : i32
    return %c0_i32, %c0_i32_0 : i32, i32
  }
  func.func @transform_5(%arg0: i32) -> (i32, i32) {
    %c0_i32 = arith.constant 0 : i32
    %c0_i32_0 = arith.constant 0 : i32
    return %arg0, %c0_i32 : i32, i32
  }
}

</mosaic_0001>

<sc_bundles>
// kernel: kernel.11.cloned.1.call-start
scs
__scs_entry_jumppad:
0x0: {  	(pc) =	sbr.rel $0x88, $3  }
0x1: {  	(tag) =	ssettag $0x0;
	lr =	simm.s32 $0x1  }
0x2: {  	[smem:$0x3F9A] =	sst lr;
	_ =	strace $0xD0000000  }
0x3: {  	_ = 	snop  }
0x4: {  	_ = 	snop  }
0x5: {  	_ = 	snop  }
0x6: {  	_ = 	snop  }
0x7: {  	_ = 	snop  }
__scs_overlays_trampoline_lowered:
0x8: {  	[smem:$0x3FA9] =	sst s0  }
0x9: {  	[smem:$0x3FAA] =	sst s1  }
0xa: {  	[smem:$0x3FAB] =	sst s2  }
0xb: {  	[smem:$0x3FAC] =	sst s3  }
0xc: {  	[smem:$0x3FAD] =	sst s4  }
0xd: {  	[smem:$0x3FAE] =	sst s5  }
0xe: {  	[smem:$0x3FAF] =	sst s6  }
0xf: {  	[smem:$0x3FB0] =	sst s7  }
0x10: {  	[smem:$0x3FB1] =	sst s8  }
0x11: {  	[smem:$0x3FB2] =	sst s9;
	s0 =	simm.s32 @!p0 $0x0  }
0x12: {  	s1 =	sld [smem:$0x3F98];
	s0 =	simm.s32 @p0 $0x1  }
0x13: {  	[smem:$0x3FB3] =	sst s0;
	s0 =	simm.s32 @!p1 $0x0  }
0x14: {  	s2 =	sld [smem:$0x3F97];
	s0 =	simm.s32 @p1 $0x1  }
0x15: {  	[smem:$0x3FB4] =	sst s0;
	s0 =	simm.s32 @!p2 $0x0  }
0x16: {  	s3 =	sld [smem:$0x3FDB];
	s0 =	simm.s32 @p2 $0x1  }
0x17: {  	s4 =	simm.s32 $0x1BF5;
	[smem:$0x3FB6] =	sst s0  }
0x18: {  	s0 =	sld [smem:$0x3F99];
	_ =	swait.ge [sflag:s4], $0x0  }
0x19: {  	s7 =	sld [smem:$0x3F9A]  }
0x1a: {  	s8 =	sadd.s32 $0xFFFFE003, lr  }
0x1b: {  	s9 =	sadd.s32 $0xFFFFFEF7, lr;
	s5 =	simm.s32 $0xFFFFFFFF;
	p2 =	slt.u32 s8, $0xFFFFF086  }
0x1c: {  	p1 =	slt.u32 s9, $0xF7A;
	s5 =	simm.s32 @!p2 $0x0  }
0x1d: {  	s5 =	simm.s32 @p1 $0x1;
	p0 =	seq.s32 s7, s2  }
0x1e: {  	s7 =	smul.u32 @!p0 $0xF7A, s2;
	p2 =	seq.s32 @!p0 s5, $0x0  }
0x1f: {  	s9 =	smul.u32 $0xF7A, s1;
	s8 =	simm.s32 @!p0 $0x1BF5;
	p2 =	por !p2, p0  }
0x20: {  	[sflag:s8] =	ssyncset.s32 @!p0 $0xFFFFF086;
	s6 =	sadd.s32 @!p0 s3, s7;
	s7 =	simm.s32 @!p0 $0x108  }
0x21: {  	s3 =	sadd.s32 s3, s9;
	s6 =	sadd.s32 @!p0 $0x88, s6;
	s7 =	simm.s32 @p2 $0x1082  }
0x22: {  	[simem:s7], [sflag:s8] =	dma.local @!p0 [hbm:s6], $0xF7A  }
0x23: {  	s9 =	sor.u32 $0xD0000000, s2;
	s6 =	simm.s32 $0x108;
	_ =	swait.ge @!p0 [sflag:s8], $0x0  }
0x24: {  	s3 =	sadd.s32 $0x88, s3;
	s6 =	simm.s32 @!p1 $0x1082;
	[sflag:s4] =	ssyncset.s32 $0xFFFFF086  }
0x25: {  	[simem:s6], [sflag:s4] =	dma.local [hbm:s3], $0xF7A  }
0x26: {  	[smem:$0x3F9A] =	sst s1;
	(tag) =	ssettag s2;
	_ =	strace s9  }
0x27: {  	s1 =	sld [smem:$0x3FAA]  }
0x28: {  	s2 =	sld [smem:$0x3FAB]  }
0x29: {  	s4 =	sld [smem:$0x3FAD]  }
0x2a: {  	p0 =	seq.s32 s5, $0x0;
	s5 =	sld [smem:$0x3FAE]  }
0x2b: {  	s6 =	sld [smem:$0x3FAF]  }
0x2c: {  	s7 =	sld [smem:$0x3FB0]  }
0x2d: {  	s3 =	simm.s32 $0x108;
	s8 =	sld [smem:$0x3FB1]  }
0x2e: {  	s3 =	simm.s32 @!p0 $0x1082;
	s9 =	sld [smem:$0x3FB2]  }
0x2f: {  	lr =	sadd.s32 s0, s3;
	s0 =	sld [smem:$0x3FA9]  }
0x30: {  	s3 =	sld [smem:$0x3FAC]  }
0x31: {  	[smem:$0x3FB5] =	sst s10  }
0x32: {  	s10 =	sld [smem:$0x3FB3];
	_ =	sdelay $0x3  }
0x33: {  	p0 =	seq.s32 s10, $0x1;
	s10 =	sld [smem:$0x3FB5];
	_ =	sdelay $0x3  }
0x34: {  	[smem:$0x3FB5] =	sst s10  }
0x35: {  	s10 =	sld [smem:$0x3FB4];
	_ =	sdelay $0x3  }
0x36: {  	p1 =	seq.s32 s10, $0x1;
	s10 =	sld [smem:$0x3FB5];
	_ =	sdelay $0x3  }
0x37: {  	[smem:$0x3FB5] =	sst s10  }
0x38: {  	s10 =	sld [smem:$0x3FB6]  }
0x39: {  	_ = 	snop;
	(pc) =	sbr.ind lr, $3  }
0x3a: {  	_ = 	snop  }
0x3b: {  	_ = 	snop  }
0x3c: {  	p2 =	seq.s32 s10, $0x1;
	s10 =	sld [smem:$0x3FB5]  }
0x3d: {  	_ =	shalt  }
0x3e: {  	_ =	shalt  }
0x3f: {  	_ =	shalt  }
0x40: {  	_ =	shalt  }
0x41: {  	_ =	shalt  }
0x42: {  	_ =	shalt  }
0x43: {  	_ =	shalt  }
0x44: {  	_ =	shalt  }
0x45: {  	_ =	shalt  }
0x46: {  	_ =	shalt  }
0x47: {  	_ =	shalt  }
0x48: {  	_ =	shalt  }
0x49: {  	_ =	shalt  }
0x4a: {  	_ =	shalt  }
0x4b: {  	_ =	shalt  }
0x4c: {  	_ =	shalt  }
0x4d: {  	_ =	shalt  }
0x4e: {  	_ =	shalt  }
0x4f: {  	_ =	shalt  }
0x50: {  	_ =	shalt  }
0x51: {  	_ =	shalt  }
0x52: {  	_ =	shalt  }
0x53: {  	_ =	shalt  }
0x54: {  	_ =	shalt  }
0x55: {  	_ =	shalt  }
0x56: {  	_ =	shalt  }
0x57: {  	_ =	shalt  }
0x58: {  	_ =	shalt  }
0x59: {  	_ =	shalt  }
0x5a: {  	_ =	shalt  }
0x5b: {  	_ =	shalt  }
0x5c: {  	_ =	shalt  }
0x5d: {  	_ =	shalt  }
0x5e: {  	_ =	shalt  }
0x5f: {  	_ =	shalt  }
0x60: {  	_ =	shalt  }
0x61: {  	_ =	shalt  }
0x62: {  	_ =	shalt  }
0x63: {  	_ =	shalt  }
0x64: {  	_ =	shalt  }
0x65: {  	_ =	shalt  }
0x66: {  	_ =	shalt  }
0x67: {  	_ =	shalt  }
0x68: {  	_ =	shalt  }
0x69: {  	_ =	shalt  }
0x6a: {  	_ =	shalt  }
0x6b: {  	_ =	shalt  }
0x6c: {  	_ =	shalt  }
0x6d: {  	_ =	shalt  }
0x6e: {  	_ =	shalt  }
0x6f: {  	_ =	shalt  }
0x70: {  	_ =	shalt  }
0x71: {  	_ =	shalt  }
0x72: {  	_ =	shalt  }
0x73: {  	_ =	shalt  }
0x74: {  	_ =	shalt  }
0x75: {  	_ =	shalt  }
0x76: {  	_ =	shalt  }
0x77: {  	_ =	shalt  }
0x78: {  	_ =	shalt  }
0x79: {  	_ =	shalt  }
0x7a: {  	_ =	shalt  }
0x7b: {  	_ =	shalt  }
0x7c: {  	_ =	shalt  }
0x7d: {  	_ =	shalt  }
0x7e: {  	_ =	shalt  }
0x7f: {  	_ =	shalt  }
0x80: {  	_ =	shalt  }
0x81: {  	_ =	shalt  }
0x82: {  	_ =	shalt  }
0x83: {  	_ =	shalt  }
0x84: {  	_ =	shalt  }
0x85: {  	_ =	shalt  }
0x86: {  	_ =	shalt  }
0x87: {  	_ =	shalt  }
.Lfunc_end0:
.L_simem_size_0:
called_computation.1_lowered:
.L_overlay_start_0:
0x88: {  	s2 =	sld [smem:$0x3FD9]  }
0x89: {  	s3 =	sld [smem:$0x3FFE];
	_ =	sdelay $0x1  }
0x8a: {  	s1 =	srdreg.scid  }
0x8b: {  	s0 =	sand.u32 $0x1, s1  }
0x8c: {  	s17 =	sshll.u32 s0, $0xA;
	s2 =	sadd.s32 s3, s2  }
0x8d: {  	s2 =	sadd.s32 s2, s17  }
0x8e: {  	[smem:$0x3FC1] =	sst s2  }
0x8f: {  	_ = 	snop  }
0x90: {  	s2 =	sld [smem:$0x3FD0];
	(tm) =	ssettm $0x1  }
0x91: {  	s18 =	sld [smem:$0x3FFB];
	_ =	sdelay $0x3  }
0x92: {  	_ =	strace s18  }
0x93: {  	s3 =	sld [smem:$0x3FFC];
	_ =	sdelay $0x3  }
0x94: {  	_ =	strace s3  }
0x95: {  	s3 =	sld [smem:$0x3FFD];
	_ =	sdelay $0x3  }
0x96: {  	_ =	strace s3  }
0x97: {  	_ =	strace $0x8FFFFFFF  }
0x98: {  	s19 =	sld [smem:$0x3FDB];
	_ =	sdelay $0x1  }
0x99: {  	s4 =	simm.s32 $_scs_section_size  }
0x9a: {  	s5 =	simm.s32 $_size__tile_overlayer_lowered;
	s6 =	simm.s32 $_tile_overlayer_lowered  }
0x9b: {  	s22 =	simm.s32 $0x1BFF;
	s21 =	sshll.u32 s6, $0x1;
	s3 =	sadd.s32 s4, s19  }
0x9c: {  	s7 =	simm.s32 $0x0;
	s20 =	sshll.u32 s5, $0x1;
	s5 =	sadd.s32 s21, s3  }
0x9d: {  	[timem:s7], [sflag:s22] =	dma.local [hbm:s5], s20  }
0x9e: {  	_ =	swait.ge [sflag:s22], s20  }
0x9f: {  	s4 =	ssub.s32 $0x0, s20;
	[sflag:s22] =	ssyncset.done $0x0  }
0xa0: {  	[sflag:s22] =	ssyncadd.s32 s4;
	_ =	sdelay $0x1  }
0xa1: {  	s23 =	simm.s32 $0x1B8B  }
0xa2: {  	_ =	swait.ge [sflag:s23], $0x1  }
0xa3: {  	[sflag:s23] =	ssyncset.done $0x0  }
0xa4: {  	s25 =	simm.s32 $0x1B8E;
	s24 =	sld [smem:$0x3FFE];
	[sflag:s23] =	ssyncadd.s32 $0xFFFFFFFF  }
0xa5: {  	s26 =	simm.s32 $execute0_lowered;
	[smem:$0x3FD2] =	sst s25  }
0xa6: {  	s5 =	sshll.u32 s26, $0x1;
	_ =	strace $0x80000049;
	[dreg:$0x1] =	wrdreg $0xFFFFFFFF  }
0xa7: {  	s28 =	simm.s32 $_size_execute0_lowered;
	s3 =	sadd.s32 s3, s5;
	[dreg:$0x0] =	wrdreg $0x0  }
0xa8: {  	s5 =	sshll.u32 s28, $0x1;
	[dreg:$0x2] =	wrdreg s3  }
0xa9: {  	[dreg:$0x3] =	wrdreg s5  }
0xaa: {  	[dreg:$0x4] =	wrdreg $0xC0  }
0xab: {  	_ =	task [dreg:s7], $0x5FFFF  }
0xac: {  	[dreg:$0x1] =	wrdreg $0xFFFFFFFF  }
0xad: {  	[dreg:$0x0] =	wrdreg $0x60  }
0xae: {  	[dreg:$0x2] =	wrdreg s24  }
0xaf: {  	[dreg:$0x3] =	wrdreg s2  }
0xb0: {  	[dreg:$0x4] =	wrdreg $0xB7800  }
0xb1: {  	[dreg:$0x5] =	wrdreg $0x9  }
0xb2: {  	_ =	task.clear_ibuf [dreg:s7], $0x6FFFF;
	_ =	strace $0x90000049  }
0xb3: {  	s29 =	simm.s32 $0x9;
	_ =	strace $0x8000004B  }
0xb4: {  	_ =	swait.ge [sflag:s29], $0x1  }
0xb5: {  	[sflag:s29] =	ssyncadd.s32 $0xFFFFFFFF  }
0xb6: {  	_ =	strace $0x9000004B  }
0xb7: {  	_ =	sfence  }
0xb8: {  	s30 =	sld [smem:$0x0];
	_ =	sdelay $0x2  }
0xb9: {  	s31 =	sshll.u32 s1, $0xD;
	s1 =	sshrl.u32 s1, $0x2  }
0xba: {  	s3 =	sand.u32 $0x4000, s31;
	s1 =	sadd.s32 s1, s30  }
0xbb: {  	s0 =	sor.u32 s3, s0;
	s1 =	sshll.u32 s1, $0x11  }
0xbc: {  	s0 =	sor.u32 s1, s0  }
0xbd: {  	s0 =	sadd.s32 $0x8F2B, s0  }
0xbe: {  	[sflag:s0] =	ssyncadd.remote.s32 $0x1  }
0xbf: {  	_ =	sfence.sel $0xFFFF  }
0xc0: {  	[dreg:$0x0] =	wrdreg $0xFFFFFFFF;
	(pc) =	sbr.abs _section_cstart, $3  }
0xc1: {  	[dreg:$0x1] =	wrdreg $0xFFFFFFFF  }
0xc2: {  	_ =	task.clear_ibuf [dreg:s7], $0x2FFFF;
	_ =	strace $0x9FFFFFFF  }
0xc3: {  	(tm) =	ssettm $0x7FFFFFFF  }
tec
execute0_lowered:
.L_overlay_start_1:
0x0: {  	(tag) =	ssettag $0x1  }
0x1: {  	s1 =	srdreg.scid;
	s6 =	rddreg [dreg:$0x0]  }
0x2: {  	s0 =	stileid.u32;
	s8 =	rddreg [dreg:$0x1]  }
0x3: {  	s2 =	rddreg [dreg:$0x2];
	s3 =	simm.s32 $0x0;
	s16 =	simm.s32 $0x80  }
0x4: {  	s17 =	simm.s32 $0x7780;
	s18 =	simm.s32 $0x0;
	s10 =	smul.u32 $0x14000, s0  }
0x5: {  	s7 =	sand.u32 $0x1, s1;
	s28 =	sshll.u32 s0, $0x1;
	s13 =	smul.u32 $0x50000, s0  }
0x6: {  	s1 =	rddreg [dreg:$0x3];
	s4 =	sor.u32 s7, s28;
	s5 =	smul.u32 $0x140000, s7  }
0x7: {  	[smem:$0x7FF] =	sst s3;
	s14 =	sshll.u32 s0, $0x6;
	s9 =	smul.u32 $0x500, s4  }
0x8: {  	_ =	strace $0x8000004A;
	s31 =	ssub.s32 $0x2, s7;
	s11 =	smul.u32 $0x4F0, s4  }
0x9: {  	s4 =	sadd.s32 $0x21400, s6;
	s7 =	sshrl.u32 s31, $0x1;
	s13 =	sshrl.u32 s13, $0x2  }
0xa: {  	s5 =	sadd.s32 s10, s5;
	s15 =	ssub.s32 s31, s7;
	s13 =	sadd.s32 s13, s2  }
0xb: {  	s12 =	sadd.s32 s9, s6;
	s29 =	sadd.s32 s11, s6;
	s30 =	sshrl.u32 s5, $0x3  }
0xc: {  	s5 =	sadd.s32 $0xCC00, s6;
	s7 =	sadd.s32 s8, s9;
	s11 =	sadd.s32 s30, s6  }
0xd: {  	s6 =	sor.u32 $0x1C01, s14;
	s8 =	sadd.s32 $0x17400, s12;
	s9 =	sadd.s32 $0x2E00, s29  }
0xe: {  	s12 =	sshrl.u32 s13, $0x3;
	s13 =	simm.s32 $0x1;
	s14 =	simm.s32 $0x2800  }
0xf: {  	s10 =	sadd.s32 $0x71400, s11;
	s11 =	smax.u32 s15, $0x1;
	s15 =	simm.s32 $0x5000  }
.LBB2_1:
0x10: {  	[spmem:s12], [sflag:s6] =	dma.local [hbm:s5], $0x2800  }
0x11: {  	_ =	swait.ge [sflag:s13], $0x2800  }
0x12: {  	[sflag:s13] =	ssyncset.done $0x0  }
0x13: {  	[sflag:s13] =	ssyncadd.s32 $0xFFFFD800  }
0x14: {  	[tilespmem:s3], [sflag:$0x1] =	stream.linear.gather [hbm4b:s7+s3], $0x2780, $0x38;
	[tilespmem:$0x1F780] =	vst v63  }
0x15: {  	_ =	swait.ge [sflag:s13], $0x2780  }
0x16: {  	[sflag:s13] =	ssyncset.done $0x0  }
0x17: {  	[sflag:s13] =	ssyncadd.s32 $0xFFFFD880  }
0x18: {  	[tilespmem:s14], [sflag:$0x1] =	stream.linear.gather [hbm4b:s8+s3], $0x2780, $0x38;
	[tilespmem:$0x1F780] =	vst v63  }
0x19: {  	_ =	swait.ge [sflag:s13], $0x2780  }
0x1a: {  	[sflag:s13] =	ssyncset.done $0x0  }
0x1b: {  	[sflag:s13] =	ssyncadd.s32 $0xFFFFD880  }
0x1c: {  	[tilespmem:s15], [sflag:$0x1] =	stream.linear.gather [hbm4b:s9+s3], $0x2780, $0x38;
	[tilespmem:$0x1F780] =	vst v63  }
0x1d: {  	_ =	swait.ge [sflag:s13], $0x2780  }
0x1e: {  	[sflag:s13] =	ssyncset.done $0x0  }
0x1f: {  	[sflag:s13] =	ssyncadd.s32 $0xFFFFD880  }
0x20: {  	s19 =	simm.s32 $0x0;
	s20 =	simm.s32 $0x0;
	[bflag:$0x0] =	sbarrier.arrive $0xFFFF  }
.LBB2_2:
0x21: {  	s21 =	sshll.u32 s20, $0x7  }
0x22: {  	[tilespmem:s17], [sflag:$0x1] =	stream.indirect.gather [hbm4b:s4+s16], $0x80, s21, s16, $0xb8;
	[tilespmem:$0x1F780] =	vst v63  }
0x23: {  	s22 =	sadd.s32 $0x0, s19;
	_ =	swait.ge [sflag:s13], $0x4000  }
0x24: {  	v0 =	vmov s22;
	[sflag:s13] =	ssyncset.done $0x0  }
0x25: {  	s22 =	simm.s32 $0x77C0;
	[sflag:s13] =	ssyncadd.s32 $0xFFFFC000  }
0x26: {  	v4 =	vld [tilespmem:s22+$0x30]  }
0x27: {  	v7 =	vld [tilespmem:s22+$0x10]  }
0x28: {  	v5 =	vld [tilespmem:s22+$0xFFFFFFC0]  }
0x29: {  	v1 =	vld.idx.msk [tilespmem:v0+s15+$0x0], $0xffff  }
0x2a: {  	v9 =	vld [tilespmem:s22+$0xFFFFFFE0]  }
0x2b: {  	v2 =	vld [tilespmem:s22+$0x20]  }
0x2c: {  	v3 =	vld [tilespmem:s22+$0xFFFFFFD0]  }
0x2d: {  	v0 =	vld [tilespmem:s22+$0xFFFFFFF0]  }
0x2e: {  	v8 =	vmul.f32 v4, v1;
	v4 =	vld [tilespmem:s22+$0x0]  }
0x2f: {  	v6 =	vmul.f32 v5, v1  }
0x30: {  	s23 =	simm.s32 $0x1;
	s24 =	simm.s32 $0x77C0;
	v5 =	vmul.f32 v9, v1;
	v7 =	vmul.f32 v7, v1  }
.LBB2_3:
0x31: {  	p0 =	sne.s32 s23, $0x7F  }
0x32: {  	v3 =	vmul.f32 v3, v1;
	v2 =	vmul.f32 v2, v1;
	[tilespmem:s22+$0x30] =	vst v8;
	s24 =	sadd.s32 $0x80, s24;
	s25 =	smov.u32 s23;
	s23 =	sadd.s32 $0x1, s23  }
0x33: {  	[tilespmem:s22+$0xFFFFFFC0] =	vst v6;
	v6 =	vmul.f32 v0, v1;
	v1 =	vmul.f32 v4, v1  }
0x34: {  	s25 =	sadd.s32 s25, s19;
	[tilespmem:s22+$0x10] =	vst v7  }
0x35: {  	v4 =	vmov s25;
	[tilespmem:s22+$0xFFFFFFE0] =	vst v5  }
0x36: {  	v0 =	vld [tilespmem:s24+$0xFFFFFFF0];
	[tilespmem:s22+$0xFFFFFFF0] =	vst v6  }
0x37: {  	v5 =	vld [tilespmem:s24+$0x30];
	[tilespmem:s22+$0x0] =	vst v1  }
0x38: {  	v7 =	vld [tilespmem:s24+$0x10];
	[tilespmem:s22+$0x20] =	vst v2  }
0x39: {  	v6 =	vld [tilespmem:s24+$0xFFFFFFC0];
	[tilespmem:s22+$0xFFFFFFD0] =	vst v3;
	s22 =	smov.u32 s24  }
0x3a: {  	v1 =	vld.idx.msk [tilespmem:v4+s15+$0x0], $0xffff  }
0x3b: {  	v9 =	vld [tilespmem:s24+$0xFFFFFFE0]  }
0x3c: {  	v2 =	vld [tilespmem:s24+$0x20]  }
.Ltmp0:
0x3d: {  	v3 =	vld [tilespmem:s24+$0xFFFFFFD0];
	(pc) =	sbr.rel @p0 .LBB2_3-.Ltmp0, $3  }
0x3e: {  	v4 =	vld [tilespmem:s24+$0x0];
	_ =	sdelay $0x1  }
0x3f: {  	v6 =	vmul.f32 v6, v1;
	v8 =	vmul.f32 v5, v1  }
0x40: {  	v7 =	vmul.f32 v7, v1;
	v5 =	vmul.f32 v9, v1  }
0x41: {  	[tilespmem:s22+$0x30] =	vst v8  }
0x42: {  	[tilespmem:s22+$0xFFFFFFC0] =	vst v6  }
0x43: {  	v0 =	vmul.f32 v0, v1;
	[tilespmem:s22+$0x10] =	vst v7  }
0x44: {  	v2 =	vmul.f32 v2, v1;
	[tilespmem:s22+$0xFFFFFFE0] =	vst v5  }
0x45: {  	v63 =	vmul.f32 v3, v1;
	[tilespmem:s22+$0xFFFFFFF0] =	vst v0  }
0x46: {  	s20 =	sadd.s32 $0x1, s20;
	v4 =	vmul.f32 v4, v1;
	[tilespmem:s22+$0x20] =	vst v2  }
0x47: {  	p0 =	sne.s32 s20, $0x4F;
	[tilespmem:s22+$0xFFFFFFD0] =	vst v63  }
.Ltmp1:
0x48: {  	s21 =	sadd.s32 $0x2800, s21;
	[tilespmem:s22+$0x0] =	vst v4;
	(pc) =	sbr.rel @p0 .LBB2_2-.Ltmp1, $4  }
0x49: {  	[spmem:s2] =	stream.indirect.scatter.add.f32 [tilespmem:s17], [sflag:$0x1], $0x80, s21, s16, $0xb8;
	[tilespmem:$0x1F780] =	vst v63  }
0x4a: {  	_ =	swait.ge [sflag:s13], $0x4000  }
0x4b: {  	[sflag:s13] =	ssyncset.done $0x0  }
0x4c: {  	s19 =	sadd.s32 $0x80, s19;
	[sflag:s13] =	ssyncadd.s32 $0xFFFFC000  }
0x4d: {  	s18 =	sadd.s32 $0x1, s18  }
0x4e: {  	p0 =	sne.s32 s18, s11  }
.Ltmp2:
0x4f: {  	[bflag:$0x0] =	sbarrier.arrive $0xFFFF;
	(pc) =	sbr.rel @p0 .LBB2_1-.Ltmp2, $4  }
0x50: {  	[hbm:s10], [sflag:s6] =	dma.local [spmem:s12], $0x2800  }
0x51: {  	_ =	swait.ge [sflag:s13], $0x2800  }
0x52: {  	[sflag:s13] =	ssyncset.done $0x0  }
0x53: {  	[sflag:s13] =	ssyncadd.s32 $0xFFFFD800  }
0x54: {  	_ =	sfence.sel $0x180000  }
0x55: {  	[bflag:$0x0] =	sbarrier.arrive $0xFFFF  }
0x56: {  	p0 =	sne.s32 s0, $0x0;
	_ =	strace $0x9000004A  }
0x57: {  	s0 =	sadd.s32 @!p0 $0x100000, s1;
	[bflag:$0x2] =	sbarrier.arrive $0xFFFF  }
0x58: {  	[sflag:s0] =	ssyncadd.tile.s32 @!p0 $0x1;
	_ =	shalt  }
.Lfunc_end2:
_tile_overlayer_lowered:
.L_overlay_start_2:
0x59: {  	(tag) =	ssettag $0x2  }
0x5a: {  	s0 =	rddreg [dreg:$0x0];
	s2 =	stileid.u32  }
0x5b: {  	s1 =	rddreg [dreg:$0x1];
	p0 =	sne.s32 s2, $0x0  }
0x5c: {  	s3 =	rddreg [dreg:$0x2];
	[bflag:$0x3] =	sbarrier.arrive $0xFFFF;
	s2 =	simm.s32 @!p0 $0x1C01  }
0x5d: {  	[timem:s3], [sflag:s2] =	dma.local @!p0 [hbm:s0], s1  }
0x5e: {  	s0 =	simm.s32 @!p0 $0x1  }
0x5f: {  	_ =	swait.ge @!p0 [sflag:s0], s1  }
0x60: {  	s1 =	ssub.s32 @!p0 $0x0, s1;
	[sflag:s0] =	ssyncset.done @!p0 $0x0  }
0x61: {  	[sflag:s0] =	ssyncadd.s32 @!p0 s1  }
0x62: {  	[bflag:$0x3] =	sbarrier.arrive $0xFFFF  }
0x63: {  	_ =	shalt  }

// kernel: kernel.14.cloned.1.call-start
scs
__scs_entry_jumppad:
0x0: {  	(pc) =	sbr.rel $0x88, $3  }
0x1: {  	(tag) =	ssettag $0x0;
	lr =	simm.s32 $0x1  }
0x2: {  	[smem:$0x3F9A] =	sst lr;
	_ =	strace $0xD0000000  }
0x3: {  	_ = 	snop  }
0x4: {  	_ = 	snop  }
0x5: {  	_ = 	snop  }
0x6: {  	_ = 	snop  }
0x7: {  	_ = 	snop  }
__scs_overlays_trampoline_lowered:
0x8: {  	[smem:$0x3FA9] =	sst s0  }
0x9: {  	[smem:$0x3FAA] =	sst s1  }
0xa: {  	[smem:$0x3FAB] =	sst s2  }
0xb: {  	[smem:$0x3FAC] =	sst s3  }
0xc: {  	[smem:$0x3FAD] =	sst s4  }
0xd: {  	[smem:$0x3FAE] =	sst s5  }
0xe: {  	[smem:$0x3FAF] =	sst s6  }
0xf: {  	[smem:$0x3FB0] =	sst s7  }
0x10: {  	[smem:$0x3FB1] =	sst s8  }
0x11: {  	[smem:$0x3FB2] =	sst s9;
	s0 =	simm.s32 @!p0 $0x0  }
0x12: {  	s1 =	sld [smem:$0x3F98];
	s0 =	simm.s32 @p0 $0x1  }
0x13: {  	[smem:$0x3FB3] =	sst s0;
	s0 =	simm.s32 @!p1 $0x0  }
0x14: {  	s2 =	sld [smem:$0x3F97];
	s0 =	simm.s32 @p1 $0x1  }
0x15: {  	[smem:$0x3FB4] =	sst s0;
	s0 =	simm.s32 @!p2 $0x0  }
0x16: {  	s3 =	sld [smem:$0x3FDB];
	s0 =	simm.s32 @p2 $0x1  }
0x17: {  	s4 =	simm.s32 $0x1BF5;
	[smem:$0x3FB6] =	sst s0  }
0x18: {  	s0 =	sld [smem:$0x3F99];
	_ =	swait.ge [sflag:s4], $0x0  }
0x19: {  	s7 =	sld [smem:$0x3F9A]  }
0x1a: {  	s8 =	sadd.s32 $0xFFFFE003, lr  }
0x1b: {  	s9 =	sadd.s32 $0xFFFFFEF7, lr;
	s5 =	simm.s32 $0xFFFFFFFF;
	p2 =	slt.u32 s8, $0xFFFFF086  }
0x1c: {  	p1 =	slt.u32 s9, $0xF7A;
	s5 =	simm.s32 @!p2 $0x0  }
0x1d: {  	s5 =	simm.s32 @p1 $0x1;
	p0 =	seq.s32 s7, s2  }
0x1e: {  	s7 =	smul.u32 @!p0 $0xF7A, s2;
	p2 =	seq.s32 @!p0 s5, $0x0  }
0x1f: {  	s9 =	smul.u32 $0xF7A, s1;
	s8 =	simm.s32 @!p0 $0x1BF5;
	p2 =	por !p2, p0  }
0x20: {  	[sflag:s8] =	ssyncset.s32 @!p0 $0xFFFFF086;
	s6 =	sadd.s32 @!p0 s3, s7;
	s7 =	simm.s32 @!p0 $0x108  }
0x21: {  	s3 =	sadd.s32 s3, s9;
	s6 =	sadd.s32 @!p0 $0x88, s6;
	s7 =	simm.s32 @p2 $0x1082  }
0x22: {  	[simem:s7], [sflag:s8] =	dma.local @!p0 [hbm:s6], $0xF7A  }
0x23: {  	s9 =	sor.u32 $0xD0000000, s2;
	s6 =	simm.s32 $0x108;
	_ =	swait.ge @!p0 [sflag:s8], $0x0  }
0x24: {  	s3 =	sadd.s32 $0x88, s3;
	s6 =	simm.s32 @!p1 $0x1082;
	[sflag:s4] =	ssyncset.s32 $0xFFFFF086  }
0x25: {  	[simem:s6], [sflag:s4] =	dma.local [hbm:s3], $0xF7A  }
0x26: {  	[smem:$0x3F9A] =	sst s1;
	(tag) =	ssettag s2;
	_ =	strace s9  }
0x27: {  	s1 =	sld [smem:$0x3FAA]  }
0x28: {  	s2 =	sld [smem:$0x3FAB]  }
0x29: {  	s4 =	sld [smem:$0x3FAD]  }
0x2a: {  	p0 =	seq.s32 s5, $0x0;
	s5 =	sld [smem:$0x3FAE]  }
0x2b: {  	s6 =	sld [smem:$0x3FAF]  }
0x2c: {  	s7 =	sld [smem:$0x3FB0]  }
0x2d: {  	s3 =	simm.s32 $0x108;
	s8 =	sld [smem:$0x3FB1]  }
0x2e: {  	s3 =	simm.s32 @!p0 $0x1082;
	s9 =	sld [smem:$0x3FB2]  }
0x2f: {  	lr =	sadd.s32 s0, s3;
	s0 =	sld [smem:$0x3FA9]  }
0x30: {  	s3 =	sld [smem:$0x3FAC]  }
0x31: {  	[smem:$0x3FB5] =	sst s10  }
0x32: {  	s10 =	sld [smem:$0x3FB3];
	_ =	sdelay $0x3  }
0x33: {  	p0 =	seq.s32 s10, $0x1;
	s10 =	sld [smem:$0x3FB5];
	_ =	sdelay $0x3  }
0x34: {  	[smem:$0x3FB5] =	sst s10  }
0x35: {  	s10 =	sld [smem:$0x3FB4];
	_ =	sdelay $0x3  }
0x36: {  	p1 =	seq.s32 s10, $0x1;
	s10 =	sld [smem:$0x3FB5];
	_ =	sdelay $0x3  }
0x37: {  	[smem:$0x3FB5] =	sst s10  }
0x38: {  	s10 =	sld [smem:$0x3FB6]  }
0x39: {  	_ = 	snop;
	(pc) =	sbr.ind lr, $3  }
0x3a: {  	_ = 	snop  }
0x3b: {  	_ = 	snop  }
0x3c: {  	p2 =	seq.s32 s10, $0x1;
	s10 =	sld [smem:$0x3FB5]  }
0x3d: {  	_ =	shalt  }
0x3e: {  	_ =	shalt  }
0x3f: {  	_ =	shalt  }
0x40: {  	_ =	shalt  }
0x41: {  	_ =	shalt  }
0x42: {  	_ =	shalt  }
0x43: {  	_ =	shalt  }
0x44: {  	_ =	shalt  }
0x45: {  	_ =	shalt  }
0x46: {  	_ =	shalt  }
0x47: {  	_ =	shalt  }
0x48: {  	_ =	shalt  }
0x49: {  	_ =	shalt  }
0x4a: {  	_ =	shalt  }
0x4b: {  	_ =	shalt  }
0x4c: {  	_ =	shalt  }
0x4d: {  	_ =	shalt  }
0x4e: {  	_ =	shalt  }
0x4f: {  	_ =	shalt  }
0x50: {  	_ =	shalt  }
0x51: {  	_ =	shalt  }
0x52: {  	_ =	shalt  }
0x53: {  	_ =	shalt  }
0x54: {  	_ =	shalt  }
0x55: {  	_ =	shalt  }
0x56: {  	_ =	shalt  }
0x57: {  	_ =	shalt  }
0x58: {  	_ =	shalt  }
0x59: {  	_ =	shalt  }
0x5a: {  	_ =	shalt  }
0x5b: {  	_ =	shalt  }
0x5c: {  	_ =	shalt  }
0x5d: {  	_ =	shalt  }
0x5e: {  	_ =	shalt  }
0x5f: {  	_ =	shalt  }
0x60: {  	_ =	shalt  }
0x61: {  	_ =	shalt  }
0x62: {  	_ =	shalt  }
0x63: {  	_ =	shalt  }
0x64: {  	_ =	shalt  }
0x65: {  	_ =	shalt  }
0x66: {  	_ =	shalt  }
0x67: {  	_ =	shalt  }
0x68: {  	_ =	shalt  }
0x69: {  	_ =	shalt  }
0x6a: {  	_ =	shalt  }
0x6b: {  	_ =	shalt  }
0x6c: {  	_ =	shalt  }
0x6d: {  	_ =	shalt  }
0x6e: {  	_ =	shalt  }
0x6f: {  	_ =	shalt  }
0x70: {  	_ =	shalt  }
0x71: {  	_ =	shalt  }
0x72: {  	_ =	shalt  }
0x73: {  	_ =	shalt  }
0x74: {  	_ =	shalt  }
0x75: {  	_ =	shalt  }
0x76: {  	_ =	shalt  }
0x77: {  	_ =	shalt  }
0x78: {  	_ =	shalt  }
0x79: {  	_ =	shalt  }
0x7a: {  	_ =	shalt  }
0x7b: {  	_ =	shalt  }
0x7c: {  	_ =	shalt  }
0x7d: {  	_ =	shalt  }
0x7e: {  	_ =	shalt  }
0x7f: {  	_ =	shalt  }
0x80: {  	_ =	shalt  }
0x81: {  	_ =	shalt  }
0x82: {  	_ =	shalt  }
0x83: {  	_ =	shalt  }
0x84: {  	_ =	shalt  }
0x85: {  	_ =	shalt  }
0x86: {  	_ =	shalt  }
0x87: {  	_ =	shalt  }
.Lfunc_end0:
.L_simem_size_0:
called_computation.2_lowered:
.L_overlay_start_0:
0x88: {  	s2 =	sld [smem:$0x3FD9]  }
0x89: {  	s3 =	sld [smem:$0x3FFE];
	_ =	sdelay $0x1  }
0x8a: {  	s1 =	srdreg.scid  }
0x8b: {  	s0 =	sand.u32 $0x1, s1  }
0x8c: {  	s17 =	sshll.u32 s0, $0xA;
	s2 =	sadd.s32 s3, s2  }
0x8d: {  	s2 =	sadd.s32 s2, s17  }
0x8e: {  	[smem:$0x3FC1] =	sst s2  }
0x8f: {  	_ = 	snop  }
0x90: {  	s2 =	sld [smem:$0x3FD0];
	(tm) =	ssettm $0x1  }
0x91: {  	s18 =	sld [smem:$0x3FFB];
	_ =	sdelay $0x3  }
0x92: {  	_ =	strace s18  }
0x93: {  	s3 =	sld [smem:$0x3FFC];
	_ =	sdelay $0x3  }
0x94: {  	_ =	strace s3  }
0x95: {  	s3 =	sld [smem:$0x3FFD];
	_ =	sdelay $0x3  }
0x96: {  	_ =	strace s3  }
0x97: {  	_ =	strace $0x8FFFFFFF  }
0x98: {  	s19 =	sld [smem:$0x3FDB];
	_ =	sdelay $0x1  }
0x99: {  	s4 =	simm.s32 $_scs_section_size  }
0x9a: {  	s5 =	simm.s32 $_size__tile_overlayer_lowered;
	s6 =	simm.s32 $_tile_overlayer_lowered  }
0x9b: {  	s22 =	simm.s32 $0x1BFF;
	s21 =	sshll.u32 s6, $0x1;
	s3 =	sadd.s32 s4, s19  }
0x9c: {  	s7 =	simm.s32 $0x0;
	s20 =	sshll.u32 s5, $0x1;
	s5 =	sadd.s32 s21, s3  }
0x9d: {  	[timem:s7], [sflag:s22] =	dma.local [hbm:s5], s20  }
0x9e: {  	_ =	swait.ge [sflag:s22], s20  }
0x9f: {  	s4 =	ssub.s32 $0x0, s20;
	[sflag:s22] =	ssyncset.done $0x0  }
0xa0: {  	[sflag:s22] =	ssyncadd.s32 s4;
	_ =	sdelay $0x1  }
0xa1: {  	s23 =	simm.s32 $0x1B8B  }
0xa2: {  	_ =	swait.ge [sflag:s23], $0x1  }
0xa3: {  	[sflag:s23] =	ssyncset.done $0x0  }
0xa4: {  	s25 =	simm.s32 $0x1B8E;
	s24 =	sld [smem:$0x3FFE];
	[sflag:s23] =	ssyncadd.s32 $0xFFFFFFFF  }
0xa5: {  	s26 =	simm.s32 $execute0_lowered;
	[smem:$0x3FD2] =	sst s25  }
0xa6: {  	s5 =	sshll.u32 s26, $0x1;
	_ =	strace $0x8000004C;
	[dreg:$0x1] =	wrdreg $0xFFFFFFFF  }
0xa7: {  	s28 =	simm.s32 $_size_execute0_lowered;
	s3 =	sadd.s32 s3, s5;
	[dreg:$0x0] =	wrdreg $0x0  }
0xa8: {  	s5 =	sshll.u32 s28, $0x1;
	[dreg:$0x2] =	wrdreg s3  }
0xa9: {  	[dreg:$0x3] =	wrdreg s5  }
0xaa: {  	[dreg:$0x4] =	wrdreg $0xC0  }
0xab: {  	_ =	task [dreg:s7], $0x5FFFF  }
0xac: {  	[dreg:$0x1] =	wrdreg $0xFFFFFFFF  }
0xad: {  	[dreg:$0x0] =	wrdreg $0x60  }
0xae: {  	[dreg:$0x2] =	wrdreg s24  }
0xaf: {  	[dreg:$0x3] =	wrdreg s2  }
0xb0: {  	[dreg:$0x4] =	wrdreg $0xB7800  }
0xb1: {  	[dreg:$0x5] =	wrdreg $0x9  }
0xb2: {  	_ =	task.clear_ibuf [dreg:s7], $0x6FFFF;
	_ =	strace $0x9000004C  }
0xb3: {  	s29 =	simm.s32 $0x9;
	_ =	strace $0x8000004E  }
0xb4: {  	_ =	swait.ge [sflag:s29], $0x1  }
0xb5: {  	[sflag:s29] =	ssyncadd.s32 $0xFFFFFFFF  }
0xb6: {  	_ =	strace $0x9000004E  }
0xb7: {  	_ =	sfence  }
0xb8: {  	s30 =	sld [smem:$0x0];
	_ =	sdelay $0x2  }
0xb9: {  	s31 =	sshll.u32 s1, $0xD;
	s1 =	sshrl.u32 s1, $0x2  }
0xba: {  	s3 =	sand.u32 $0x4000, s31;
	s1 =	sadd.s32 s1, s30  }
0xbb: {  	s0 =	sor.u32 s3, s0;
	s1 =	sshll.u32 s1, $0x11  }
0xbc: {  	s0 =	sor.u32 s1, s0  }
0xbd: {  	s0 =	sadd.s32 $0x8F2B, s0  }
0xbe: {  	[sflag:s0] =	ssyncadd.remote.s32 $0x1  }
0xbf: {  	_ =	sfence.sel $0xFFFF  }
0xc0: {  	[dreg:$0x0] =	wrdreg $0xFFFFFFFF;
	(pc) =	sbr.abs _section_cstart, $3  }
0xc1: {  	[dreg:$0x1] =	wrdreg $0xFFFFFFFF  }
0xc2: {  	_ =	task.clear_ibuf [dreg:s7], $0x2FFFF;
	_ =	strace $0x9FFFFFFF  }
0xc3: {  	(tm) =	ssettm $0x7FFFFFFF  }
tec
execute0_lowered:
.L_overlay_start_1:
0x0: {  	(tag) =	ssettag $0x1  }
0x1: {  	s1 =	srdreg.scid;
	s6 =	rddreg [dreg:$0x0]  }
0x2: {  	s0 =	stileid.u32;
	s8 =	rddreg [dreg:$0x1]  }
0x3: {  	s2 =	rddreg [dreg:$0x2];
	s3 =	simm.s32 $0x0;
	s16 =	simm.s32 $0x80  }
0x4: {  	s17 =	simm.s32 $0x7780;
	s18 =	simm.s32 $0x0;
	s10 =	smul.u32 $0x14000, s0  }
0x5: {  	s7 =	sand.u32 $0x1, s1;
	s28 =	sshll.u32 s0, $0x1;
	s13 =	smul.u32 $0x50000, s0  }
0x6: {  	s1 =	rddreg [dreg:$0x3];
	s4 =	sor.u32 s7, s28;
	s5 =	smul.u32 $0x140000, s7  }
0x7: {  	[smem:$0x7FF] =	sst s3;
	s14 =	sshll.u32 s0, $0x6;
	s9 =	smul.u32 $0x500, s4  }
0x8: {  	_ =	strace $0x8000004D;
	s31 =	ssub.s32 $0x2, s7;
	s11 =	smul.u32 $0x4F0, s4  }
0x9: {  	s4 =	sadd.s32 $0x21400, s6;
	s7 =	sshrl.u32 s31, $0x1;
	s13 =	sshrl.u32 s13, $0x2  }
0xa: {  	s5 =	sadd.s32 s10, s5;
	s15 =	ssub.s32 s31, s7;
	s13 =	sadd.s32 s13, s2  }
0xb: {  	s12 =	sadd.s32 s9, s6;
	s29 =	sadd.s32 s11, s6;
	s30 =	sshrl.u32 s5, $0x3  }
0xc: {  	s5 =	sadd.s32 $0xCC00, s6;
	s7 =	sadd.s32 s8, s9;
	s11 =	sadd.s32 s30, s6  }
0xd: {  	s6 =	sor.u32 $0x1C01, s14;
	s8 =	sadd.s32 $0x17400, s12;
	s9 =	sadd.s32 $0x2E00, s29  }
0xe: {  	s12 =	sshrl.u32 s13, $0x3;
	s13 =	simm.s32 $0x1;
	s14 =	simm.s32 $0x2800  }
0xf: {  	s10 =	sadd.s32 $0x71400, s11;
	s11 =	smax.u32 s15, $0x1;
	s15 =	simm.s32 $0x5000  }
.LBB2_1:
0x10: {  	[spmem:s12], [sflag:s6] =	dma.local [hbm:s5], $0x2800  }
0x11: {  	_ =	swait.ge [sflag:s13], $0x2800  }
0x12: {  	[sflag:s13] =	ssyncset.done $0x0  }
0x13: {  	[sflag:s13] =	ssyncadd.s32 $0xFFFFD800  }
0x14: {  	[tilespmem:s3], [sflag:$0x1] =	stream.linear.gather [hbm4b:s7+s3], $0x2780, $0x38;
	[tilespmem:$0x1F780] =	vst v63  }
0x15: {  	_ =	swait.ge [sflag:s13], $0x2780  }
0x16: {  	[sflag:s13] =	ssyncset.done $0x0  }
0x17: {  	[sflag:s13] =	ssyncadd.s32 $0xFFFFD880  }
0x18: {  	[tilespmem:s14], [sflag:$0x1] =	stream.linear.gather [hbm4b:s8+s3], $0x2780, $0x38;
	[tilespmem:$0x1F780] =	vst v63  }
0x19: {  	_ =	swait.ge [sflag:s13], $0x2780  }
0x1a: {  	[sflag:s13] =	ssyncset.done $0x0  }
0x1b: {  	[sflag:s13] =	ssyncadd.s32 $0xFFFFD880  }
0x1c: {  	[tilespmem:s15], [sflag:$0x1] =	stream.linear.gather [hbm4b:s9+s3], $0x2780, $0x38;
	[tilespmem:$0x1F780] =	vst v63  }
0x1d: {  	_ =	swait.ge [sflag:s13], $0x2780  }
0x1e: {  	[sflag:s13] =	ssyncset.done $0x0  }
0x1f: {  	[sflag:s13] =	ssyncadd.s32 $0xFFFFD880  }
0x20: {  	s19 =	simm.s32 $0x0;
	s20 =	simm.s32 $0x0;
	[bflag:$0x0] =	sbarrier.arrive $0xFFFF  }
.LBB2_2:
0x21: {  	s21 =	sshll.u32 s20, $0x7  }
0x22: {  	[tilespmem:s17], [sflag:$0x1] =	stream.indirect.gather [hbm4b:s4+s16], $0x80, s21, s16, $0xb8;
	[tilespmem:$0x1F780] =	vst v63  }
0x23: {  	s22 =	sadd.s32 $0x0, s19;
	_ =	swait.ge [sflag:s13], $0x4000  }
0x24: {  	v0 =	vmov s22;
	[sflag:s13] =	ssyncset.done $0x0  }
0x25: {  	s22 =	simm.s32 $0x77C0;
	[sflag:s13] =	ssyncadd.s32 $0xFFFFC000  }
0x26: {  	v4 =	vld [tilespmem:s22+$0x30]  }
0x27: {  	v7 =	vld [tilespmem:s22+$0x10]  }
0x28: {  	v5 =	vld [tilespmem:s22+$0xFFFFFFC0]  }
0x29: {  	v1 =	vld.idx.msk [tilespmem:v0+s15+$0x0], $0xffff  }
0x2a: {  	v9 =	vld [tilespmem:s22+$0xFFFFFFE0]  }
0x2b: {  	v2 =	vld [tilespmem:s22+$0x20]  }
0x2c: {  	v3 =	vld [tilespmem:s22+$0xFFFFFFD0]  }
0x2d: {  	v0 =	vld [tilespmem:s22+$0xFFFFFFF0]  }
0x2e: {  	v8 =	vmul.f32 v4, v1;
	v4 =	vld [tilespmem:s22+$0x0]  }
0x2f: {  	v6 =	vmul.f32 v5, v1  }
0x30: {  	s23 =	simm.s32 $0x1;
	s24 =	simm.s32 $0x77C0;
	v5 =	vmul.f32 v9, v1;
	v7 =	vmul.f32 v7, v1  }
.LBB2_3:
0x31: {  	p0 =	sne.s32 s23, $0x7F  }
0x32: {  	v3 =	vmul.f32 v3, v1;
	v2 =	vmul.f32 v2, v1;
	[tilespmem:s22+$0x30] =	vst v8;
	s24 =	sadd.s32 $0x80, s24;
	s25 =	smov.u32 s23;
	s23 =	sadd.s32 $0x1, s23  }
0x33: {  	[tilespmem:s22+$0xFFFFFFC0] =	vst v6;
	v6 =	vmul.f32 v0, v1;
	v1 =	vmul.f32 v4, v1  }
0x34: {  	s25 =	sadd.s32 s25, s19;
	[tilespmem:s22+$0x10] =	vst v7  }
0x35: {  	v4 =	vmov s25;
	[tilespmem:s22+$0xFFFFFFE0] =	vst v5  }
0x36: {  	v0 =	vld [tilespmem:s24+$0xFFFFFFF0];
	[tilespmem:s22+$0xFFFFFFF0] =	vst v6  }
0x37: {  	v5 =	vld [tilespmem:s24+$0x30];
	[tilespmem:s22+$0x0] =	vst v1  }
0x38: {  	v7 =	vld [tilespmem:s24+$0x10];
	[tilespmem:s22+$0x20] =	vst v2  }
0x39: {  	v6 =	vld [tilespmem:s24+$0xFFFFFFC0];
	[tilespmem:s22+$0xFFFFFFD0] =	vst v3;
	s22 =	smov.u32 s24  }
0x3a: {  	v1 =	vld.idx.msk [tilespmem:v4+s15+$0x0], $0xffff  }
0x3b: {  	v9 =	vld [tilespmem:s24+$0xFFFFFFE0]  }
0x3c: {  	v2 =	vld [tilespmem:s24+$0x20]  }
.Ltmp0:
0x3d: {  	v3 =	vld [tilespmem:s24+$0xFFFFFFD0];
	(pc) =	sbr.rel @p0 .LBB2_3-.Ltmp0, $3  }
0x3e: {  	v4 =	vld [tilespmem:s24+$0x0];
	_ =	sdelay $0x1  }
0x3f: {  	v6 =	vmul.f32 v6, v1;
	v8 =	vmul.f32 v5, v1  }
0x40: {  	v7 =	vmul.f32 v7, v1;
	v5 =	vmul.f32 v9, v1  }
0x41: {  	[tilespmem:s22+$0x30] =	vst v8  }
0x42: {  	[tilespmem:s22+$0xFFFFFFC0] =	vst v6  }
0x43: {  	v0 =	vmul.f32 v0, v1;
	[tilespmem:s22+$0x10] =	vst v7  }
0x44: {  	v2 =	vmul.f32 v2, v1;
	[tilespmem:s22+$0xFFFFFFE0] =	vst v5  }
0x45: {  	v63 =	vmul.f32 v3, v1;
	[tilespmem:s22+$0xFFFFFFF0] =	vst v0  }
0x46: {  	s20 =	sadd.s32 $0x1, s20;
	v4 =	vmul.f32 v4, v1;
	[tilespmem:s22+$0x20] =	vst v2  }
0x47: {  	p0 =	sne.s32 s20, $0x4F;
	[tilespmem:s22+$0xFFFFFFD0] =	vst v63  }
.Ltmp1:
0x48: {  	s21 =	sadd.s32 $0x2800, s21;
	[tilespmem:s22+$0x0] =	vst v4;
	(pc) =	sbr.rel @p0 .LBB2_2-.Ltmp1, $4  }
0x49: {  	[spmem:s2] =	stream.indirect.scatter.add.f32 [tilespmem:s17], [sflag:$0x1], $0x80, s21, s16, $0xb8;
	[tilespmem:$0x1F780] =	vst v63  }
0x4a: {  	_ =	swait.ge [sflag:s13], $0x4000  }
0x4b: {  	[sflag:s13] =	ssyncset.done $0x0  }
0x4c: {  	s19 =	sadd.s32 $0x80, s19;
	[sflag:s13] =	ssyncadd.s32 $0xFFFFC000  }
0x4d: {  	s18 =	sadd.s32 $0x1, s18  }
0x4e: {  	p0 =	sne.s32 s18, s11  }
.Ltmp2:
0x4f: {  	[bflag:$0x0] =	sbarrier.arrive $0xFFFF;
	(pc) =	sbr.rel @p0 .LBB2_1-.Ltmp2, $4  }
0x50: {  	[hbm:s10], [sflag:s6] =	dma.local [spmem:s12], $0x2800  }
0x51: {  	_ =	swait.ge [sflag:s13], $0x2800  }
0x52: {  	[sflag:s13] =	ssyncset.done $0x0  }
0x53: {  	[sflag:s13] =	ssyncadd.s32 $0xFFFFD800  }
0x54: {  	_ =	sfence.sel $0x180000  }
0x55: {  	[bflag:$0x0] =	sbarrier.arrive $0xFFFF  }
0x56: {  	p0 =	sne.s32 s0, $0x0;
	_ =	strace $0x9000004D  }
0x57: {  	s0 =	sadd.s32 @!p0 $0x100000, s1;
	[bflag:$0x2] =	sbarrier.arrive $0xFFFF  }
0x58: {  	[sflag:s0] =	ssyncadd.tile.s32 @!p0 $0x1;
	_ =	shalt  }
.Lfunc_end2:
_tile_overlayer_lowered:
.L_overlay_start_2:
0x59: {  	(tag) =	ssettag $0x2  }
0x5a: {  	s0 =	rddreg [dreg:$0x0];
	s2 =	stileid.u32  }
0x5b: {  	s1 =	rddreg [dreg:$0x1];
	p0 =	sne.s32 s2, $0x0  }
0x5c: {  	s3 =	rddreg [dreg:$0x2];
	[bflag:$0x3] =	sbarrier.arrive $0xFFFF;
	s2 =	simm.s32 @!p0 $0x1C01  }
0x5d: {  	[timem:s3], [sflag:s2] =	dma.local @!p0 [hbm:s0], s1  }
0x5e: {  	s0 =	simm.s32 @!p0 $0x1  }
0x5f: {  	_ =	swait.ge @!p0 [sflag:s0], s1  }
0x60: {  	s1 =	ssub.s32 @!p0 $0x0, s1;
	[sflag:s0] =	ssyncset.done @!p0 $0x0  }
0x61: {  	[sflag:s0] =	ssyncadd.s32 @!p0 s1  }
0x62: {  	[bflag:$0x3] =	sbarrier.arrive $0xFFFF  }
0x63: {  	_ =	shalt  }

// kernel: kernel.8.cloned.1.call-start
scs
__scs_entry_jumppad:
0x0: {  	(pc) =	sbr.rel $0x88, $3  }
0x1: {  	(tag) =	ssettag $0x0;
	lr =	simm.s32 $0x1  }
0x2: {  	[smem:$0x3F9A] =	sst lr;
	_ =	strace $0xD0000000  }
0x3: {  	_ = 	snop  }
0x4: {  	_ = 	snop  }
0x5: {  	_ = 	snop  }
0x6: {  	_ = 	snop  }
0x7: {  	_ = 	snop  }
__scs_overlays_trampoline_lowered:
0x8: {  	[smem:$0x3FA9] =	sst s0  }
0x9: {  	[smem:$0x3FAA] =	sst s1  }
0xa: {  	[smem:$0x3FAB] =	sst s2  }
0xb: {  	[smem:$0x3FAC] =	sst s3  }
0xc: {  	[smem:$0x3FAD] =	sst s4  }
0xd: {  	[smem:$0x3FAE] =	sst s5  }
0xe: {  	[smem:$0x3FAF] =	sst s6  }
0xf: {  	[smem:$0x3FB0] =	sst s7  }
0x10: {  	[smem:$0x3FB1] =	sst s8  }
0x11: {  	[smem:$0x3FB2] =	sst s9;
	s0 =	simm.s32 @!p0 $0x0  }
0x12: {  	s1 =	sld [smem:$0x3F98];
	s0 =	simm.s32 @p0 $0x1  }
0x13: {  	[smem:$0x3FB3] =	sst s0;
	s0 =	simm.s32 @!p1 $0x0  }
0x14: {  	s2 =	sld [smem:$0x3F97];
	s0 =	simm.s32 @p1 $0x1  }
0x15: {  	[smem:$0x3FB4] =	sst s0;
	s0 =	simm.s32 @!p2 $0x0  }
0x16: {  	s3 =	sld [smem:$0x3FDB];
	s0 =	simm.s32 @p2 $0x1  }
0x17: {  	s4 =	simm.s32 $0x1BF5;
	[smem:$0x3FB6] =	sst s0  }
0x18: {  	s0 =	sld [smem:$0x3F99];
	_ =	swait.ge [sflag:s4], $0x0  }
0x19: {  	s7 =	sld [smem:$0x3F9A]  }
0x1a: {  	s8 =	sadd.s32 $0xFFFFE003, lr  }
0x1b: {  	s9 =	sadd.s32 $0xFFFFFEF7, lr;
	s5 =	simm.s32 $0xFFFFFFFF;
	p2 =	slt.u32 s8, $0xFFFFF086  }
0x1c: {  	p1 =	slt.u32 s9, $0xF7A;
	s5 =	simm.s32 @!p2 $0x0  }
0x1d: {  	s5 =	simm.s32 @p1 $0x1;
	p0 =	seq.s32 s7, s2  }
0x1e: {  	s7 =	smul.u32 @!p0 $0xF7A, s2;
	p2 =	seq.s32 @!p0 s5, $0x0  }
0x1f: {  	s9 =	smul.u32 $0xF7A, s1;
	s8 =	simm.s32 @!p0 $0x1BF5;
	p2 =	por !p2, p0  }
0x20: {  	[sflag:s8] =	ssyncset.s32 @!p0 $0xFFFFF086;
	s6 =	sadd.s32 @!p0 s3, s7;
	s7 =	simm.s32 @!p0 $0x108  }
0x21: {  	s3 =	sadd.s32 s3, s9;
	s6 =	sadd.s32 @!p0 $0x88, s6;
	s7 =	simm.s32 @p2 $0x1082  }
0x22: {  	[simem:s7], [sflag:s8] =	dma.local @!p0 [hbm:s6], $0xF7A  }
0x23: {  	s9 =	sor.u32 $0xD0000000, s2;
	s6 =	simm.s32 $0x108;
	_ =	swait.ge @!p0 [sflag:s8], $0x0  }
0x24: {  	s3 =	sadd.s32 $0x88, s3;
	s6 =	simm.s32 @!p1 $0x1082;
	[sflag:s4] =	ssyncset.s32 $0xFFFFF086  }
0x25: {  	[simem:s6], [sflag:s4] =	dma.local [hbm:s3], $0xF7A  }
0x26: {  	[smem:$0x3F9A] =	sst s1;
	(tag) =	ssettag s2;
	_ =	strace s9  }
0x27: {  	s1 =	sld [smem:$0x3FAA]  }
0x28: {  	s2 =	sld [smem:$0x3FAB]  }
0x29: {  	s4 =	sld [smem:$0x3FAD]  }
0x2a: {  	p0 =	seq.s32 s5, $0x0;
	s5 =	sld [smem:$0x3FAE]  }
0x2b: {  	s6 =	sld [smem:$0x3FAF]  }
0x2c: {  	s7 =	sld [smem:$0x3FB0]  }
0x2d: {  	s3 =	simm.s32 $0x108;
	s8 =	sld [smem:$0x3FB1]  }
0x2e: {  	s3 =	simm.s32 @!p0 $0x1082;
	s9 =	sld [smem:$0x3FB2]  }
0x2f: {  	lr =	sadd.s32 s0, s3;
	s0 =	sld [smem:$0x3FA9]  }
0x30: {  	s3 =	sld [smem:$0x3FAC]  }
0x31: {  	[smem:$0x3FB5] =	sst s10  }
0x32: {  	s10 =	sld [smem:$0x3FB3];
	_ =	sdelay $0x3  }
0x33: {  	p0 =	seq.s32 s10, $0x1;
	s10 =	sld [smem:$0x3FB5];
	_ =	sdelay $0x3  }
0x34: {  	[smem:$0x3FB5] =	sst s10  }
0x35: {  	s10 =	sld [smem:$0x3FB4];
	_ =	sdelay $0x3  }
0x36: {  	p1 =	seq.s32 s10, $0x1;
	s10 =	sld [smem:$0x3FB5];
	_ =	sdelay $0x3  }
0x37: {  	[smem:$0x3FB5] =	sst s10  }
0x38: {  	s10 =	sld [smem:$0x3FB6]  }
0x39: {  	_ = 	snop;
	(pc) =	sbr.ind lr, $3  }
0x3a: {  	_ = 	snop  }
0x3b: {  	_ = 	snop  }
0x3c: {  	p2 =	seq.s32 s10, $0x1;
	s10 =	sld [smem:$0x3FB5]  }
0x3d: {  	_ =	shalt  }
0x3e: {  	_ =	shalt  }
0x3f: {  	_ =	shalt  }
0x40: {  	_ =	shalt  }
0x41: {  	_ =	shalt  }
0x42: {  	_ =	shalt  }
0x43: {  	_ =	shalt  }
0x44: {  	_ =	shalt  }
0x45: {  	_ =	shalt  }
0x46: {  	_ =	shalt  }
0x47: {  	_ =	shalt  }
0x48: {  	_ =	shalt  }
0x49: {  	_ =	shalt  }
0x4a: {  	_ =	shalt  }
0x4b: {  	_ =	shalt  }
0x4c: {  	_ =	shalt  }
0x4d: {  	_ =	shalt  }
0x4e: {  	_ =	shalt  }
0x4f: {  	_ =	shalt  }
0x50: {  	_ =	shalt  }
0x51: {  	_ =	shalt  }
0x52: {  	_ =	shalt  }
0x53: {  	_ =	shalt  }
0x54: {  	_ =	shalt  }
0x55: {  	_ =	shalt  }
0x56: {  	_ =	shalt  }
0x57: {  	_ =	shalt  }
0x58: {  	_ =	shalt  }
0x59: {  	_ =	shalt  }
0x5a: {  	_ =	shalt  }
0x5b: {  	_ =	shalt  }
0x5c: {  	_ =	shalt  }
0x5d: {  	_ =	shalt  }
0x5e: {  	_ =	shalt  }
0x5f: {  	_ =	shalt  }
0x60: {  	_ =	shalt  }
0x61: {  	_ =	shalt  }
0x62: {  	_ =	shalt  }
0x63: {  	_ =	shalt  }
0x64: {  	_ =	shalt  }
0x65: {  	_ =	shalt  }
0x66: {  	_ =	shalt  }
0x67: {  	_ =	shalt  }
0x68: {  	_ =	shalt  }
0x69: {  	_ =	shalt  }
0x6a: {  	_ =	shalt  }
0x6b: {  	_ =	shalt  }
0x6c: {  	_ =	shalt  }
0x6d: {  	_ =	shalt  }
0x6e: {  	_ =	shalt  }
0x6f: {  	_ =	shalt  }
0x70: {  	_ =	shalt  }
0x71: {  	_ =	shalt  }
0x72: {  	_ =	shalt  }
0x73: {  	_ =	shalt  }
0x74: {  	_ =	shalt  }
0x75: {  	_ =	shalt  }
0x76: {  	_ =	shalt  }
0x77: {  	_ =	shalt  }
0x78: {  	_ =	shalt  }
0x79: {  	_ =	shalt  }
0x7a: {  	_ =	shalt  }
0x7b: {  	_ =	shalt  }
0x7c: {  	_ =	shalt  }
0x7d: {  	_ =	shalt  }
0x7e: {  	_ =	shalt  }
0x7f: {  	_ =	shalt  }
0x80: {  	_ =	shalt  }
0x81: {  	_ =	shalt  }
0x82: {  	_ =	shalt  }
0x83: {  	_ =	shalt  }
0x84: {  	_ =	shalt  }
0x85: {  	_ =	shalt  }
0x86: {  	_ =	shalt  }
0x87: {  	_ =	shalt  }
.Lfunc_end0:
.L_simem_size_0:
called_computation_lowered:
.L_overlay_start_0:
0x88: {  	s2 =	sld [smem:$0x3FD9]  }
0x89: {  	s3 =	sld [smem:$0x3FFE];
	_ =	sdelay $0x1  }
0x8a: {  	s1 =	srdreg.scid  }
0x8b: {  	s0 =	sand.u32 $0x1, s1  }
0x8c: {  	s16 =	sshll.u32 s0, $0xA;
	s2 =	sadd.s32 s3, s2  }
0x8d: {  	s2 =	sadd.s32 s2, s16  }
0x8e: {  	[smem:$0x3FC1] =	sst s2  }
0x8f: {  	_ = 	snop  }
0x90: {  	(tm) =	ssettm $0x1  }
0x91: {  	s17 =	sld [smem:$0x3FFB];
	_ =	sdelay $0x3  }
0x92: {  	_ =	strace s17  }
0x93: {  	s2 =	sld [smem:$0x3FFC];
	_ =	sdelay $0x3  }
0x94: {  	_ =	strace s2  }
0x95: {  	s2 =	sld [smem:$0x3FFD];
	_ =	sdelay $0x3  }
0x96: {  	_ =	strace s2  }
0x97: {  	_ =	strace $0x8FFFFFFF  }
0x98: {  	s18 =	sld [smem:$0x3FDB];
	_ =	sdelay $0x1  }
0x99: {  	s19 =	simm.s32 $_scs_section_size  }
0x9a: {  	s4 =	simm.s32 $_size__tile_overlayer_lowered;
	s5 =	simm.s32 $_tile_overlayer_lowered  }
0x9b: {  	s22 =	simm.s32 $0x1BFF;
	s21 =	sshll.u32 s5, $0x1;
	s2 =	sadd.s32 s19, s18  }
0x9c: {  	s6 =	simm.s32 $0x0;
	s20 =	sshll.u32 s4, $0x1;
	s4 =	sadd.s32 s21, s2  }
0x9d: {  	[timem:s6], [sflag:s22] =	dma.local [hbm:s4], s20  }
0x9e: {  	_ =	swait.ge [sflag:s22], s20  }
0x9f: {  	s3 =	ssub.s32 $0x0, s20;
	[sflag:s22] =	ssyncset.done $0x0  }
0xa0: {  	[sflag:s22] =	ssyncadd.s32 s3;
	_ =	sdelay $0x1  }
0xa1: {  	s23 =	simm.s32 $0x1B8B  }
0xa2: {  	_ =	swait.ge [sflag:s23], $0x1  }
0xa3: {  	[sflag:s23] =	ssyncset.done $0x0  }
0xa4: {  	s25 =	simm.s32 $0x1B8E;
	s24 =	sld [smem:$0x3FFE];
	[sflag:s23] =	ssyncadd.s32 $0xFFFFFFFF  }
0xa5: {  	s26 =	simm.s32 $execute0_lowered;
	[smem:$0x3FD2] =	sst s25  }
0xa6: {  	s4 =	sshll.u32 s26, $0x1;
	_ =	strace $0x80000046;
	[dreg:$0x1] =	wrdreg $0xFFFFFFFF  }
0xa7: {  	s28 =	simm.s32 $_size_execute0_lowered;
	s2 =	sadd.s32 s2, s4;
	[dreg:$0x0] =	wrdreg $0x0  }
0xa8: {  	s4 =	sshll.u32 s28, $0x1;
	[dreg:$0x2] =	wrdreg s2  }
0xa9: {  	[dreg:$0x3] =	wrdreg s4  }
0xaa: {  	[dreg:$0x4] =	wrdreg $0xC0  }
0xab: {  	_ =	task [dreg:s6], $0x5FFFF  }
0xac: {  	[dreg:$0x1] =	wrdreg $0xFFFFFFFF  }
0xad: {  	[dreg:$0x0] =	wrdreg $0x60  }
0xae: {  	[dreg:$0x2] =	wrdreg s24  }
0xaf: {  	[dreg:$0x3] =	wrdreg $0xA1800  }
0xb0: {  	[dreg:$0x4] =	wrdreg $0x9  }
0xb1: {  	_ =	task.clear_ibuf [dreg:s6], $0x5FFFF;
	_ =	strace $0x90000046  }
0xb2: {  	s29 =	simm.s32 $0x9;
	_ =	strace $0x80000048  }
0xb3: {  	_ =	swait.ge [sflag:s29], $0x1  }
0xb4: {  	[sflag:s29] =	ssyncadd.s32 $0xFFFFFFFF  }
0xb5: {  	_ =	strace $0x90000048  }
0xb6: {  	_ =	sfence  }
0xb7: {  	s30 =	sld [smem:$0x0];
	_ =	sdelay $0x2  }
0xb8: {  	s31 =	sshll.u32 s1, $0xD;
	s1 =	sshrl.u32 s1, $0x2  }
0xb9: {  	s3 =	sand.u32 $0x4000, s31;
	s1 =	sadd.s32 s1, s30  }
0xba: {  	s0 =	sor.u32 s3, s0;
	s1 =	sshll.u32 s1, $0x11  }
0xbb: {  	s0 =	sor.u32 s1, s0  }
0xbc: {  	s0 =	sadd.s32 $0x8F2B, s0  }
0xbd: {  	[sflag:s0] =	ssyncadd.remote.s32 $0x1  }
0xbe: {  	_ =	sfence.sel $0xFFFF  }
0xbf: {  	[dreg:$0x0] =	wrdreg $0xFFFFFFFF;
	(pc) =	sbr.abs _section_cstart, $3  }
0xc0: {  	[dreg:$0x1] =	wrdreg $0xFFFFFFFF  }
0xc1: {  	_ =	task.clear_ibuf [dreg:s6], $0x2FFFF;
	_ =	strace $0x9FFFFFFF  }
0xc2: {  	(tm) =	ssettm $0x7FFFFFFF  }
0xc3: {  	_ =	shalt  }
tec
execute0_lowered:
.L_overlay_start_1:
0x0: {  	(tag) =	ssettag $0x1  }
0x1: {  	s0 =	srdreg.scid;
	s1 =	rddreg [dreg:$0x0]  }
0x2: {  	s8 =	stileid.u32;
	s3 =	rddreg [dreg:$0x1];
	s0 =	sand.u32 $0x1, s0  }
0x3: {  	s2 =	sshll.u32 s8, $0x1;
	s5 =	smul.u32 $0x500, s8;
	s11 =	sshrl.u32 s8, $0x3  }
0x4: {  	s12 =	smul.u32 $0x5000, s8;
	s14 =	sshll.u32 s8, $0x7;
	s4 =	sor.u32 s0, s2  }
0x5: {  	s2 =	simm.s32 $0x0;
	s6 =	sshll.u32 s0, $0x7;
	s0 =	ssub.s32 $0x2, s0  }
0x6: {  	s4 =	smul.u32 $0x4F0, s4;
	[smem:$0x7FF] =	sst s2;
	s5 =	sor.u32 s6, s5  }
0x7: {  	s7 =	sshrl.u32 s0, $0x1;
	s6 =	smul.u32 $0x50000, s11;
	_ =	strace $0x80000047  }
0x8: {  	s5 =	sshrl.u32 s5, $0x3;
	s0 =	ssub.s32 s0, s7;
	s7 =	sand.u32 $0x380, s14  }
0x9: {  	s4 =	sadd.s32 s4, s1;
	s1 =	sadd.s32 s5, s1;
	s0 =	smax.u32 s0, $0x1  }
0xa: {  	s6 =	sshrl.u32 s6, $0x2;
	s13 =	sadd.s32 $0xCC00, s4;
	[dreg:$0x16] =	wrdreg s0  }
0xb: {  	s5 =	sshrl.u32 s12, $0x2;
	s4 =	sadd.s32 $0x2E00, s4;
	[dreg:$0x3] =	wrdreg s13  }
0xc: {  	s6 =	sadd.s32 s6, s3;
	s1 =	sadd.s32 $0x16A00, s1;
	[dreg:$0x4] =	wrdreg s4  }
0xd: {  	s15 =	sadd.s32 s7, s6;
	s6 =	sadd.s32 s5, s3;
	[dreg:$0x15] =	wrdreg s1  }
0xe: {  	[dreg:$0x5] =	wrdreg s15;
	s3 =	sadd.s32 $0x80, s6  }
0xf: {  	s16 =	sadd.s32 $0x100, s6;
	[dreg:$0x6] =	wrdreg s3  }
0x10: {  	s17 =	sadd.s32 $0x180, s6;
	[dreg:$0x7] =	wrdreg s16  }
0x11: {  	s18 =	sadd.s32 $0x200, s6;
	[dreg:$0x8] =	wrdreg s17  }
0x12: {  	s19 =	sadd.s32 $0x280, s6;
	[dreg:$0x9] =	wrdreg s18  }
0x13: {  	s20 =	sadd.s32 $0x300, s6;
	[dreg:$0xa] =	wrdreg s19  }
0x14: {  	s21 =	sadd.s32 $0x380, s6;
	[dreg:$0xb] =	wrdreg s20  }
0x15: {  	s22 =	sadd.s32 $0x14000, s6;
	[dreg:$0xc] =	wrdreg s21  }
0x16: {  	s23 =	sadd.s32 $0x14080, s6;
	[dreg:$0xd] =	wrdreg s22  }
0x17: {  	s24 =	sadd.s32 $0x14100, s6;
	[dreg:$0xe] =	wrdreg s23  }
0x18: {  	s25 =	sadd.s32 $0x14180, s6;
	[dreg:$0xf] =	wrdreg s24  }
0x19: {  	s26 =	sadd.s32 $0x14200, s6;
	[dreg:$0x10] =	wrdreg s25  }
0x1a: {  	s4 =	sadd.s32 $0x14280, s6;
	[dreg:$0x11] =	wrdreg s26  }
0x1b: {  	s5 =	sadd.s32 $0x14300, s6;
	[dreg:$0x12] =	wrdreg s4  }
0x1c: {  	s7 =	sadd.s32 $0x14380, s6;
	[dreg:$0x13] =	wrdreg s5  }
0x1d: {  	s8 =	sadd.s32 $0x400, s6;
	[dreg:$0x14] =	wrdreg s7  }
0x1e: {  	s9 =	sadd.s32 $0x800, s6;
	[dreg:$0x17] =	wrdreg s8  }
0x1f: {  	s10 =	sadd.s32 $0xC00, s6;
	[dreg:$0x18] =	wrdreg s9  }
0x20: {  	s11 =	sadd.s32 $0x1000, s6;
	[dreg:$0x19] =	wrdreg s10  }
0x21: {  	s12 =	sadd.s32 $0x480, s6;
	[dreg:$0x1a] =	wrdreg s11  }
0x22: {  	s13 =	sadd.s32 $0x880, s6;
	[dreg:$0x1b] =	wrdreg s12  }
0x23: {  	s14 =	sadd.s32 $0xC80, s6;
	[dreg:$0x1c] =	wrdreg s13  }
0x24: {  	s15 =	sadd.s32 $0x1080, s6;
	[dreg:$0x1d] =	wrdreg s14  }
0x25: {  	s1 =	sadd.s32 $0x1200, s6;
	[dreg:$0x1e] =	wrdreg s15  }
0x26: {  	s16 =	sadd.s32 $0x500, s6;
	[smem:$0x7E6] =	sst s1  }
0x27: {  	s17 =	sadd.s32 $0x900, s6;
	[dreg:$0x1f] =	wrdreg s16  }
0x28: {  	s18 =	sadd.s32 $0xD00, s6;
	[smem:$0x7DC] =	sst s17  }
0x29: {  	s19 =	sadd.s32 $0x1100, s6;
	[smem:$0x7DD] =	sst s18  }
0x2a: {  	s20 =	sadd.s32 $0x580, s6;
	[smem:$0x7DE] =	sst s19  }
0x2b: {  	s21 =	sadd.s32 $0x980, s6;
	[smem:$0x7DF] =	sst s20  }
0x2c: {  	s22 =	sadd.s32 $0xD80, s6;
	[smem:$0x7E0] =	sst s21  }
0x2d: {  	s23 =	sadd.s32 $0x1180, s6;
	[smem:$0x7E1] =	sst s22  }
0x2e: {  	s24 =	sadd.s32 $0x600, s6;
	[smem:$0x7E2] =	sst s23  }
0x2f: {  	s25 =	sadd.s32 $0xA00, s6;
	[smem:$0x7E3] =	sst s24  }
0x30: {  	s26 =	sadd.s32 $0xE00, s6;
	[smem:$0x7E4] =	sst s25  }
0x31: {  	s3 =	sadd.s32 $0x680, s6;
	[smem:$0x7E5] =	sst s26  }
0x32: {  	s4 =	sadd.s32 $0xA80, s6;
	[smem:$0x7E7] =	sst s3  }
0x33: {  	s5 =	sadd.s32 $0xE80, s6;
	[smem:$0x7E8] =	sst s4  }
0x34: {  	s7 =	sadd.s32 $0x1280, s6;
	[smem:$0x7E9] =	sst s5  }
0x35: {  	s8 =	sadd.s32 $0x700, s6;
	[smem:$0x7EA] =	sst s7  }
0x36: {  	s9 =	sadd.s32 $0xB00, s6;
	[smem:$0x7EB] =	sst s8  }
0x37: {  	s10 =	sadd.s32 $0xF00, s6;
	[smem:$0x7EC] =	sst s9  }
0x38: {  	s11 =	sadd.s32 $0x1300, s6;
	[smem:$0x7ED] =	sst s10  }
0x39: {  	s12 =	sadd.s32 $0x780, s6;
	[smem:$0x7EE] =	sst s11  }
0x3a: {  	s13 =	sadd.s32 $0xB80, s6;
	[smem:$0x7EF] =	sst s12  }
0x3b: {  	s31 =	simm.s32 $0x1;
	s14 =	sadd.s32 $0xF80, s6;
	[smem:$0x7F0] =	sst s13  }
0x3c: {  	s0 =	simm.s32 $0x80;
	s15 =	sadd.s32 $0x1380, s6;
	[smem:$0x7F1] =	sst s14  }
0x3d: {  	s28 =	sadd.s32 $0x14B80, s6;
	[smem:$0x7F2] =	sst s15;
	s16 =	sadd.s32 $0x14400, s6  }
0x3e: {  	s29 =	sadd.s32 $0x14F80, s6;
	s17 =	sadd.s32 $0x14800, s6;
	[smem:$0x7F3] =	sst s16  }
0x3f: {  	s30 =	sadd.s32 $0x15380, s6;
	s18 =	sadd.s32 $0x14C00, s6;
	[smem:$0x7F4] =	sst s17  }
0x40: {  	s1 =	simm.s32 $0x4F00;
	s19 =	sadd.s32 $0x15000, s6;
	[smem:$0x7F5] =	sst s18  }
0x41: {  	s20 =	sadd.s32 $0x14480, s6;
	s21 =	sadd.s32 $0x14880, s6;
	[smem:$0x7F6] =	sst s19  }
0x42: {  	s22 =	sadd.s32 $0x14C80, s6;
	s23 =	sadd.s32 $0x15080, s6;
	[smem:$0x7F7] =	sst s20  }
0x43: {  	s24 =	sadd.s32 $0x14500, s6;
	s25 =	sadd.s32 $0x14900, s6;
	[smem:$0x7F8] =	sst s21  }
0x44: {  	s26 =	sadd.s32 $0x14D00, s6;
	s9 =	sadd.s32 $0x15100, s6;
	[smem:$0x7F9] =	sst s22  }
0x45: {  	s10 =	sadd.s32 $0x14580, s6;
	s11 =	sadd.s32 $0x14980, s6;
	[smem:$0x7FA] =	sst s23  }
0x46: {  	s12 =	sadd.s32 $0x14D80, s6;
	s13 =	sadd.s32 $0x15180, s6;
	[smem:$0x7FB] =	sst s24  }
0x47: {  	s14 =	sadd.s32 $0x14600, s6;
	s15 =	sadd.s32 $0x14A00, s6;
	[smem:$0x7FC] =	sst s25  }
0x48: {  	[smem:$0x7FD] =	sst s26;
	s16 =	sadd.s32 $0x14E00, s6;
	s17 =	sadd.s32 $0x15200, s6  }
0x49: {  	s18 =	sadd.s32 $0x14680, s6;
	s19 =	sadd.s32 $0x14A80, s6;
	s20 =	sadd.s32 $0x14E80, s6  }
0x4a: {  	s21 =	sadd.s32 $0x15280, s6;
	s22 =	sadd.s32 $0x14700, s6;
	s23 =	sadd.s32 $0x14B00, s6  }
0x4b: {  	v0 =	vimm.f32 $0.0e+00;
	s24 =	sadd.s32 $0x14F00, s6;
	s25 =	sadd.s32 $0x15300, s6;
	s26 =	sadd.s32 $0x14780, s6  }
.LBB2_1:
0x4c: {  	s3 =	simm.s32 $0x40;
	s4 =	simm.s32 $0x0  }
.LBB2_2:
0x4d: {  	p0 =	sne.s32 s3, $0x9FC0;
	[tilespmem:s4+$0x4F00] =	vst v0;
	s4 =	smov.u32 s3;
	s3 =	sadd.s32 $0x40, s3  }
.Ltmp0:
0x4e: {  	(pc) =	sbr.rel @p0 .LBB2_2-.Ltmp0, $2  }
0x4f: {  	_ =	sdelay $0x2  }
0x50: {  	s4 =	sshra.s32 s4, $0x2  }
0x51: {  	[tilespmem:s4+$0x4F00] =	vst v0;
	s3 =	simm.s32 $0x0;
	s7 =	rddreg [dreg:$0x3]  }
0x52: {  	[tilespmem:s3], [sflag:$0x1] =	stream.linear.gather [hbm4b:s7+s3], $0x2780, $0x38;
	[tilespmem:$0xC980] =	vst v63  }
0x53: {  	_ =	swait.ge [sflag:s31], $0x2780  }
0x54: {  	[sflag:s31] =	ssyncset.done $0x0  }
0x55: {  	s5 =	simm.s32 $0x2780;
	s8 =	rddreg [dreg:$0x4];
	[sflag:s31] =	ssyncadd.s32 $0xFFFFD880  }
0x56: {  	[tilespmem:s5], [sflag:$0x1] =	stream.linear.gather [hbm4b:s8+s3], $0x2780, $0x38;
	[tilespmem:$0xC980] =	vst v63  }
0x57: {  	_ =	swait.ge [sflag:s31], $0x2780  }
0x58: {  	[sflag:s31] =	ssyncset.done $0x0  }
0x59: {  	s4 =	simm.s32 $0x0;
	s3 =	simm.s32 $0x40;
	[sflag:s31] =	ssyncadd.s32 $0xFFFFD880  }
.LBB2_4:
0x5a: {  	p0 =	sne.s32 s3, $0x9DC0;
	v1 =	vld [tilespmem:s4+$0x0];
	_ =	sdelay $0x2  }
0x5b: {  	v2 =	vld [tilespmem:s4+$0x2780]  }
.Ltmp1:
0x5c: {  	(pc) =	sbr.rel @p0 .LBB2_4-.Ltmp1, $2  }
0x5d: {  	_ =	sdelay $0x2  }
0x5e: {  	s4 =	sshra.s32 s3, $0x2;
	s3 =	sadd.s32 $0x40, s3;
	[tilespmem:v1+s1+$0x0] =	vst.idx.add.f32.msk $0xffff, v2  }
0x5f: {  	v1 =	vld [tilespmem:s4+$0x0];
	_ =	sdelay $0x2  }
0x60: {  	v2 =	vld [tilespmem:s4+$0x2780];
	_ =	sdelay $0x4  }
0x61: {  	s3 =	rddreg [dreg:$0x5];
	s8 =	simm.s32 $0x400;
	[tilespmem:v1+s1+$0x0] =	vst.idx.add.f32.msk $0xffff, v2  }
0x62: {  	[spmem:s3] =	stream.strided.scatter [tilespmem:s1], [sflag:$0x1], $0x2800, s8, s0, $0x38;
	[tilespmem:$0xC980] =	vst v63  }
0x63: {  	_ =	swait.ge [sflag:s31], $0x2800  }
0x64: {  	[sflag:s31] =	ssyncset.done $0x0  }
0x65: {  	[sflag:s31] =	ssyncadd.s32 $0xFFFFD800  }
0x66: {  	s5 =	simm.s32 $0x7700;
	[bflag:$0x0] =	sbarrier.arrive $0xFFFF  }
0x67: {  	[tilespmem:s5], [sflag:$0x1] =	stream.linear.gather [spmem:s6], $0x80, $0x38;
	[tilespmem:$0xC980] =	vst v63  }
0x68: {  	s8 =	simm.s32 $0x7B00;
	s7 =	rddreg [dreg:$0x17]  }
0x69: {  	[tilespmem:s8], [sflag:$0x1] =	stream.linear.gather [spmem:s7], $0x80, $0x38;
	[tilespmem:$0xC980] =	vst v63  }
0x6a: {  	s4 =	rddreg [dreg:$0x18];
	s5 =	simm.s32 $0x7F00  }
0x6b: {  	[tilespmem:s5], [sflag:$0x1] =	stream.linear.gather [spmem:s4], $0x80, $0x38;
	[tilespmem:$0xC980] =	vst v63  }
0x6c: {  	s7 =	rddreg [dreg:$0x19];
	s8 =	simm.s32 $0x8300  }
0x6d: {  	[tilespmem:s8], [sflag:$0x1] =	stream.linear.gather [spmem:s7], $0x80, $0x38;
	[tilespmem:$0xC980] =	vst v63  }
0x6e: {  	s4 =	rddreg [dreg:$0x1a];
	s5 =	simm.s32 $0x8700  }
0x6f: {  	[tilespmem:s5], [sflag:$0x1] =	stream.linear.gather [spmem:s4], $0x80, $0x38;
	[tilespmem:$0xC980] =	vst v63  }
0x70: {  	_ =	swait.ge [sflag:s31], $0x280  }
0x71: {  	[sflag:s31] =	ssyncset.done $0x0  }
0x72: {  	s8 =	simm.s32 $0x7780;
	s7 =	rddreg [dreg:$0x6];
	[sflag:s31] =	ssyncadd.s32 $0xFFFFFD80  }
0x73: {  	[tilespmem:s8], [sflag:$0x1] =	stream.linear.gather [spmem:s7], $0x80, $0x38;
	[tilespmem:$0xC980] =	vst v63  }
0x74: {  	s5 =	simm.s32 $0x7B80;
	s4 =	rddreg [dreg:$0x1b]  }
0x75: {  	[tilespmem:s5], [sflag:$0x1] =	stream.linear.gather [spmem:s4], $0x80, $0x38;
	[tilespmem:$0xC980] =	vst v63  }
0x76: {  	s7 =	rddreg [dreg:$0x1c];
	s8 =	simm.s32 $0x7F80  }
0x77: {  	[tilespmem:s8], [sflag:$0x1] =	stream.linear.gather [spmem:s7], $0x80, $0x38;
	[tilespmem:$0xC980] =	vst v63  }
0x78: {  	s4 =	rddreg [dreg:$0x1d];
	s5 =	simm.s32 $0x8380  }
0x79: {  	[tilespmem:s5], [sflag:$0x1] =	stream.linear.gather [spmem:s4], $0x80, $0x38;
	[tilespmem:$0xC980] =	vst v63  }
0x7a: {  	s7 =	rddreg [dreg:$0x1e];
	s8 =	simm.s32 $0x8780  }
0x7b: {  	[tilespmem:s8], [sflag:$0x1] =	stream.linear.gather [spmem:s7], $0x80, $0x38;
	[tilespmem:$0xC980] =	vst v63  }
0x7c: {  	_ =	swait.ge [sflag:s31], $0x280  }
0x7d: {  	[sflag:s31] =	ssyncset.done $0x0;
	s4 =	rddreg [dreg:$0x7]  }
0x7e: {  	s5 =	simm.s32 $0x7800;
	s7 =	rddreg [dreg:$0x1f];
	[sflag:s31] =	ssyncadd.s32 $0xFFFFFD80  }
0x7f: {  	[tilespmem:s5], [sflag:$0x1] =	stream.linear.gather [spmem:s4], $0x80, $0x38;
	[tilespmem:$0xC980] =	vst v63  }
0x80: {  	s8 =	simm.s32 $0x7C00;
	s4 =	sld [smem:$0x7DC]  }
0x81: {  	[tilespmem:s8], [sflag:$0x1] =	stream.linear.gather [spmem:s7], $0x80, $0x38;
	[tilespmem:$0xC980] =	vst v63  }
0x82: {  	s5 =	simm.s32 $0x8000;
	s7 =	sld [smem:$0x7DD]  }
0x83: {  	[tilespmem:s5], [sflag:$0x1] =	stream.linear.gather [spmem:s4], $0x80, $0x38;
	[tilespmem:$0xC980] =	vst v63  }
0x84: {  	s8 =	simm.s32 $0x8400;
	s4 =	sld [smem:$0x7DE]  }
0x85: {  	[tilespmem:s8], [sflag:$0x1] =	stream.linear.gather [spmem:s7], $0x80, $0x38;
	[tilespmem:$0xC980] =	vst v63  }
0x86: {  	s5 =	simm.s32 $0x8800  }
0x87: {  	[tilespmem:s5], [sflag:$0x1] =	stream.linear.gather [spmem:s4], $0x80, $0x38;
	[tilespmem:$0xC980] =	vst v63  }
0x88: {  	_ =	swait.ge [sflag:s31], $0x280  }
0x89: {  	[sflag:s31] =	ssyncset.done $0x0;
	s7 =	rddreg [dreg:$0x8]  }
0x8a: {  	s8 =	simm.s32 $0x7880;
	s4 =	sld [smem:$0x7DF];
	[sflag:s31] =	ssyncadd.s32 $0xFFFFFD80  }
0x8b: {  	[tilespmem:s8], [sflag:$0x1] =	stream.linear.gather [spmem:s7], $0x80, $0x38;
	[tilespmem:$0xC980] =	vst v63  }
0x8c: {  	s5 =	simm.s32 $0x7C80;
	s7 =	sld [smem:$0x7E0]  }
0x8d: {  	[tilespmem:s5], [sflag:$0x1] =	stream.linear.gather [spmem:s4], $0x80, $0x38;
	[tilespmem:$0xC980] =	vst v63  }
0x8e: {  	s8 =	simm.s32 $0x8080;
	s4 =	sld [smem:$0x7E1]  }
0x8f: {  	[tilespmem:s8], [sflag:$0x1] =	stream.linear.gather [spmem:s7], $0x80, $0x38;
	[tilespmem:$0xC980] =	vst v63  }
0x90: {  	s5 =	simm.s32 $0x8480;
	s7 =	sld [smem:$0x7E2]  }
0x91: {  	[tilespmem:s5], [sflag:$0x1] =	stream.linear.gather [spmem:s4], $0x80, $0x38;
	[tilespmem:$0xC980] =	vst v63  }
0x92: {  	s8 =	simm.s32 $0x8880  }
0x93: {  	[tilespmem:s8], [sflag:$0x1] =	stream.linear.gather [spmem:s7], $0x80, $0x38;
	[tilespmem:$0xC980] =	vst v63  }
0x94: {  	_ =	swait.ge [sflag:s31], $0x280  }
0x95: {  	[sflag:s31] =	ssyncset.done $0x0;
	s4 =	rddreg [dreg:$0x9]  }
0x96: {  	s5 =	simm.s32 $0x7900;
	s7 =	sld [smem:$0x7E3];
	[sflag:s31] =	ssyncadd.s32 $0xFFFFFD80  }
0x97: {  	[tilespmem:s5], [sflag:$0x1] =	stream.linear.gather [spmem:s4], $0x80, $0x38;
	[tilespmem:$0xC980] =	vst v63  }
0x98: {  	s8 =	simm.s32 $0x7D00;
	s4 =	sld [smem:$0x7E4]  }
0x99: {  	[tilespmem:s8], [sflag:$0x1] =	stream.linear.gather [spmem:s7], $0x80, $0x38;
	[tilespmem:$0xC980] =	vst v63  }
0x9a: {  	s5 =	simm.s32 $0x8100;
	s7 =	sld [smem:$0x7E5]  }
0x9b: {  	[tilespmem:s5], [sflag:$0x1] =	stream.linear.gather [spmem:s4], $0x80, $0x38;
	[tilespmem:$0xC980] =	vst v63  }
0x9c: {  	s8 =	simm.s32 $0x8500;
	s4 =	sld [smem:$0x7E6]  }
0x9d: {  	[tilespmem:s8], [sflag:$0x1] =	stream.linear.gather [spmem:s7], $0x80, $0x38;
	[tilespmem:$0xC980] =	vst v63  }
0x9e: {  	s5 =	simm.s32 $0x8900  }
0x9f: {  	[tilespmem:s5], [sflag:$0x1] =	stream.linear.gather [spmem:s4], $0x80, $0x38;
	[tilespmem:$0xC980] =	vst v63  }
0xa0: {  	_ =	swait.ge [sflag:s31], $0x280  }
0xa1: {  	[sflag:s31] =	ssyncset.done $0x0;
	s7 =	rddreg [dreg:$0xa]  }
0xa2: {  	s8 =	simm.s32 $0x7980;
	s4 =	sld [smem:$0x7E7];
	[sflag:s31] =	ssyncadd.s32 $0xFFFFFD80  }
0xa3: {  	[tilespmem:s8], [sflag:$0x1] =	stream.linear.gather [spmem:s7], $0x80, $0x38;
	[tilespmem:$0xC980] =	vst v63  }
0xa4: {  	s5 =	simm.s32 $0x7D80;
	s7 =	sld [smem:$0x7E8]  }
0xa5: {  	[tilespmem:s5], [sflag:$0x1] =	stream.linear.gather [spmem:s4], $0x80, $0x38;
	[tilespmem:$0xC980] =	vst v63  }
0xa6: {  	s8 =	simm.s32 $0x8180;
	s4 =	sld [smem:$0x7E9]  }
0xa7: {  	[tilespmem:s8], [sflag:$0x1] =	stream.linear.gather [spmem:s7], $0x80, $0x38;
	[tilespmem:$0xC980] =	vst v63  }
0xa8: {  	s5 =	simm.s32 $0x8580;
	s7 =	sld [smem:$0x7EA]  }
0xa9: {  	[tilespmem:s5], [sflag:$0x1] =	stream.linear.gather [spmem:s4], $0x80, $0x38;
	[tilespmem:$0xC980] =	vst v63  }
0xaa: {  	s8 =	simm.s32 $0x8980  }
0xab: {  	[tilespmem:s8], [sflag:$0x1] =	stream.linear.gather [spmem:s7], $0x80, $0x38;
	[tilespmem:$0xC980] =	vst v63  }
0xac: {  	_ =	swait.ge [sflag:s31], $0x280  }
0xad: {  	[sflag:s31] =	ssyncset.done $0x0;
	s4 =	rddreg [dreg:$0xb]  }
0xae: {  	s5 =	simm.s32 $0x7A00;
	s7 =	sld [smem:$0x7EB];
	[sflag:s31] =	ssyncadd.s32 $0xFFFFFD80  }
0xaf: {  	[tilespmem:s5], [sflag:$0x1] =	stream.linear.gather [spmem:s4], $0x80, $0x38;
	[tilespmem:$0xC980] =	vst v63  }
0xb0: {  	s8 =	simm.s32 $0x7E00;
	s4 =	sld [smem:$0x7EC]  }
0xb1: {  	[tilespmem:s8], [sflag:$0x1] =	stream.linear.gather [spmem:s7], $0x80, $0x38;
	[tilespmem:$0xC980] =	vst v63  }
0xb2: {  	s5 =	simm.s32 $0x8200;
	s7 =	sld [smem:$0x7ED]  }
0xb3: {  	[tilespmem:s5], [sflag:$0x1] =	stream.linear.gather [spmem:s4], $0x80, $0x38;
	[tilespmem:$0xC980] =	vst v63  }
0xb4: {  	s8 =	simm.s32 $0x8600;
	s4 =	sld [smem:$0x7EE]  }
0xb5: {  	[tilespmem:s8], [sflag:$0x1] =	stream.linear.gather [spmem:s7], $0x80, $0x38;
	[tilespmem:$0xC980] =	vst v63  }
0xb6: {  	s5 =	simm.s32 $0x8A00  }
0xb7: {  	[tilespmem:s5], [sflag:$0x1] =	stream.linear.gather [spmem:s4], $0x80, $0x38;
	[tilespmem:$0xC980] =	vst v63  }
0xb8: {  	_ =	swait.ge [sflag:s31], $0x280  }
0xb9: {  	[sflag:s31] =	ssyncset.done $0x0;
	s7 =	rddreg [dreg:$0xc]  }
0xba: {  	s8 =	simm.s32 $0x7A80;
	s4 =	sld [smem:$0x7EF];
	[sflag:s31] =	ssyncadd.s32 $0xFFFFFD80  }
0xbb: {  	[tilespmem:s8], [sflag:$0x1] =	stream.linear.gather [spmem:s7], $0x80, $0x38;
	[tilespmem:$0xC980] =	vst v63  }
0xbc: {  	s5 =	simm.s32 $0x7E80;
	s7 =	sld [smem:$0x7F0]  }
0xbd: {  	[tilespmem:s5], [sflag:$0x1] =	stream.linear.gather [spmem:s4], $0x80, $0x38;
	[tilespmem:$0xC980] =	vst v63  }
0xbe: {  	s8 =	simm.s32 $0x8280;
	s4 =	sld [smem:$0x7F1]  }
0xbf: {  	[tilespmem:s8], [sflag:$0x1] =	stream.linear.gather [spmem:s7], $0x80, $0x38;
	[tilespmem:$0xC980] =	vst v63  }
0xc0: {  	s5 =	simm.s32 $0x8680;
	s7 =	sld [smem:$0x7F2]  }
0xc1: {  	[tilespmem:s5], [sflag:$0x1] =	stream.linear.gather [spmem:s4], $0x80, $0x38;
	[tilespmem:$0xC980] =	vst v63  }
0xc2: {  	s8 =	simm.s32 $0x8A80  }
0xc3: {  	[tilespmem:s8], [sflag:$0x1] =	stream.linear.gather [spmem:s7], $0x80, $0x38;
	[tilespmem:$0xC980] =	vst v63  }
0xc4: {  	_ =	swait.ge [sflag:s31], $0x280  }
0xc5: {  	[sflag:s31] =	ssyncset.done $0x0;
	s4 =	rddreg [dreg:$0xd]  }
0xc6: {  	s5 =	simm.s32 $0x8B00;
	s7 =	sld [smem:$0x7F3];
	[sflag:s31] =	ssyncadd.s32 $0xFFFFFD80  }
0xc7: {  	[tilespmem:s5], [sflag:$0x1] =	stream.linear.gather [spmem:s4], $0x80, $0x38;
	[tilespmem:$0xC980] =	vst v63  }
0xc8: {  	s8 =	simm.s32 $0x8F00;
	s4 =	sld [smem:$0x7F4]  }
0xc9: {  	[tilespmem:s8], [sflag:$0x1] =	stream.linear.gather [spmem:s7], $0x80, $0x38;
	[tilespmem:$0xC980] =	vst v63  }
0xca: {  	s5 =	simm.s32 $0x9300;
	s7 =	sld [smem:$0x7F5]  }
0xcb: {  	[tilespmem:s5], [sflag:$0x1] =	stream.linear.gather [spmem:s4], $0x80, $0x38;
	[tilespmem:$0xC980] =	vst v63  }
0xcc: {  	s8 =	simm.s32 $0x9700;
	s4 =	sld [smem:$0x7F6]  }
0xcd: {  	[tilespmem:s8], [sflag:$0x1] =	stream.linear.gather [spmem:s7], $0x80, $0x38;
	[tilespmem:$0xC980] =	vst v63  }
0xce: {  	s5 =	simm.s32 $0x9B00  }
0xcf: {  	[tilespmem:s5], [sflag:$0x1] =	stream.linear.gather [spmem:s4], $0x80, $0x38;
	[tilespmem:$0xC980] =	vst v63  }
0xd0: {  	_ =	swait.ge [sflag:s31], $0x280  }
0xd1: {  	[sflag:s31] =	ssyncset.done $0x0;
	s7 =	rddreg [dreg:$0xe]  }
0xd2: {  	s8 =	simm.s32 $0x8B80;
	s4 =	sld [smem:$0x7F7];
	[sflag:s31] =	ssyncadd.s32 $0xFFFFFD80  }
0xd3: {  	[tilespmem:s8], [sflag:$0x1] =	stream.linear.gather [spmem:s7], $0x80, $0x38;
	[tilespmem:$0xC980] =	vst v63  }
0xd4: {  	s5 =	simm.s32 $0x8F80;
	s7 =	sld [smem:$0x7F8]  }
0xd5: {  	[tilespmem:s5], [sflag:$0x1] =	stream.linear.gather [spmem:s4], $0x80, $0x38;
	[tilespmem:$0xC980] =	vst v63  }
0xd6: {  	s8 =	simm.s32 $0x9380;
	s4 =	sld [smem:$0x7F9]  }
0xd7: {  	[tilespmem:s8], [sflag:$0x1] =	stream.linear.gather [spmem:s7], $0x80, $0x38;
	[tilespmem:$0xC980] =	vst v63  }
0xd8: {  	s5 =	simm.s32 $0x9780;
	s7 =	sld [smem:$0x7FA]  }
0xd9: {  	[tilespmem:s5], [sflag:$0x1] =	stream.linear.gather [spmem:s4], $0x80, $0x38;
	[tilespmem:$0xC980] =	vst v63  }
0xda: {  	s8 =	simm.s32 $0x9B80  }
0xdb: {  	[tilespmem:s8], [sflag:$0x1] =	stream.linear.gather [spmem:s7], $0x80, $0x38;
	[tilespmem:$0xC980] =	vst v63  }
0xdc: {  	_ =	swait.ge [sflag:s31], $0x280  }
0xdd: {  	[sflag:s31] =	ssyncset.done $0x0;
	s4 =	rddreg [dreg:$0xf]  }
0xde: {  	s5 =	simm.s32 $0x8C00;
	s7 =	sld [smem:$0x7FB];
	[sflag:s31] =	ssyncadd.s32 $0xFFFFFD80  }
0xdf: {  	[tilespmem:s5], [sflag:$0x1] =	stream.linear.gather [spmem:s4], $0x80, $0x38;
	[tilespmem:$0xC980] =	vst v63  }
0xe0: {  	s8 =	simm.s32 $0x9000;
	s4 =	sld [smem:$0x7FC]  }
0xe1: {  	[tilespmem:s8], [sflag:$0x1] =	stream.linear.gather [spmem:s7], $0x80, $0x38;
	[tilespmem:$0xC980] =	vst v63  }
0xe2: {  	s5 =	simm.s32 $0x9400;
	s7 =	sld [smem:$0x7FD]  }
0xe3: {  	[tilespmem:s5], [sflag:$0x1] =	stream.linear.gather [spmem:s4], $0x80, $0x38;
	[tilespmem:$0xC980] =	vst v63  }
0xe4: {  	s8 =	simm.s32 $0x9800  }
0xe5: {  	[tilespmem:s8], [sflag:$0x1] =	stream.linear.gather [spmem:s7], $0x80, $0x38;
	[tilespmem:$0xC980] =	vst v63  }
0xe6: {  	s5 =	simm.s32 $0x9C00  }
0xe7: {  	[tilespmem:s5], [sflag:$0x1] =	stream.linear.gather [spmem:s9], $0x80, $0x38;
	[tilespmem:$0xC980] =	vst v63  }
0xe8: {  	_ =	swait.ge [sflag:s31], $0x280  }
0xe9: {  	[sflag:s31] =	ssyncset.done $0x0  }
0xea: {  	s8 =	simm.s32 $0x8C80;
	s7 =	rddreg [dreg:$0x10];
	[sflag:s31] =	ssyncadd.s32 $0xFFFFFD80  }
0xeb: {  	[tilespmem:s8], [sflag:$0x1] =	stream.linear.gather [spmem:s7], $0x80, $0x38;
	[tilespmem:$0xC980] =	vst v63  }
0xec: {  	s4 =	simm.s32 $0x9080  }
0xed: {  	[tilespmem:s4], [sflag:$0x1] =	stream.linear.gather [spmem:s10], $0x80, $0x38;
	[tilespmem:$0xC980] =	vst v63  }
0xee: {  	s5 =	simm.s32 $0x9480  }
0xef: {  	[tilespmem:s5], [sflag:$0x1] =	stream.linear.gather [spmem:s11], $0x80, $0x38;
	[tilespmem:$0xC980] =	vst v63  }
0xf0: {  	s7 =	simm.s32 $0x9880  }
0xf1: {  	[tilespmem:s7], [sflag:$0x1] =	stream.linear.gather [spmem:s12], $0x80, $0x38;
	[tilespmem:$0xC980] =	vst v63  }
0xf2: {  	s8 =	simm.s32 $0x9C80  }
0xf3: {  	[tilespmem:s8], [sflag:$0x1] =	stream.linear.gather [spmem:s13], $0x80, $0x38;
	[tilespmem:$0xC980] =	vst v63  }
0xf4: {  	_ =	swait.ge [sflag:s31], $0x280  }
0xf5: {  	[sflag:s31] =	ssyncset.done $0x0  }
0xf6: {  	s5 =	simm.s32 $0x8D00;
	s4 =	rddreg [dreg:$0x11];
	[sflag:s31] =	ssyncadd.s32 $0xFFFFFD80  }
0xf7: {  	[tilespmem:s5], [sflag:$0x1] =	stream.linear.gather [spmem:s4], $0x80, $0x38;
	[tilespmem:$0xC980] =	vst v63  }
0xf8: {  	s7 =	simm.s32 $0x9100  }
0xf9: {  	[tilespmem:s7], [sflag:$0x1] =	stream.linear.gather [spmem:s14], $0x80, $0x38;
	[tilespmem:$0xC980] =	vst v63  }
0xfa: {  	s8 =	simm.s32 $0x9500  }
0xfb: {  	[tilespmem:s8], [sflag:$0x1] =	stream.linear.gather [spmem:s15], $0x80, $0x38;
	[tilespmem:$0xC980] =	vst v63  }
0xfc: {  	s4 =	simm.s32 $0x9900  }
0xfd: {  	[tilespmem:s4], [sflag:$0x1] =	stream.linear.gather [spmem:s16], $0x80, $0x38;
	[tilespmem:$0xC980] =	vst v63  }
0xfe: {  	s5 =	simm.s32 $0x9D00  }
0xff: {  	[tilespmem:s5], [sflag:$0x1] =	stream.linear.gather [spmem:s17], $0x80, $0x38;
	[tilespmem:$0xC980] =	vst v63  }
0x100: {  	_ =	swait.ge [sflag:s31], $0x280  }
0x101: {  	[sflag:s31] =	ssyncset.done $0x0  }
0x102: {  	s8 =	simm.s32 $0x8D80;
	s7 =	rddreg [dreg:$0x12];
	[sflag:s31] =	ssyncadd.s32 $0xFFFFFD80  }
0x103: {  	[tilespmem:s8], [sflag:$0x1] =	stream.linear.gather [spmem:s7], $0x80, $0x38;
	[tilespmem:$0xC980] =	vst v63  }
0x104: {  	s4 =	simm.s32 $0x9180  }
0x105: {  	[tilespmem:s4], [sflag:$0x1] =	stream.linear.gather [spmem:s18], $0x80, $0x38;
	[tilespmem:$0xC980] =	vst v63  }
0x106: {  	s5 =	simm.s32 $0x9580  }
0x107: {  	[tilespmem:s5], [sflag:$0x1] =	stream.linear.gather [spmem:s19], $0x80, $0x38;
	[tilespmem:$0xC980] =	vst v63  }
0x108: {  	s7 =	simm.s32 $0x9980  }
0x109: {  	[tilespmem:s7], [sflag:$0x1] =	stream.linear.gather [spmem:s20], $0x80, $0x38;
	[tilespmem:$0xC980] =	vst v63  }
0x10a: {  	s8 =	simm.s32 $0x9D80  }
0x10b: {  	[tilespmem:s8], [sflag:$0x1] =	stream.linear.gather [spmem:s21], $0x80, $0x38;
	[tilespmem:$0xC980] =	vst v63  }
0x10c: {  	_ =	swait.ge [sflag:s31], $0x280  }
0x10d: {  	[sflag:s31] =	ssyncset.done $0x0  }
0x10e: {  	s5 =	simm.s32 $0x8E00;
	s4 =	rddreg [dreg:$0x13];
	[sflag:s31] =	ssyncadd.s32 $0xFFFFFD80  }
0x10f: {  	[tilespmem:s5], [sflag:$0x1] =	stream.linear.gather [spmem:s4], $0x80, $0x38;
	[tilespmem:$0xC980] =	vst v63  }
0x110: {  	s7 =	simm.s32 $0x9200  }
0x111: {  	[tilespmem:s7], [sflag:$0x1] =	stream.linear.gather [spmem:s22], $0x80, $0x38;
	[tilespmem:$0xC980] =	vst v63  }
0x112: {  	s8 =	simm.s32 $0x9600  }
0x113: {  	[tilespmem:s8], [sflag:$0x1] =	stream.linear.gather [spmem:s23], $0x80, $0x38;
	[tilespmem:$0xC980] =	vst v63  }
0x114: {  	s4 =	simm.s32 $0x9A00  }
0x115: {  	[tilespmem:s4], [sflag:$0x1] =	stream.linear.gather [spmem:s24], $0x80, $0x38;
	[tilespmem:$0xC980] =	vst v63  }
0x116: {  	s5 =	simm.s32 $0x9E00  }
0x117: {  	[tilespmem:s5], [sflag:$0x1] =	stream.linear.gather [spmem:s25], $0x80, $0x38;
	[tilespmem:$0xC980] =	vst v63  }
0x118: {  	_ =	swait.ge [sflag:s31], $0x280  }
0x119: {  	[sflag:s31] =	ssyncset.done $0x0  }
0x11a: {  	s8 =	simm.s32 $0x8E80;
	s7 =	rddreg [dreg:$0x14];
	[sflag:s31] =	ssyncadd.s32 $0xFFFFFD80  }
0x11b: {  	[tilespmem:s8], [sflag:$0x1] =	stream.linear.gather [spmem:s7], $0x80, $0x38;
	[tilespmem:$0xC980] =	vst v63  }
0x11c: {  	s5 =	simm.s32 $0x9280  }
0x11d: {  	[tilespmem:s5], [sflag:$0x1] =	stream.linear.gather [spmem:s26], $0x80, $0x38;
	[tilespmem:$0xC980] =	vst v63  }
0x11e: {  	s7 =	simm.s32 $0x9680  }
0x11f: {  	[tilespmem:s7], [sflag:$0x1] =	stream.linear.gather [spmem:s28], $0x80, $0x38;
	[tilespmem:$0xC980] =	vst v63  }
0x120: {  	s8 =	simm.s32 $0x9A80  }
0x121: {  	[tilespmem:s8], [sflag:$0x1] =	stream.linear.gather [spmem:s29], $0x80, $0x38;
	[tilespmem:$0xC980] =	vst v63  }
0x122: {  	s4 =	simm.s32 $0x9E80  }
0x123: {  	[tilespmem:s4], [sflag:$0x1] =	stream.linear.gather [spmem:s30], $0x80, $0x38;
	[tilespmem:$0xC980] =	vst v63  }
0x124: {  	s5 =	simm.s32 $0x0;
	_ =	swait.ge [sflag:s31], $0x280  }
0x125: {  	s3 =	sand.u32 $0x1C00, s5;
	s7 =	sand.u32 $0x70, s5;
	[sflag:s31] =	ssyncset.done $0x0  }
0x126: {  	s3 =	sor.u32 s7, s3;
	[sflag:s31] =	ssyncadd.s32 $0xFFFFFD80  }
0x127: {  	v1 =	vld [tilespmem:s3+$0x7780]  }
0x128: {  	v2 =	vld [tilespmem:s3+$0x7700];
	_ =	sdelay $0x1  }
0x129: {  	v3 =	vld [tilespmem:s3+$0x7800];
	_ =	sdelay $0x1  }
0x12a: {  	v4 =	vld [tilespmem:s3+$0x7880]  }
0x12b: {  	v1 =	vadd.f32 v1, v2  }
0x12c: {  	v2 =	vld [tilespmem:s3+$0x7900]  }
0x12d: {  	v1 =	vadd.f32 v3, v1  }
0x12e: {  	v3 =	vld [tilespmem:s3+$0x7980]  }
0x12f: {  	v1 =	vadd.f32 v4, v1  }
0x130: {  	v60 =	vld [tilespmem:s3+$0x7A00]  }
0x131: {  	v1 =	vadd.f32 v2, v1  }
0x132: {  	v2 =	vld [tilespmem:s3+$0x7A80]  }
0x133: {  	v1 =	vadd.f32 v3, v1  }
0x134: {  	v3 =	vld [tilespmem:s3+$0x8B00]  }
0x135: {  	v1 =	vadd.f32 v60, v1  }
0x136: {  	v61 =	vld [tilespmem:s3+$0x8B80]  }
0x137: {  	v1 =	vadd.f32 v2, v1  }
0x138: {  	v2 =	vld [tilespmem:s3+$0x8C00]  }
0x139: {  	v1 =	vadd.f32 v3, v1  }
0x13a: {  	v3 =	vld [tilespmem:s3+$0x8C80]  }
0x13b: {  	v1 =	vadd.f32 v61, v1  }
0x13c: {  	v62 =	vld [tilespmem:s3+$0x8D00]  }
0x13d: {  	v1 =	vadd.f32 v2, v1  }
0x13e: {  	v2 =	vld [tilespmem:s3+$0x8D80]  }
0x13f: {  	v1 =	vadd.f32 v3, v1  }
0x140: {  	v3 =	vld [tilespmem:s3+$0x8E00]  }
0x141: {  	v1 =	vadd.f32 v62, v1  }
0x142: {  	v63 =	vld [tilespmem:s3+$0x8E80]  }
0x143: {  	v1 =	vadd.f32 v2, v1;
	_ =	sdelay $0x1  }
0x144: {  	v1 =	vadd.f32 v3, v1;
	_ =	sdelay $0x1  }
0x145: {  	s5 =	simm.s32 $0x80;
	s8 =	simm.s32 $0x10;
	v1 =	vadd.f32 v63, v1  }
0x146: {  	s7 =	sand.u32 $0x1C00, s5;
	s4 =	sand.u32 $0x70, s8;
	s3 =	simm.s32 $0x9F00  }
0x147: {  	s4 =	sor.u32 s4, s7;
	s7 =	simm.s32 $0x20;
	[tilespmem:s3+$0x0] =	vst v1  }
.LBB2_6:
0x148: {  	p0 =	sne.s32 s7, $0x270;
	v1 =	vld [tilespmem:s4+$0x7780]  }
0x149: {  	v2 =	vld [tilespmem:s4+$0x7700];
	_ =	sdelay $0x1  }
0x14a: {  	v3 =	vld [tilespmem:s4+$0x7800];
	_ =	sdelay $0x1  }
0x14b: {  	v4 =	vld [tilespmem:s4+$0x7880]  }
0x14c: {  	v1 =	vadd.f32 v1, v2  }
0x14d: {  	v2 =	vld [tilespmem:s4+$0x7900]  }
0x14e: {  	v1 =	vadd.f32 v3, v1  }
0x14f: {  	v3 =	vld [tilespmem:s4+$0x7980]  }
0x150: {  	v1 =	vadd.f32 v4, v1  }
0x151: {  	v4 =	vld [tilespmem:s4+$0x7A00]  }
0x152: {  	v1 =	vadd.f32 v2, v1  }
0x153: {  	v2 =	vld [tilespmem:s4+$0x7A80]  }
0x154: {  	v1 =	vadd.f32 v3, v1  }
0x155: {  	v3 =	vld [tilespmem:s4+$0x8B00]  }
0x156: {  	v1 =	vadd.f32 v4, v1  }
0x157: {  	v4 =	vld [tilespmem:s4+$0x8B80]  }
0x158: {  	v1 =	vadd.f32 v2, v1  }
0x159: {  	v2 =	vld [tilespmem:s4+$0x8C00]  }
0x15a: {  	v1 =	vadd.f32 v3, v1  }
0x15b: {  	v3 =	vld [tilespmem:s4+$0x8C80]  }
0x15c: {  	v1 =	vadd.f32 v4, v1  }
0x15d: {  	v4 =	vld [tilespmem:s4+$0x8D00]  }
0x15e: {  	v1 =	vadd.f32 v2, v1  }
0x15f: {  	v2 =	vld [tilespmem:s4+$0x8D80]  }
0x160: {  	v1 =	vadd.f32 v3, v1  }
0x161: {  	v3 =	vld [tilespmem:s4+$0x8E00]  }
0x162: {  	v1 =	vadd.f32 v4, v1  }
0x163: {  	v4 =	vld [tilespmem:s4+$0x8E80]  }
0x164: {  	v1 =	vadd.f32 v2, v1;
	_ =	sdelay $0x1  }
.Ltmp2:
0x165: {  	v1 =	vadd.f32 v3, v1;
	(pc) =	sbr.rel @p0 .LBB2_6-.Ltmp2, $4  }
0x166: {  	_ = 	snop  }
0x167: {  	s5 =	sadd.s32 $0x80, s5;
	v1 =	vadd.f32 v4, v1  }
0x168: {  	s3 =	sadd.s32 $0x10, s3;
	s8 =	sand.u32 $0x1C00, s5;
	s4 =	sand.u32 $0x70, s7  }
0x169: {  	s7 =	sadd.s32 $0x10, s7;
	s4 =	sor.u32 s4, s8;
	[tilespmem:s3+$0x0] =	vst v1  }
0x16a: {  	v1 =	vld [tilespmem:s4+$0x7780]  }
0x16b: {  	v2 =	vld [tilespmem:s4+$0x7700];
	_ =	sdelay $0x1  }
0x16c: {  	v3 =	vld [tilespmem:s4+$0x7800];
	_ =	sdelay $0x1  }
0x16d: {  	v4 =	vld [tilespmem:s4+$0x7880]  }
0x16e: {  	v1 =	vadd.f32 v1, v2  }
0x16f: {  	v2 =	vld [tilespmem:s4+$0x7900]  }
0x170: {  	v1 =	vadd.f32 v3, v1  }
0x171: {  	v3 =	vld [tilespmem:s4+$0x7980]  }
0x172: {  	v1 =	vadd.f32 v4, v1  }
0x173: {  	v60 =	vld [tilespmem:s4+$0x7A00]  }
0x174: {  	v1 =	vadd.f32 v2, v1  }
0x175: {  	v2 =	vld [tilespmem:s4+$0x7A80]  }
0x176: {  	v1 =	vadd.f32 v3, v1  }
0x177: {  	v3 =	vld [tilespmem:s4+$0x8B00]  }
0x178: {  	v1 =	vadd.f32 v60, v1  }
0x179: {  	v61 =	vld [tilespmem:s4+$0x8B80]  }
0x17a: {  	v1 =	vadd.f32 v2, v1  }
0x17b: {  	v2 =	vld [tilespmem:s4+$0x8C00]  }
0x17c: {  	v1 =	vadd.f32 v3, v1  }
0x17d: {  	v3 =	vld [tilespmem:s4+$0x8C80]  }
0x17e: {  	v1 =	vadd.f32 v61, v1  }
0x17f: {  	v62 =	vld [tilespmem:s4+$0x8D00]  }
0x180: {  	v1 =	vadd.f32 v2, v1  }
0x181: {  	v2 =	vld [tilespmem:s4+$0x8D80]  }
0x182: {  	v1 =	vadd.f32 v3, v1  }
0x183: {  	v3 =	vld [tilespmem:s4+$0x8E00]  }
0x184: {  	v1 =	vadd.f32 v62, v1  }
0x185: {  	v63 =	vld [tilespmem:s4+$0x8E80]  }
0x186: {  	v1 =	vadd.f32 v2, v1;
	_ =	sdelay $0x1  }
0x187: {  	v1 =	vadd.f32 v3, v1;
	_ =	sdelay $0x1  }
0x188: {  	v1 =	vadd.f32 v63, v1  }
0x189: {  	s3 =	sadd.s32 $0x10, s3  }
0x18a: {  	s7 =	simm.s32 $0x100;
	s5 =	simm.s32 $0x9F00;
	s4 =	rddreg [dreg:$0x15];
	[tilespmem:s3+$0x0] =	vst v1  }
0x18b: {  	[hbm4b:s4+s0] =	stream.strided.scatter [tilespmem:s5], [sflag:$0x1], $0x280, s7, s0, $0x38;
	[tilespmem:$0xC980] =	vst v63  }
0x18c: {  	_ =	swait.ge [sflag:s31], $0x280  }
0x18d: {  	s2 =	sadd.s32 $0x1, s2;
	s8 =	rddreg [dreg:$0x16]  }
0x18e: {  	p0 =	sne.s32 s2, s8  }
.Ltmp3:
0x18f: {  	_ = 	snop;
	(pc) =	sbr.rel @p0 .LBB2_1-.Ltmp3, $3  }
0x190: {  	_ =	sdelay $0x1  }
0x191: {  	[sflag:s31] =	ssyncset.done $0x0  }
0x192: {  	[sflag:s31] =	ssyncadd.s32 $0xFFFFFD80  }
0x193: {  	_ =	sfence.sel $0x180000  }
0x194: {  	[bflag:$0x0] =	sbarrier.arrive $0xFFFF  }
0x195: {  	_ =	strace $0x90000047  }
0x196: {  	s0 =	stileid.u32;
	[bflag:$0x2] =	sbarrier.arrive $0xFFFF  }
0x197: {  	p0 =	sne.s32 s0, $0x0;
	s0 =	rddreg [dreg:$0x2]  }
0x198: {  	s0 =	sadd.s32 @!p0 $0x100000, s0  }
0x199: {  	[sflag:s0] =	ssyncadd.tile.s32 @!p0 $0x1;
	_ =	shalt  }
.Lfunc_end2:
_tile_overlayer_lowered:
.L_overlay_start_2:
0x19a: {  	(tag) =	ssettag $0x2  }
0x19b: {  	s0 =	rddreg [dreg:$0x0];
	s2 =	stileid.u32  }
0x19c: {  	s1 =	rddreg [dreg:$0x1];
	p0 =	sne.s32 s2, $0x0  }
0x19d: {  	s3 =	rddreg [dreg:$0x2];
	[bflag:$0x3] =	sbarrier.arrive $0xFFFF;
	s2 =	simm.s32 @!p0 $0x1C01  }
0x19e: {  	[timem:s3], [sflag:s2] =	dma.local @!p0 [hbm:s0], s1  }
0x19f: {  	s0 =	simm.s32 @!p0 $0x1  }
0x1a0: {  	_ =	swait.ge @!p0 [sflag:s0], s1  }
0x1a1: {  	s1 =	ssub.s32 @!p0 $0x0, s1;
	[sflag:s0] =	ssyncset.done @!p0 $0x0  }
0x1a2: {  	[sflag:s0] =	ssyncadd.s32 @!p0 s1  }
0x1a3: {  	[bflag:$0x3] =	sbarrier.arrive $0xFFFF  }
0x1a4: {  	_ =	shalt  }

</sc_bundles>
